<compile_context>
chip_gen: v7x
topology: tpu7x:2x2x1
jax: 0.10.2.dev20260603
libtpu: 0.0.44.dev20260713+nightly
codegen_flags: <defaults>
</compile_context>

<pallas_src>
import functools

import jax
import jax.numpy as jnp
import numpy as np
from jax import lax
from jax.experimental import pallas as pl
from jax.experimental.pallas import tpu as pltpu
from jax.experimental.pallas import tpu_sc as plsc

D_MODEL = 768
VOCAB = 100000
BATCH = 4
SEQ = 8192
N_TOK = BATCH * SEQ
SCALE = float(np.sqrt(np.float32(D_MODEL)))
LANES = 16


def _sinusoidal_pe_np(max_len, d_model):
    pos = np.arange(max_len, dtype=np.float32)[:, None]
    div = np.exp(
        np.arange(0, d_model, 2, dtype=np.float32) * (-np.log(10000.0) / d_model)
    )
    pe = np.zeros((max_len, d_model), dtype=np.float32)
    pe[:, 0::2] = np.sin(pos * div)
    pe[:, 1::2] = np.cos(pos * div)
    return pe


_PE_NP = _sinusoidal_pe_np(SEQ, D_MODEL)
def _pack_pe_bf16_words(pe):
    bits = pe.reshape(SEQ, D_MODEL // 32, 2, 16).astype(jnp.bfloat16)
    bits = np.asarray(bits).view(np.uint16).astype(np.uint32)
    words = bits[:, :, 0, :] | (bits[:, :, 1, :] << 16)
    return words.reshape(SEQ, D_MODEL // 2).view(np.int32)


_PE_PACKED_NP = _pack_pe_bf16_words(_PE_NP)
D_HALF = D_MODEL // 2

_NC = 2
_NS = 16
NW = _NC * _NS
POS_W = SEQ // NW
CP = 16
NPC = POS_W // CP
NBUF = 8


def _emb_body(table_hbm, idx_hbm, pe_hbm, out_hbm,
              idx_v, rows_v, pe_v,
              gsem0, gsem1, gsem2, gsem3, gsem4, gsem5, gsem6, gsem7,
              osem0, osem1, osem2, osem3, osem4, osem5, osem6, osem7,
              psem0, psem1):
    gsems = (gsem0, gsem1, gsem2, gsem3, gsem4, gsem5, gsem6, gsem7)
    osems = (osem0, osem1, osem2, osem3, osem4, osem5, osem6, osem7)
    psems = (psem0, psem1)
    wid = lax.axis_index("s") * _NC + lax.axis_index("c")
    pos0 = wid * POS_W

    for b in range(BATCH):
        pltpu.sync_copy(idx_hbm.at[pl.ds(b * SEQ + pos0, POS_W)],
                        idx_v.at[pl.ds(b * POS_W, POS_W)])

    def _gather(pc, b, buf):
        idx_sl = idx_v.at[pl.ds(b * POS_W + pc * CP, CP)]
        return pltpu.make_async_copy(table_hbm.at[idx_sl], rows_v.at[buf],
                                     gsems[buf])

    def _pe_load(pc, h):
        return pltpu.make_async_copy(
            pe_hbm.at[pl.ds(pos0 + pc * CP, CP)], pe_v.at[h], psems[h])

    def _out_write(pc, b, buf):
        return pltpu.make_async_copy(
            rows_v.at[buf], out_hbm.at[pl.ds(b * SEQ + pos0 + pc * CP, CP)],
            osems[buf])

    _pe_load(0, 0).start()
    _pe_load(1, 1).start()
    for b in range(BATCH):
        _gather(0, b, b).start()

    def outer(g, carry):
        for h in range(2):
            pc = 2 * g + h
            _pe_load(pc, h).wait()
            for b in range(BATCH):
                buf = 4 * h + b
                nb = 4 * (1 - h) + b
                @pl.when(pc > 0)
                def _drain():
                    _out_write(pc, b, nb).wait()

                @pl.when(pc < NPC - 1)
                def _issue():
                    _gather(pc + 1, b, nb).start()

                _gather(pc, b, buf).wait()

                def row_body(i, c2):
                    @plsc.parallel_loop(0, D_HALF, LANES, unroll=4)
                    def col_body(g):
                        w = pe_v[h, i, pl.ds(g, LANES)]
                        p0 = lax.bitcast_convert_type(
                            jnp.left_shift(w, 16), jnp.float32)
                        p1 = lax.bitcast_convert_type(
                            w & jnp.int32(-65536), jnp.float32)
                        o = pl.multiple_of(2 * g, 2 * LANES)
                        sl0 = pl.ds(o, LANES)
                        sl1 = pl.ds(o + LANES, LANES)
                        rows_v[buf, i, sl0] = rows_v[buf, i, sl0] * SCALE + p0
                        rows_v[buf, i, sl1] = rows_v[buf, i, sl1] * SCALE + p1
                    return c2

                lax.fori_loop(0, CP, row_body, 0)
                _out_write(pc, b, buf).start()
            @pl.when(pc < NPC - 2)
            def _pe_next():
                _pe_load(pc + 2, h).start()
        return carry

    lax.fori_loop(0, NPC // 2, outer, 0)
    for b in range(BATCH):
        _out_write(NPC - 1, b, 4 + b).wait()


_mesh = plsc.VectorSubcoreMesh(core_axis_name="c", subcore_axis_name="s")

_emb_call = functools.partial(
    pl.kernel,
    out_type=jax.ShapeDtypeStruct((N_TOK, D_MODEL), jnp.float32),
    mesh=_mesh,
    scratch_types=[
        pltpu.VMEM((BATCH * POS_W,), jnp.int32),
        pltpu.VMEM((NBUF, CP, D_MODEL), jnp.float32),
        pltpu.VMEM((2, CP, D_HALF), jnp.int32),
    ] + [pltpu.SemaphoreType.DMA] * 18,
)(_emb_body)


def kernel(x, table):
    idx = x.reshape(-1).astype(jnp.int32)
    pe = jnp.asarray(_PE_PACKED_NP)
    out = _emb_call(table, idx, pe)
    return out.reshape(BATCH, SEQ, D_MODEL)

# --- scband reference (transcript-rebuilt; emitter-appended) ---
"""Pipeline reference for scband-transformer-embedding-1391569404441 (READ-ONLY COPY).

The authoritative reference and input builder live on the scoring server;
editing this copy changes nothing except your own understanding.
"""

import jax, jax.numpy as jnp
import numpy as np

D_MODEL = 768
VOCAB = 100000
BATCH = 4
SEQ = 8192


def _sinusoidal_pe(max_len, d_model):
    pos = np.arange(max_len, dtype=np.float32)[:, None]
    div = np.exp(np.arange(0, d_model, 2, dtype=np.float32) * (-np.log(10000.0) / d_model))
    pe = np.zeros((max_len, d_model), dtype=np.float32)
    pe[:, 0::2] = np.sin(pos * div)
    pe[:, 1::2] = np.cos(pos * div)
    return jnp.asarray(pe)


def setup_inputs(seed: int = 0) -> dict:
    key = jax.random.key(seed)
    k1, k2 = jax.random.split(key)
    x = jax.random.randint(k1, (BATCH, SEQ), 0, VOCAB, dtype=jnp.int32)
    table = jax.random.normal(k2, (VOCAB, D_MODEL), dtype=jnp.float32)
    return {"x": x, "table": table}


def reference(x, table):
    # EmbeddingsHubin: lookup * sqrt(d_model)
    tok_emb = jnp.take(table, x, axis=0) * jnp.sqrt(jnp.float32(D_MODEL))
    # PositionalEncodingHubin: add sinusoidal PE (dropout is identity in eval)
    pe = _sinusoidal_pe(x.shape[1], D_MODEL)
    return tok_emb + pe[None, :, :]

if __name__ == "__main__":
    import jax
    _d = setup_inputs()
    print(jax.jit(kernel)(*tuple(_d.values())))

</pallas_src>

<mosaic_0001>
#map = affine_map<(d0, d1) -> (0, 0)>
#map1 = affine_map<(d0, d1) -> (0)>
module attributes {stable_mosaic.version = 14 : i64} {
  func.func @_emb_body(%arg0: i32, %arg1: i32, %arg2: memref<100000x768xf32, #tpu.memory_space<hbm>>, %arg3: memref<32768xi32, #tpu.memory_space<hbm>>, %arg4: memref<8192x384xi32, #tpu.memory_space<hbm>>, %arg5: memref<32768x768xf32, #tpu.memory_space<hbm>>, %arg6: memref<1024xi32, #tpu.memory_space<vmem>>, %arg7: memref<8x16x768xf32, #tpu.memory_space<vmem>>, %arg8: memref<2x16x384xi32, #tpu.memory_space<vmem>>, %arg9: memref<!tpu.dma_semaphore, #tpu.memory_space<semaphore_mem>>, %arg10: memref<!tpu.dma_semaphore, #tpu.memory_space<semaphore_mem>>, %arg11: memref<!tpu.dma_semaphore, #tpu.memory_space<semaphore_mem>>, %arg12: memref<!tpu.dma_semaphore, #tpu.memory_space<semaphore_mem>>, %arg13: memref<!tpu.dma_semaphore, #tpu.memory_space<semaphore_mem>>, %arg14: memref<!tpu.dma_semaphore, #tpu.memory_space<semaphore_mem>>, %arg15: memref<!tpu.dma_semaphore, #tpu.memory_space<semaphore_mem>>, %arg16: memref<!tpu.dma_semaphore, #tpu.memory_space<semaphore_mem>>, %arg17: memref<!tpu.dma_semaphore, #tpu.memory_space<semaphore_mem>>, %arg18: memref<!tpu.dma_semaphore, #tpu.memory_space<semaphore_mem>>, %arg19: memref<!tpu.dma_semaphore, #tpu.memory_space<semaphore_mem>>, %arg20: memref<!tpu.dma_semaphore, #tpu.memory_space<semaphore_mem>>, %arg21: memref<!tpu.dma_semaphore, #tpu.memory_space<semaphore_mem>>, %arg22: memref<!tpu.dma_semaphore, #tpu.memory_space<semaphore_mem>>, %arg23: memref<!tpu.dma_semaphore, #tpu.memory_space<semaphore_mem>>, %arg24: memref<!tpu.dma_semaphore, #tpu.memory_space<semaphore_mem>>, %arg25: memref<!tpu.dma_semaphore, #tpu.memory_space<semaphore_mem>>, %arg26: memref<!tpu.dma_semaphore, #tpu.memory_space<semaphore_mem>>) attributes {dimension_semantics = [#tpu.dimension_semantics<core_parallel>, #tpu.dimension_semantics<subcore_parallel>], iteration_bounds = array<i64: 2, 16>, scalar_prefetch = 0 : i64, scratch_operands = 21 : i64, tpu.core_type = #tpu.core_type<sc_vector_subcore>, window_params = [{transform_indices = #map}, {transform_indices = #map1}, {transform_indices = #map}, {transform_indices = #map}]} {
    %mul3A = arith.constant 2 : i32
    %mul3A_0 = arith.muli %arg1, %mul3A : i32
    %add3A = arith.addi %mul3A_0, %arg0 : i32
    %mul3A_1 = arith.constant 256 : i32
    %mul3A_2 = arith.muli %add3A, %mul3A_1 : i32
    %add3A_3 = arith.constant 0 : i32
    %add3A_4 = arith.addi %add3A_3, %mul3A_2 : i32
    "tpu.region"() ({
      %run_scoped3A = tpu.sem_alloc : memref<!tpu.dma_semaphore, #tpu.memory_space<semaphore_mem>>
      %dma_start3A_152 = arith.constant 0 : i32
      %dma_start3A_153 = tpu.memref_slice %arg6[%dma_start3A_152] : memref<1024xi32, #tpu.memory_space<vmem>> -> memref<256xi32, #tpu.memory_space<vmem>>
      %dma_start3A_154 = tpu.memref_slice %arg3[%add3A_4] : memref<32768xi32, #tpu.memory_space<hbm>> -> memref<256xi32, #tpu.memory_space<hbm>>
      %dma_start3A_155 = arith.constant 0 : i32
      %dma_start3A_156 = tpu.memref_slice %arg6[%dma_start3A_155] : memref<1024xi32, #tpu.memory_space<vmem>> -> memref<256xi32, #tpu.memory_space<vmem>>
      %dma_start3A_157 = tpu.memref_slice %arg3[%add3A_4] : memref<32768xi32, #tpu.memory_space<hbm>> -> memref<256xi32, #tpu.memory_space<hbm>>
      tpu.enqueue_dma source(%dma_start3A_157 : memref<256xi32, #tpu.memory_space<hbm>>) target(%dma_start3A_156 : memref<256xi32, #tpu.memory_space<vmem>>) target_semaphore(%run_scoped3A : memref<!tpu.dma_semaphore, #tpu.memory_space<semaphore_mem>>)
      %dma_wait3A_158 = arith.constant 0 : i32
      %dma_wait3A_159 = tpu.memref_slice %arg6[%dma_wait3A_158] : memref<1024xi32, #tpu.memory_space<vmem>> -> memref<256xi32, #tpu.memory_space<vmem>>
      %dma_wait3A_160 = tpu.memref_slice %arg3[%add3A_4] : memref<32768xi32, #tpu.memory_space<hbm>> -> memref<256xi32, #tpu.memory_space<hbm>>
      %dma_wait3A_161 = arith.constant 0 : i32
      %dma_wait3A_162 = tpu.memref_slice %arg6[%dma_wait3A_161] : memref<1024xi32, #tpu.memory_space<vmem>> -> memref<256xi32, #tpu.memory_space<vmem>>
      %dma_wait3A_163 = tpu.memref_slice %arg3[%add3A_4] : memref<32768xi32, #tpu.memory_space<hbm>> -> memref<256xi32, #tpu.memory_space<hbm>>
      tpu.wait_dma2 semaphore(%run_scoped3A : memref<!tpu.dma_semaphore, #tpu.memory_space<semaphore_mem>>) src(%dma_wait3A_163 : memref<256xi32, #tpu.memory_space<hbm>>) dst(%dma_wait3A_162 : memref<256xi32, #tpu.memory_space<vmem>>)
      tpu.yield
    }) : () -> ()
    %add3A_5 = arith.constant 8192 : i32
    %add3A_6 = arith.addi %add3A_5, %mul3A_2 : i32
    "tpu.region"() ({
      %run_scoped3A = tpu.sem_alloc : memref<!tpu.dma_semaphore, #tpu.memory_space<semaphore_mem>>
      %dma_start3A_152 = arith.constant 256 : i32
      %dma_start3A_153 = tpu.memref_slice %arg6[%dma_start3A_152] : memref<1024xi32, #tpu.memory_space<vmem>> -> memref<256xi32, #tpu.memory_space<vmem>>
      %dma_start3A_154 = tpu.memref_slice %arg3[%add3A_6] : memref<32768xi32, #tpu.memory_space<hbm>> -> memref<256xi32, #tpu.memory_space<hbm>>
      %dma_start3A_155 = arith.constant 256 : i32
      %dma_start3A_156 = tpu.memref_slice %arg6[%dma_start3A_155] : memref<1024xi32, #tpu.memory_space<vmem>> -> memref<256xi32, #tpu.memory_space<vmem>>
      %dma_start3A_157 = tpu.memref_slice %arg3[%add3A_6] : memref<32768xi32, #tpu.memory_space<hbm>> -> memref<256xi32, #tpu.memory_space<hbm>>
      tpu.enqueue_dma source(%dma_start3A_157 : memref<256xi32, #tpu.memory_space<hbm>>) target(%dma_start3A_156 : memref<256xi32, #tpu.memory_space<vmem>>) target_semaphore(%run_scoped3A : memref<!tpu.dma_semaphore, #tpu.memory_space<semaphore_mem>>)
      %dma_wait3A_158 = arith.constant 256 : i32
      %dma_wait3A_159 = tpu.memref_slice %arg6[%dma_wait3A_158] : memref<1024xi32, #tpu.memory_space<vmem>> -> memref<256xi32, #tpu.memory_space<vmem>>
      %dma_wait3A_160 = tpu.memref_slice %arg3[%add3A_6] : memref<32768xi32, #tpu.memory_space<hbm>> -> memref<256xi32, #tpu.memory_space<hbm>>
      %dma_wait3A_161 = arith.constant 256 : i32
      %dma_wait3A_162 = tpu.memref_slice %arg6[%dma_wait3A_161] : memref<1024xi32, #tpu.memory_space<vmem>> -> memref<256xi32, #tpu.memory_space<vmem>>
      %dma_wait3A_163 = tpu.memref_slice %arg3[%add3A_6] : memref<32768xi32, #tpu.memory_space<hbm>> -> memref<256xi32, #tpu.memory_space<hbm>>
      tpu.wait_dma2 semaphore(%run_scoped3A : memref<!tpu.dma_semaphore, #tpu.memory_space<semaphore_mem>>) src(%dma_wait3A_163 : memref<256xi32, #tpu.memory_space<hbm>>) dst(%dma_wait3A_162 : memref<256xi32, #tpu.memory_space<vmem>>)
      tpu.yield
    }) : () -> ()
    %add3A_7 = arith.constant 16384 : i32
    %add3A_8 = arith.addi %add3A_7, %mul3A_2 : i32
    "tpu.region"() ({
      %run_scoped3A = tpu.sem_alloc : memref<!tpu.dma_semaphore, #tpu.memory_space<semaphore_mem>>
      %dma_start3A_152 = arith.constant 512 : i32
      %dma_start3A_153 = tpu.memref_slice %arg6[%dma_start3A_152] : memref<1024xi32, #tpu.memory_space<vmem>> -> memref<256xi32, #tpu.memory_space<vmem>>
      %dma_start3A_154 = tpu.memref_slice %arg3[%add3A_8] : memref<32768xi32, #tpu.memory_space<hbm>> -> memref<256xi32, #tpu.memory_space<hbm>>
      %dma_start3A_155 = arith.constant 512 : i32
      %dma_start3A_156 = tpu.memref_slice %arg6[%dma_start3A_155] : memref<1024xi32, #tpu.memory_space<vmem>> -> memref<256xi32, #tpu.memory_space<vmem>>
      %dma_start3A_157 = tpu.memref_slice %arg3[%add3A_8] : memref<32768xi32, #tpu.memory_space<hbm>> -> memref<256xi32, #tpu.memory_space<hbm>>
      tpu.enqueue_dma source(%dma_start3A_157 : memref<256xi32, #tpu.memory_space<hbm>>) target(%dma_start3A_156 : memref<256xi32, #tpu.memory_space<vmem>>) target_semaphore(%run_scoped3A : memref<!tpu.dma_semaphore, #tpu.memory_space<semaphore_mem>>)
      %dma_wait3A_158 = arith.constant 512 : i32
      %dma_wait3A_159 = tpu.memref_slice %arg6[%dma_wait3A_158] : memref<1024xi32, #tpu.memory_space<vmem>> -> memref<256xi32, #tpu.memory_space<vmem>>
      %dma_wait3A_160 = tpu.memref_slice %arg3[%add3A_8] : memref<32768xi32, #tpu.memory_space<hbm>> -> memref<256xi32, #tpu.memory_space<hbm>>
      %dma_wait3A_161 = arith.constant 512 : i32
      %dma_wait3A_162 = tpu.memref_slice %arg6[%dma_wait3A_161] : memref<1024xi32, #tpu.memory_space<vmem>> -> memref<256xi32, #tpu.memory_space<vmem>>
      %dma_wait3A_163 = tpu.memref_slice %arg3[%add3A_8] : memref<32768xi32, #tpu.memory_space<hbm>> -> memref<256xi32, #tpu.memory_space<hbm>>
      tpu.wait_dma2 semaphore(%run_scoped3A : memref<!tpu.dma_semaphore, #tpu.memory_space<semaphore_mem>>) src(%dma_wait3A_163 : memref<256xi32, #tpu.memory_space<hbm>>) dst(%dma_wait3A_162 : memref<256xi32, #tpu.memory_space<vmem>>)
      tpu.yield
    }) : () -> ()
    %add3A_9 = arith.constant 24576 : i32
    %add3A_10 = arith.addi %add3A_9, %mul3A_2 : i32
    "tpu.region"() ({
      %run_scoped3A = tpu.sem_alloc : memref<!tpu.dma_semaphore, #tpu.memory_space<semaphore_mem>>
      %dma_start3A_152 = arith.constant 768 : i32
      %dma_start3A_153 = tpu.memref_slice %arg6[%dma_start3A_152] : memref<1024xi32, #tpu.memory_space<vmem>> -> memref<256xi32, #tpu.memory_space<vmem>>
      %dma_start3A_154 = tpu.memref_slice %arg3[%add3A_10] : memref<32768xi32, #tpu.memory_space<hbm>> -> memref<256xi32, #tpu.memory_space<hbm>>
      %dma_start3A_155 = arith.constant 768 : i32
      %dma_start3A_156 = tpu.memref_slice %arg6[%dma_start3A_155] : memref<1024xi32, #tpu.memory_space<vmem>> -> memref<256xi32, #tpu.memory_space<vmem>>
      %dma_start3A_157 = tpu.memref_slice %arg3[%add3A_10] : memref<32768xi32, #tpu.memory_space<hbm>> -> memref<256xi32, #tpu.memory_space<hbm>>
      tpu.enqueue_dma source(%dma_start3A_157 : memref<256xi32, #tpu.memory_space<hbm>>) target(%dma_start3A_156 : memref<256xi32, #tpu.memory_space<vmem>>) target_semaphore(%run_scoped3A : memref<!tpu.dma_semaphore, #tpu.memory_space<semaphore_mem>>)
      %dma_wait3A_158 = arith.constant 768 : i32
      %dma_wait3A_159 = tpu.memref_slice %arg6[%dma_wait3A_158] : memref<1024xi32, #tpu.memory_space<vmem>> -> memref<256xi32, #tpu.memory_space<vmem>>
      %dma_wait3A_160 = tpu.memref_slice %arg3[%add3A_10] : memref<32768xi32, #tpu.memory_space<hbm>> -> memref<256xi32, #tpu.memory_space<hbm>>
      %dma_wait3A_161 = arith.constant 768 : i32
      %dma_wait3A_162 = tpu.memref_slice %arg6[%dma_wait3A_161] : memref<1024xi32, #tpu.memory_space<vmem>> -> memref<256xi32, #tpu.memory_space<vmem>>
      %dma_wait3A_163 = tpu.memref_slice %arg3[%add3A_10] : memref<32768xi32, #tpu.memory_space<hbm>> -> memref<256xi32, #tpu.memory_space<hbm>>
      tpu.wait_dma2 semaphore(%run_scoped3A : memref<!tpu.dma_semaphore, #tpu.memory_space<semaphore_mem>>) src(%dma_wait3A_163 : memref<256xi32, #tpu.memory_space<hbm>>) dst(%dma_wait3A_162 : memref<256xi32, #tpu.memory_space<vmem>>)
      tpu.yield
    }) : () -> ()
    %add3A_11 = arith.constant 0 : i32
    %add3A_12 = arith.addi %mul3A_2, %add3A_11 : i32
    %dma_start3A = arith.constant 0 : i32
    %dma_start3A_13 = arith.constant 0 : i32
    %dma_start3A_14 = arith.constant 0 : i32
    %dma_start3A_15 = tpu.memref_slice %arg8[%dma_start3A, %dma_start3A_13, %dma_start3A_14] : memref<2x16x384xi32, #tpu.memory_space<vmem>> -> memref<1x16x384xi32, #tpu.memory_space<vmem>>
    %dma_start3A_16 = tpu.memref_squeeze %dma_start3A_15 : memref<1x16x384xi32, #tpu.memory_space<vmem>> -> memref<16x384xi32, #tpu.memory_space<vmem>>
    %dma_start3A_17 = arith.constant 0 : i32
    %dma_start3A_18 = tpu.memref_slice %arg4[%add3A_12, %dma_start3A_17] : memref<8192x384xi32, #tpu.memory_space<hbm>> -> memref<16x384xi32, #tpu.memory_space<hbm>>
    %dma_start3A_19 = arith.constant 0 : i32
    %dma_start3A_20 = arith.constant 0 : i32
    %dma_start3A_21 = tpu.memref_slice %arg8[%dma_start3A, %dma_start3A_19, %dma_start3A_20] : memref<2x16x384xi32, #tpu.memory_space<vmem>> -> memref<1x16x384xi32, #tpu.memory_space<vmem>>
    %dma_start3A_22 = tpu.memref_squeeze %dma_start3A_21 : memref<1x16x384xi32, #tpu.memory_space<vmem>> -> memref<16x384xi32, #tpu.memory_space<vmem>>
    %dma_start3A_23 = arith.constant 0 : i32
    %dma_start3A_24 = tpu.memref_slice %arg4[%add3A_12, %dma_start3A_23] : memref<8192x384xi32, #tpu.memory_space<hbm>> -> memref<16x384xi32, #tpu.memory_space<hbm>>
    tpu.enqueue_dma source(%dma_start3A_24 : memref<16x384xi32, #tpu.memory_space<hbm>>) target(%dma_start3A_22 : memref<16x384xi32, #tpu.memory_space<vmem>>) target_semaphore(%arg25 : memref<!tpu.dma_semaphore, #tpu.memory_space<semaphore_mem>>)
    %add3A_25 = arith.constant 16 : i32
    %add3A_26 = arith.addi %mul3A_2, %add3A_25 : i32
    %dma_start3A_27 = arith.constant 1 : i32
    %dma_start3A_28 = arith.constant 0 : i32
    %dma_start3A_29 = arith.constant 0 : i32
    %dma_start3A_30 = tpu.memref_slice %arg8[%dma_start3A_27, %dma_start3A_28, %dma_start3A_29] : memref<2x16x384xi32, #tpu.memory_space<vmem>> -> memref<1x16x384xi32, #tpu.memory_space<vmem>>
    %dma_start3A_31 = tpu.memref_squeeze %dma_start3A_30 : memref<1x16x384xi32, #tpu.memory_space<vmem>> -> memref<16x384xi32, #tpu.memory_space<vmem>>
    %dma_start3A_32 = arith.constant 0 : i32
    %dma_start3A_33 = tpu.memref_slice %arg4[%add3A_26, %dma_start3A_32] : memref<8192x384xi32, #tpu.memory_space<hbm>> -> memref<16x384xi32, #tpu.memory_space<hbm>>
    %dma_start3A_34 = arith.constant 0 : i32
    %dma_start3A_35 = arith.constant 0 : i32
    %dma_start3A_36 = tpu.memref_slice %arg8[%dma_start3A_27, %dma_start3A_34, %dma_start3A_35] : memref<2x16x384xi32, #tpu.memory_space<vmem>> -> memref<1x16x384xi32, #tpu.memory_space<vmem>>
    %dma_start3A_37 = tpu.memref_squeeze %dma_start3A_36 : memref<1x16x384xi32, #tpu.memory_space<vmem>> -> memref<16x384xi32, #tpu.memory_space<vmem>>
    %dma_start3A_38 = arith.constant 0 : i32
    %dma_start3A_39 = tpu.memref_slice %arg4[%add3A_26, %dma_start3A_38] : memref<8192x384xi32, #tpu.memory_space<hbm>> -> memref<16x384xi32, #tpu.memory_space<hbm>>
    tpu.enqueue_dma source(%dma_start3A_39 : memref<16x384xi32, #tpu.memory_space<hbm>>) target(%dma_start3A_37 : memref<16x384xi32, #tpu.memory_space<vmem>>) target_semaphore(%arg26 : memref<!tpu.dma_semaphore, #tpu.memory_space<semaphore_mem>>)
    %dma_start3A_40 = arith.constant 0 : i32
    %dma_start3A_41 = arith.constant 0 : i32
    %dma_start3A_42 = arith.constant 0 : i32
    %dma_start3A_43 = tpu.memref_slice %arg7[%dma_start3A_40, %dma_start3A_41, %dma_start3A_42] : memref<8x16x768xf32, #tpu.memory_space<vmem>> -> memref<1x16x768xf32, #tpu.memory_space<vmem>>
    %dma_start3A_44 = tpu.memref_squeeze %dma_start3A_43 : memref<1x16x768xf32, #tpu.memory_space<vmem>> -> memref<16x768xf32, #tpu.memory_space<vmem>>
    %dma_start3A_45 = arith.constant 0 : i32
    %dma_start3A_46 = tpu.memref_slice %arg6[%dma_start3A_45] : memref<1024xi32, #tpu.memory_space<vmem>> -> memref<16xi32, #tpu.memory_space<vmem>>
    %dma_start3A_47 = arith.constant 0 : i32
    %dma_start3A_48 = arith.constant 0 : i32
    %dma_start3A_49 = tpu.memref_slice %arg2[%dma_start3A_47, %dma_start3A_48] : memref<100000x768xf32, #tpu.memory_space<hbm>> -> memref<100000x768xf32, #tpu.memory_space<hbm>>
    tpu.enqueue_indirect_dma source(%dma_start3A_49 : memref<100000x768xf32, #tpu.memory_space<hbm>>) target(%dma_start3A_44 : memref<16x768xf32, #tpu.memory_space<vmem>>) offsets(%dma_start3A_46 : memref<16xi32, #tpu.memory_space<vmem>>) semaphore(%arg9 : memref<!tpu.dma_semaphore, #tpu.memory_space<semaphore_mem>>)
    %dma_start3A_50 = arith.constant 1 : i32
    %dma_start3A_51 = arith.constant 0 : i32
    %dma_start3A_52 = arith.constant 0 : i32
    %dma_start3A_53 = tpu.memref_slice %arg7[%dma_start3A_50, %dma_start3A_51, %dma_start3A_52] : memref<8x16x768xf32, #tpu.memory_space<vmem>> -> memref<1x16x768xf32, #tpu.memory_space<vmem>>
    %dma_start3A_54 = tpu.memref_squeeze %dma_start3A_53 : memref<1x16x768xf32, #tpu.memory_space<vmem>> -> memref<16x768xf32, #tpu.memory_space<vmem>>
    %dma_start3A_55 = arith.constant 256 : i32
    %dma_start3A_56 = tpu.memref_slice %arg6[%dma_start3A_55] : memref<1024xi32, #tpu.memory_space<vmem>> -> memref<16xi32, #tpu.memory_space<vmem>>
    %dma_start3A_57 = arith.constant 0 : i32
    %dma_start3A_58 = arith.constant 0 : i32
    %dma_start3A_59 = tpu.memref_slice %arg2[%dma_start3A_57, %dma_start3A_58] : memref<100000x768xf32, #tpu.memory_space<hbm>> -> memref<100000x768xf32, #tpu.memory_space<hbm>>
    tpu.enqueue_indirect_dma source(%dma_start3A_59 : memref<100000x768xf32, #tpu.memory_space<hbm>>) target(%dma_start3A_54 : memref<16x768xf32, #tpu.memory_space<vmem>>) offsets(%dma_start3A_56 : memref<16xi32, #tpu.memory_space<vmem>>) semaphore(%arg10 : memref<!tpu.dma_semaphore, #tpu.memory_space<semaphore_mem>>)
    %dma_start3A_60 = arith.constant 2 : i32
    %dma_start3A_61 = arith.constant 0 : i32
    %dma_start3A_62 = arith.constant 0 : i32
    %dma_start3A_63 = tpu.memref_slice %arg7[%dma_start3A_60, %dma_start3A_61, %dma_start3A_62] : memref<8x16x768xf32, #tpu.memory_space<vmem>> -> memref<1x16x768xf32, #tpu.memory_space<vmem>>
    %dma_start3A_64 = tpu.memref_squeeze %dma_start3A_63 : memref<1x16x768xf32, #tpu.memory_space<vmem>> -> memref<16x768xf32, #tpu.memory_space<vmem>>
    %dma_start3A_65 = arith.constant 512 : i32
    %dma_start3A_66 = tpu.memref_slice %arg6[%dma_start3A_65] : memref<1024xi32, #tpu.memory_space<vmem>> -> memref<16xi32, #tpu.memory_space<vmem>>
    %dma_start3A_67 = arith.constant 0 : i32
    %dma_start3A_68 = arith.constant 0 : i32
    %dma_start3A_69 = tpu.memref_slice %arg2[%dma_start3A_67, %dma_start3A_68] : memref<100000x768xf32, #tpu.memory_space<hbm>> -> memref<100000x768xf32, #tpu.memory_space<hbm>>
    tpu.enqueue_indirect_dma source(%dma_start3A_69 : memref<100000x768xf32, #tpu.memory_space<hbm>>) target(%dma_start3A_64 : memref<16x768xf32, #tpu.memory_space<vmem>>) offsets(%dma_start3A_66 : memref<16xi32, #tpu.memory_space<vmem>>) semaphore(%arg11 : memref<!tpu.dma_semaphore, #tpu.memory_space<semaphore_mem>>)
    %dma_start3A_70 = arith.constant 3 : i32
    %dma_start3A_71 = arith.constant 0 : i32
    %dma_start3A_72 = arith.constant 0 : i32
    %dma_start3A_73 = tpu.memref_slice %arg7[%dma_start3A_70, %dma_start3A_71, %dma_start3A_72] : memref<8x16x768xf32, #tpu.memory_space<vmem>> -> memref<1x16x768xf32, #tpu.memory_space<vmem>>
    %dma_start3A_74 = tpu.memref_squeeze %dma_start3A_73 : memref<1x16x768xf32, #tpu.memory_space<vmem>> -> memref<16x768xf32, #tpu.memory_space<vmem>>
    %dma_start3A_75 = arith.constant 768 : i32
    %dma_start3A_76 = tpu.memref_slice %arg6[%dma_start3A_75] : memref<1024xi32, #tpu.memory_space<vmem>> -> memref<16xi32, #tpu.memory_space<vmem>>
    %dma_start3A_77 = arith.constant 0 : i32
    %dma_start3A_78 = arith.constant 0 : i32
    %dma_start3A_79 = tpu.memref_slice %arg2[%dma_start3A_77, %dma_start3A_78] : memref<100000x768xf32, #tpu.memory_space<hbm>> -> memref<100000x768xf32, #tpu.memory_space<hbm>>
    tpu.enqueue_indirect_dma source(%dma_start3A_79 : memref<100000x768xf32, #tpu.memory_space<hbm>>) target(%dma_start3A_74 : memref<16x768xf32, #tpu.memory_space<vmem>>) offsets(%dma_start3A_76 : memref<16xi32, #tpu.memory_space<vmem>>) semaphore(%arg12 : memref<!tpu.dma_semaphore, #tpu.memory_space<semaphore_mem>>)
    %scan3A = arith.constant 0 : i32
    %scan3A_80 = arith.constant 0 : i32
    %scan3A_81 = arith.constant 8 : i32
    %scan3A_82 = arith.addi %scan3A_80, %scan3A_81 : i32
    %scan3A_83 = arith.constant 1 : i32
    scf.for %scan3A_152 = %scan3A_80 to %scan3A_82 step %scan3A_83  : i32 {
      %mul3A_153 = arith.constant 2 : i32
      %mul3A_154 = arith.muli %mul3A_153, %scan3A_152 : i32
      %add3A_155 = arith.constant 0 : i32
      %add3A_156 = arith.addi %mul3A_154, %add3A_155 : i32
      %mul3A_157 = arith.constant 16 : i32
      %mul3A_158 = arith.muli %add3A_156, %mul3A_157 : i32
      %add3A_159 = arith.addi %mul3A_2, %mul3A_158 : i32
      %dma_wait3A_160 = arith.constant 0 : i32
      %dma_wait3A_161 = arith.constant 0 : i32
      %dma_wait3A_162 = arith.constant 0 : i32
      %dma_wait3A_163 = tpu.memref_slice %arg8[%dma_wait3A_160, %dma_wait3A_161, %dma_wait3A_162] : memref<2x16x384xi32, #tpu.memory_space<vmem>> -> memref<1x16x384xi32, #tpu.memory_space<vmem>>
      %dma_wait3A_164 = tpu.memref_squeeze %dma_wait3A_163 : memref<1x16x384xi32, #tpu.memory_space<vmem>> -> memref<16x384xi32, #tpu.memory_space<vmem>>
      %dma_wait3A_165 = arith.constant 0 : i32
      %dma_wait3A_166 = tpu.memref_slice %arg4[%add3A_159, %dma_wait3A_165] : memref<8192x384xi32, #tpu.memory_space<hbm>> -> memref<16x384xi32, #tpu.memory_space<hbm>>
      %dma_wait3A_167 = arith.constant 0 : i32
      %dma_wait3A_168 = arith.constant 0 : i32
      %dma_wait3A_169 = tpu.memref_slice %arg8[%dma_wait3A_160, %dma_wait3A_167, %dma_wait3A_168] : memref<2x16x384xi32, #tpu.memory_space<vmem>> -> memref<1x16x384xi32, #tpu.memory_space<vmem>>
      %dma_wait3A_170 = tpu.memref_squeeze %dma_wait3A_169 : memref<1x16x384xi32, #tpu.memory_space<vmem>> -> memref<16x384xi32, #tpu.memory_space<vmem>>
      %dma_wait3A_171 = arith.constant 0 : i32
      %dma_wait3A_172 = tpu.memref_slice %arg4[%add3A_159, %dma_wait3A_171] : memref<8192x384xi32, #tpu.memory_space<hbm>> -> memref<16x384xi32, #tpu.memory_space<hbm>>
      tpu.wait_dma2 semaphore(%arg25 : memref<!tpu.dma_semaphore, #tpu.memory_space<semaphore_mem>>) src(%dma_wait3A_172 : memref<16x384xi32, #tpu.memory_space<hbm>>) dst(%dma_wait3A_170 : memref<16x384xi32, #tpu.memory_space<vmem>>)
      %gt3A = arith.constant 0 : i32
      %gt3A_173 = arith.cmpi sgt, %add3A_156, %gt3A : i32
      %convert_element_type3A = arith.extui %gt3A_173 : i1 to i32
      %cond3A = arith.constant 0 : i32
      %cond3A_174 = arith.cmpi ne, %convert_element_type3A, %cond3A : i32
      scf.if %cond3A_174 {
        %add3A_575 = arith.constant 0 : i32
        %add3A_576 = arith.addi %add3A_575, %mul3A_2 : i32
        %mul3A_577 = arith.constant 16 : i32
        %mul3A_578 = arith.muli %add3A_156, %mul3A_577 : i32
        %add3A_579 = arith.addi %add3A_576, %mul3A_578 : i32
        %dma_wait3A_580 = arith.constant 4 : i32
        %dma_wait3A_581 = arith.constant 0 : i32
        %dma_wait3A_582 = arith.constant 0 : i32
        %dma_wait3A_583 = tpu.memref_slice %arg7[%dma_wait3A_580, %dma_wait3A_581, %dma_wait3A_582] : memref<8x16x768xf32, #tpu.memory_space<vmem>> -> memref<1x16x768xf32, #tpu.memory_space<vmem>>
        %dma_wait3A_584 = tpu.memref_squeeze %dma_wait3A_583 : memref<1x16x768xf32, #tpu.memory_space<vmem>> -> memref<16x768xf32, #tpu.memory_space<vmem>>
        %dma_wait3A_585 = arith.constant 0 : i32
        %dma_wait3A_586 = tpu.memref_slice %arg5[%add3A_579, %dma_wait3A_585] : memref<32768x768xf32, #tpu.memory_space<hbm>> -> memref<16x768xf32, #tpu.memory_space<hbm>>
        %dma_wait3A_587 = arith.constant 0 : i32
        %dma_wait3A_588 = tpu.memref_slice %arg5[%add3A_579, %dma_wait3A_587] : memref<32768x768xf32, #tpu.memory_space<hbm>> -> memref<16x768xf32, #tpu.memory_space<hbm>>
        %dma_wait3A_589 = arith.constant 0 : i32
        %dma_wait3A_590 = arith.constant 0 : i32
        %dma_wait3A_591 = tpu.memref_slice %arg7[%dma_wait3A_580, %dma_wait3A_589, %dma_wait3A_590] : memref<8x16x768xf32, #tpu.memory_space<vmem>> -> memref<1x16x768xf32, #tpu.memory_space<vmem>>
        %dma_wait3A_592 = tpu.memref_squeeze %dma_wait3A_591 : memref<1x16x768xf32, #tpu.memory_space<vmem>> -> memref<16x768xf32, #tpu.memory_space<vmem>>
        tpu.wait_dma2 semaphore(%arg21 : memref<!tpu.dma_semaphore, #tpu.memory_space<semaphore_mem>>) src(%dma_wait3A_592 : memref<16x768xf32, #tpu.memory_space<vmem>>) dst(%dma_wait3A_588 : memref<16x768xf32, #tpu.memory_space<hbm>>)
      } else {
      }
      %lt3A = arith.constant 15 : i32
      %lt3A_175 = arith.cmpi slt, %add3A_156, %lt3A : i32
      %convert_element_type3A_176 = arith.extui %lt3A_175 : i1 to i32
      %cond3A_177 = arith.constant 0 : i32
      %cond3A_178 = arith.cmpi ne, %convert_element_type3A_176, %cond3A_177 : i32
      scf.if %cond3A_178 {
        %add3A_575 = arith.constant 1 : i32
        %add3A_576 = arith.addi %add3A_156, %add3A_575 : i32
        %mul3A_577 = arith.constant 16 : i32
        %mul3A_578 = arith.muli %add3A_576, %mul3A_577 : i32
        %add3A_579 = arith.constant 0 : i32
        %add3A_580 = arith.addi %add3A_579, %mul3A_578 : i32
        %dma_start3A_581 = arith.constant 4 : i32
        %dma_start3A_582 = arith.constant 0 : i32
        %dma_start3A_583 = arith.constant 0 : i32
        %dma_start3A_584 = tpu.memref_slice %arg7[%dma_start3A_581, %dma_start3A_582, %dma_start3A_583] : memref<8x16x768xf32, #tpu.memory_space<vmem>> -> memref<1x16x768xf32, #tpu.memory_space<vmem>>
        %dma_start3A_585 = tpu.memref_squeeze %dma_start3A_584 : memref<1x16x768xf32, #tpu.memory_space<vmem>> -> memref<16x768xf32, #tpu.memory_space<vmem>>
        %dma_start3A_586 = tpu.memref_slice %arg6[%add3A_580] : memref<1024xi32, #tpu.memory_space<vmem>> -> memref<16xi32, #tpu.memory_space<vmem>>
        %dma_start3A_587 = arith.constant 0 : i32
        %dma_start3A_588 = arith.constant 0 : i32
        %dma_start3A_589 = tpu.memref_slice %arg2[%dma_start3A_587, %dma_start3A_588] : memref<100000x768xf32, #tpu.memory_space<hbm>> -> memref<100000x768xf32, #tpu.memory_space<hbm>>
        tpu.enqueue_indirect_dma source(%dma_start3A_589 : memref<100000x768xf32, #tpu.memory_space<hbm>>) target(%dma_start3A_585 : memref<16x768xf32, #tpu.memory_space<vmem>>) offsets(%dma_start3A_586 : memref<16xi32, #tpu.memory_space<vmem>>) semaphore(%arg13 : memref<!tpu.dma_semaphore, #tpu.memory_space<semaphore_mem>>)
      } else {
      }
      %mul3A_179 = arith.constant 16 : i32
      %mul3A_180 = arith.muli %add3A_156, %mul3A_179 : i32
      %add3A_181 = arith.constant 0 : i32
      %add3A_182 = arith.addi %add3A_181, %mul3A_180 : i32
      %dma_wait3A_183 = arith.constant 0 : i32
      %dma_wait3A_184 = arith.constant 0 : i32
      %dma_wait3A_185 = arith.constant 0 : i32
      %dma_wait3A_186 = tpu.memref_slice %arg7[%dma_wait3A_183, %dma_wait3A_184, %dma_wait3A_185] : memref<8x16x768xf32, #tpu.memory_space<vmem>> -> memref<1x16x768xf32, #tpu.memory_space<vmem>>
      %dma_wait3A_187 = tpu.memref_squeeze %dma_wait3A_186 : memref<1x16x768xf32, #tpu.memory_space<vmem>> -> memref<16x768xf32, #tpu.memory_space<vmem>>
      %dma_wait3A_188 = tpu.memref_slice %arg6[%add3A_182] : memref<1024xi32, #tpu.memory_space<vmem>> -> memref<16xi32, #tpu.memory_space<vmem>>
      %dma_wait3A_189 = arith.constant 0 : i32
      %dma_wait3A_190 = arith.constant 0 : i32
      %dma_wait3A_191 = tpu.memref_slice %arg2[%dma_wait3A_189, %dma_wait3A_190] : memref<100000x768xf32, #tpu.memory_space<hbm>> -> memref<100000x768xf32, #tpu.memory_space<hbm>>
      tpu.wait_indirect_dma semaphore(%arg9 : memref<!tpu.dma_semaphore, #tpu.memory_space<semaphore_mem>>) src(%dma_wait3A_191 : memref<100000x768xf32, #tpu.memory_space<hbm>>) dst(%dma_wait3A_187 : memref<16x768xf32, #tpu.memory_space<vmem>>)
      %scan3A_192 = arith.constant 0 : i32
      %scan3A_193 = arith.constant 0 : i32
      %scan3A_194 = arith.constant 16 : i32
      %scan3A_195 = arith.addi %scan3A_193, %scan3A_194 : i32
      %scan3A_196 = arith.constant 1 : i32
      scf.for %scan3A_575 = %scan3A_193 to %scan3A_195 step %scan3A_196  : i32 {
        %parallel_loop3A = arith.constant 0 : i32
        %parallel_loop3A_576 = arith.constant 384 : i32
        %parallel_loop3A_577 = arith.constant 16 : i32
        scf.for %parallel_loop3A_578 = %parallel_loop3A to %parallel_loop3A_576 step %parallel_loop3A_577  : i32 {
          %parallel_loop3A_579 = arith.constant 0 : i32
          %parallel_loop3A_580 = arith.index_cast %parallel_loop3A_579 : i32 to index
          %parallel_loop3A_581 = arith.index_cast %scan3A_575 : i32 to index
          %parallel_loop3A_582 = arith.index_cast %parallel_loop3A_578 : i32 to index
          %parallel_loop3A_583 = tpu.vector_load %arg8[%parallel_loop3A_580, %parallel_loop3A_581, %parallel_loop3A_582] {strides = array<i32>} : memref<2x16x384xi32, #tpu.memory_space<vmem>>, vector<1x1x16xi32>,
          %parallel_loop3A_584 = vector.shape_cast %parallel_loop3A_583 : vector<1x1x16xi32> to vector<16xi32>
          %parallel_loop3A_585 = arith.constant 16 : i32
          %parallel_loop3A_586 = vector.broadcast %parallel_loop3A_585 : i32 to vector<16xi32>
          %parallel_loop3A_587 = arith.shli %parallel_loop3A_584, %parallel_loop3A_586 : vector<16xi32>
          %parallel_loop3A_588 = tpu.bitcast %parallel_loop3A_587 : vector<16xi32> -> vector<16xf32>
          %parallel_loop3A_589 = arith.constant -65536 : i32
          %parallel_loop3A_590 = vector.broadcast %parallel_loop3A_589 : i32 to vector<16xi32>
          %parallel_loop3A_591 = arith.andi %parallel_loop3A_584, %parallel_loop3A_590 : vector<16xi32>
          %parallel_loop3A_592 = tpu.bitcast %parallel_loop3A_591 : vector<16xi32> -> vector<16xf32>
          %parallel_loop3A_593 = arith.constant 2 : i32
          %parallel_loop3A_594 = arith.muli %parallel_loop3A_593, %parallel_loop3A_578 : i32
          %parallel_loop3A_595 = tpu.assume_multiple %parallel_loop3A_594, 32 : i32
          %parallel_loop3A_596 = arith.constant 16 : i32
          %parallel_loop3A_597 = arith.addi %parallel_loop3A_595, %parallel_loop3A_596 : i32
          %parallel_loop3A_598 = arith.constant 0 : i32
          %parallel_loop3A_599 = arith.index_cast %parallel_loop3A_598 : i32 to index
          %parallel_loop3A_600 = arith.index_cast %scan3A_575 : i32 to index
          %parallel_loop3A_601 = arith.index_cast %parallel_loop3A_595 : i32 to index
          %parallel_loop3A_602 = tpu.vector_load %arg7[%parallel_loop3A_599, %parallel_loop3A_600, %parallel_loop3A_601] {strides = array<i32>} : memref<8x16x768xf32, #tpu.memory_space<vmem>>, vector<1x1x16xf32>,
          %parallel_loop3A_603 = vector.shape_cast %parallel_loop3A_602 : vector<1x1x16xf32> to vector<16xf32>
          %parallel_loop3A_604 = arith.constant 27.7128124 : f32
          %parallel_loop3A_605 = vector.broadcast %parallel_loop3A_604 : f32 to vector<16xf32>
          %parallel_loop3A_606 = arith.mulf %parallel_loop3A_603, %parallel_loop3A_605 : vector<16xf32>
          %parallel_loop3A_607 = arith.addf %parallel_loop3A_606, %parallel_loop3A_588 : vector<16xf32>
          %parallel_loop3A_608 = arith.constant 0 : i32
          %parallel_loop3A_609 = arith.index_cast %parallel_loop3A_608 : i32 to index
          %parallel_loop3A_610 = arith.index_cast %scan3A_575 : i32 to index
          %parallel_loop3A_611 = arith.index_cast %parallel_loop3A_595 : i32 to index
          %parallel_loop3A_612 = tpu.vector_load %arg7[%parallel_loop3A_609, %parallel_loop3A_610, %parallel_loop3A_611] {strides = array<i32>} : memref<8x16x768xf32, #tpu.memory_space<vmem>>, vector<1x1x16xf32>,
          %parallel_loop3A_613 = vector.shape_cast %parallel_loop3A_612 : vector<1x1x16xf32> to vector<16xf32>
          %parallel_loop3A_614 = vector.shape_cast %parallel_loop3A_607 : vector<16xf32> to vector<1x1x16xf32>
          tpu.vector_store %arg7[%parallel_loop3A_609, %parallel_loop3A_610, %parallel_loop3A_611], %parallel_loop3A_614 {strides = array<i32>} : memref<8x16x768xf32, #tpu.memory_space<vmem>>, vector<1x1x16xf32>,
          %parallel_loop3A_615 = arith.constant 0 : i32
          %parallel_loop3A_616 = arith.index_cast %parallel_loop3A_615 : i32 to index
          %parallel_loop3A_617 = arith.index_cast %scan3A_575 : i32 to index
          %parallel_loop3A_618 = arith.index_cast %parallel_loop3A_597 : i32 to index
          %parallel_loop3A_619 = tpu.vector_load %arg7[%parallel_loop3A_616, %parallel_loop3A_617, %parallel_loop3A_618] {strides = array<i32>} : memref<8x16x768xf32, #tpu.memory_space<vmem>>, vector<1x1x16xf32>,
          %parallel_loop3A_620 = vector.shape_cast %parallel_loop3A_619 : vector<1x1x16xf32> to vector<16xf32>
          %parallel_loop3A_621 = arith.constant 27.7128124 : f32
          %parallel_loop3A_622 = vector.broadcast %parallel_loop3A_621 : f32 to vector<16xf32>
          %parallel_loop3A_623 = arith.mulf %parallel_loop3A_620, %parallel_loop3A_622 : vector<16xf32>
          %parallel_loop3A_624 = arith.addf %parallel_loop3A_623, %parallel_loop3A_592 : vector<16xf32>
          %parallel_loop3A_625 = arith.constant 0 : i32
          %parallel_loop3A_626 = arith.index_cast %parallel_loop3A_625 : i32 to index
          %parallel_loop3A_627 = arith.index_cast %scan3A_575 : i32 to index
          %parallel_loop3A_628 = arith.index_cast %parallel_loop3A_597 : i32 to index
          %parallel_loop3A_629 = tpu.vector_load %arg7[%parallel_loop3A_626, %parallel_loop3A_627, %parallel_loop3A_628] {strides = array<i32>} : memref<8x16x768xf32, #tpu.memory_space<vmem>>, vector<1x1x16xf32>,
          %parallel_loop3A_630 = vector.shape_cast %parallel_loop3A_629 : vector<1x1x16xf32> to vector<16xf32>
          %parallel_loop3A_631 = vector.shape_cast %parallel_loop3A_624 : vector<16xf32> to vector<1x1x16xf32>
          tpu.vector_store %arg7[%parallel_loop3A_626, %parallel_loop3A_627, %parallel_loop3A_628], %parallel_loop3A_631 {strides = array<i32>} : memref<8x16x768xf32, #tpu.memory_space<vmem>>, vector<1x1x16xf32>,
        } {sc.loop_unroll_factor = 4 : i64, sc.parallel_access}
      }
      %scan3A_197 = arith.constant 16 : i32
      %add3A_198 = arith.constant 0 : i32
      %add3A_199 = arith.addi %add3A_198, %mul3A_2 : i32
      %mul3A_200 = arith.constant 16 : i32
      %mul3A_201 = arith.muli %add3A_156, %mul3A_200 : i32
      %add3A_202 = arith.addi %add3A_199, %mul3A_201 : i32
      %dma_start3A_203 = arith.constant 0 : i32
      %dma_start3A_204 = arith.constant 0 : i32
      %dma_start3A_205 = arith.constant 0 : i32
      %dma_start3A_206 = tpu.memref_slice %arg7[%dma_start3A_203, %dma_start3A_204, %dma_start3A_205] : memref<8x16x768xf32, #tpu.memory_space<vmem>> -> memref<1x16x768xf32, #tpu.memory_space<vmem>>
      %dma_start3A_207 = tpu.memref_squeeze %dma_start3A_206 : memref<1x16x768xf32, #tpu.memory_space<vmem>> -> memref<16x768xf32, #tpu.memory_space<vmem>>
      %dma_start3A_208 = arith.constant 0 : i32
      %dma_start3A_209 = tpu.memref_slice %arg5[%add3A_202, %dma_start3A_208] : memref<32768x768xf32, #tpu.memory_space<hbm>> -> memref<16x768xf32, #tpu.memory_space<hbm>>
      %dma_start3A_210 = arith.constant 0 : i32
      %dma_start3A_211 = tpu.memref_slice %arg5[%add3A_202, %dma_start3A_210] : memref<32768x768xf32, #tpu.memory_space<hbm>> -> memref<16x768xf32, #tpu.memory_space<hbm>>
      %dma_start3A_212 = arith.constant 0 : i32
      %dma_start3A_213 = arith.constant 0 : i32
      %dma_start3A_214 = tpu.memref_slice %arg7[%dma_start3A_203, %dma_start3A_212, %dma_start3A_213] : memref<8x16x768xf32, #tpu.memory_space<vmem>> -> memref<1x16x768xf32, #tpu.memory_space<vmem>>
      %dma_start3A_215 = tpu.memref_squeeze %dma_start3A_214 : memref<1x16x768xf32, #tpu.memory_space<vmem>> -> memref<16x768xf32, #tpu.memory_space<vmem>>
      tpu.enqueue_dma source(%dma_start3A_215 : memref<16x768xf32, #tpu.memory_space<vmem>>) target(%dma_start3A_211 : memref<16x768xf32, #tpu.memory_space<hbm>>) target_semaphore(%arg17 : memref<!tpu.dma_semaphore, #tpu.memory_space<semaphore_mem>>)
      %gt3A_216 = arith.constant 0 : i32
      %gt3A_217 = arith.cmpi sgt, %add3A_156, %gt3A_216 : i32
      %convert_element_type3A_218 = arith.extui %gt3A_217 : i1 to i32
      %cond3A_219 = arith.constant 0 : i32
      %cond3A_220 = arith.cmpi ne, %convert_element_type3A_218, %cond3A_219 : i32
      scf.if %cond3A_220 {
        %add3A_575 = arith.constant 8192 : i32
        %add3A_576 = arith.addi %add3A_575, %mul3A_2 : i32
        %mul3A_577 = arith.constant 16 : i32
        %mul3A_578 = arith.muli %add3A_156, %mul3A_577 : i32
        %add3A_579 = arith.addi %add3A_576, %mul3A_578 : i32
        %dma_wait3A_580 = arith.constant 5 : i32
        %dma_wait3A_581 = arith.constant 0 : i32
        %dma_wait3A_582 = arith.constant 0 : i32
        %dma_wait3A_583 = tpu.memref_slice %arg7[%dma_wait3A_580, %dma_wait3A_581, %dma_wait3A_582] : memref<8x16x768xf32, #tpu.memory_space<vmem>> -> memref<1x16x768xf32, #tpu.memory_space<vmem>>
        %dma_wait3A_584 = tpu.memref_squeeze %dma_wait3A_583 : memref<1x16x768xf32, #tpu.memory_space<vmem>> -> memref<16x768xf32, #tpu.memory_space<vmem>>
        %dma_wait3A_585 = arith.constant 0 : i32
        %dma_wait3A_586 = tpu.memref_slice %arg5[%add3A_579, %dma_wait3A_585] : memref<32768x768xf32, #tpu.memory_space<hbm>> -> memref<16x768xf32, #tpu.memory_space<hbm>>
        %dma_wait3A_587 = arith.constant 0 : i32
        %dma_wait3A_588 = tpu.memref_slice %arg5[%add3A_579, %dma_wait3A_587] : memref<32768x768xf32, #tpu.memory_space<hbm>> -> memref<16x768xf32, #tpu.memory_space<hbm>>
        %dma_wait3A_589 = arith.constant 0 : i32
        %dma_wait3A_590 = arith.constant 0 : i32
        %dma_wait3A_591 = tpu.memref_slice %arg7[%dma_wait3A_580, %dma_wait3A_589, %dma_wait3A_590] : memref<8x16x768xf32, #tpu.memory_space<vmem>> -> memref<1x16x768xf32, #tpu.memory_space<vmem>>
        %dma_wait3A_592 = tpu.memref_squeeze %dma_wait3A_591 : memref<1x16x768xf32, #tpu.memory_space<vmem>> -> memref<16x768xf32, #tpu.memory_space<vmem>>
        tpu.wait_dma2 semaphore(%arg22 : memref<!tpu.dma_semaphore, #tpu.memory_space<semaphore_mem>>) src(%dma_wait3A_592 : memref<16x768xf32, #tpu.memory_space<vmem>>) dst(%dma_wait3A_588 : memref<16x768xf32, #tpu.memory_space<hbm>>)
      } else {
      }
      %lt3A_221 = arith.constant 15 : i32
      %lt3A_222 = arith.cmpi slt, %add3A_156, %lt3A_221 : i32
      %convert_element_type3A_223 = arith.extui %lt3A_222 : i1 to i32
      %cond3A_224 = arith.constant 0 : i32
      %cond3A_225 = arith.cmpi ne, %convert_element_type3A_223, %cond3A_224 : i32
      scf.if %cond3A_225 {
        %add3A_575 = arith.constant 1 : i32
        %add3A_576 = arith.addi %add3A_156, %add3A_575 : i32
        %mul3A_577 = arith.constant 16 : i32
        %mul3A_578 = arith.muli %add3A_576, %mul3A_577 : i32
        %add3A_579 = arith.constant 256 : i32
        %add3A_580 = arith.addi %add3A_579, %mul3A_578 : i32
        %dma_start3A_581 = arith.constant 5 : i32
        %dma_start3A_582 = arith.constant 0 : i32
        %dma_start3A_583 = arith.constant 0 : i32
        %dma_start3A_584 = tpu.memref_slice %arg7[%dma_start3A_581, %dma_start3A_582, %dma_start3A_583] : memref<8x16x768xf32, #tpu.memory_space<vmem>> -> memref<1x16x768xf32, #tpu.memory_space<vmem>>
        %dma_start3A_585 = tpu.memref_squeeze %dma_start3A_584 : memref<1x16x768xf32, #tpu.memory_space<vmem>> -> memref<16x768xf32, #tpu.memory_space<vmem>>
        %dma_start3A_586 = tpu.memref_slice %arg6[%add3A_580] : memref<1024xi32, #tpu.memory_space<vmem>> -> memref<16xi32, #tpu.memory_space<vmem>>
        %dma_start3A_587 = arith.constant 0 : i32
        %dma_start3A_588 = arith.constant 0 : i32
        %dma_start3A_589 = tpu.memref_slice %arg2[%dma_start3A_587, %dma_start3A_588] : memref<100000x768xf32, #tpu.memory_space<hbm>> -> memref<100000x768xf32, #tpu.memory_space<hbm>>
        tpu.enqueue_indirect_dma source(%dma_start3A_589 : memref<100000x768xf32, #tpu.memory_space<hbm>>) target(%dma_start3A_585 : memref<16x768xf32, #tpu.memory_space<vmem>>) offsets(%dma_start3A_586 : memref<16xi32, #tpu.memory_space<vmem>>) semaphore(%arg14 : memref<!tpu.dma_semaphore, #tpu.memory_space<semaphore_mem>>)
      } else {
      }
      %mul3A_226 = arith.constant 16 : i32
      %mul3A_227 = arith.muli %add3A_156, %mul3A_226 : i32
      %add3A_228 = arith.constant 256 : i32
      %add3A_229 = arith.addi %add3A_228, %mul3A_227 : i32
      %dma_wait3A_230 = arith.constant 1 : i32
      %dma_wait3A_231 = arith.constant 0 : i32
      %dma_wait3A_232 = arith.constant 0 : i32
      %dma_wait3A_233 = tpu.memref_slice %arg7[%dma_wait3A_230, %dma_wait3A_231, %dma_wait3A_232] : memref<8x16x768xf32, #tpu.memory_space<vmem>> -> memref<1x16x768xf32, #tpu.memory_space<vmem>>
      %dma_wait3A_234 = tpu.memref_squeeze %dma_wait3A_233 : memref<1x16x768xf32, #tpu.memory_space<vmem>> -> memref<16x768xf32, #tpu.memory_space<vmem>>
      %dma_wait3A_235 = tpu.memref_slice %arg6[%add3A_229] : memref<1024xi32, #tpu.memory_space<vmem>> -> memref<16xi32, #tpu.memory_space<vmem>>
      %dma_wait3A_236 = arith.constant 0 : i32
      %dma_wait3A_237 = arith.constant 0 : i32
      %dma_wait3A_238 = tpu.memref_slice %arg2[%dma_wait3A_236, %dma_wait3A_237] : memref<100000x768xf32, #tpu.memory_space<hbm>> -> memref<100000x768xf32, #tpu.memory_space<hbm>>
      tpu.wait_indirect_dma semaphore(%arg10 : memref<!tpu.dma_semaphore, #tpu.memory_space<semaphore_mem>>) src(%dma_wait3A_238 : memref<100000x768xf32, #tpu.memory_space<hbm>>) dst(%dma_wait3A_234 : memref<16x768xf32, #tpu.memory_space<vmem>>)
      %scan3A_239 = arith.constant 0 : i32
      %scan3A_240 = arith.constant 0 : i32
      %scan3A_241 = arith.constant 16 : i32
      %scan3A_242 = arith.addi %scan3A_240, %scan3A_241 : i32
      %scan3A_243 = arith.constant 1 : i32
      scf.for %scan3A_575 = %scan3A_240 to %scan3A_242 step %scan3A_243  : i32 {
        %parallel_loop3A = arith.constant 0 : i32
        %parallel_loop3A_576 = arith.constant 384 : i32
        %parallel_loop3A_577 = arith.constant 16 : i32
        scf.for %parallel_loop3A_578 = %parallel_loop3A to %parallel_loop3A_576 step %parallel_loop3A_577  : i32 {
          %parallel_loop3A_579 = arith.constant 0 : i32
          %parallel_loop3A_580 = arith.index_cast %parallel_loop3A_579 : i32 to index
          %parallel_loop3A_581 = arith.index_cast %scan3A_575 : i32 to index
          %parallel_loop3A_582 = arith.index_cast %parallel_loop3A_578 : i32 to index
          %parallel_loop3A_583 = tpu.vector_load %arg8[%parallel_loop3A_580, %parallel_loop3A_581, %parallel_loop3A_582] {strides = array<i32>} : memref<2x16x384xi32, #tpu.memory_space<vmem>>, vector<1x1x16xi32>,
          %parallel_loop3A_584 = vector.shape_cast %parallel_loop3A_583 : vector<1x1x16xi32> to vector<16xi32>
          %parallel_loop3A_585 = arith.constant 16 : i32
          %parallel_loop3A_586 = vector.broadcast %parallel_loop3A_585 : i32 to vector<16xi32>
          %parallel_loop3A_587 = arith.shli %parallel_loop3A_584, %parallel_loop3A_586 : vector<16xi32>
          %parallel_loop3A_588 = tpu.bitcast %parallel_loop3A_587 : vector<16xi32> -> vector<16xf32>
          %parallel_loop3A_589 = arith.constant -65536 : i32
          %parallel_loop3A_590 = vector.broadcast %parallel_loop3A_589 : i32 to vector<16xi32>
          %parallel_loop3A_591 = arith.andi %parallel_loop3A_584, %parallel_loop3A_590 : vector<16xi32>
          %parallel_loop3A_592 = tpu.bitcast %parallel_loop3A_591 : vector<16xi32> -> vector<16xf32>
          %parallel_loop3A_593 = arith.constant 2 : i32
          %parallel_loop3A_594 = arith.muli %parallel_loop3A_593, %parallel_loop3A_578 : i32
          %parallel_loop3A_595 = tpu.assume_multiple %parallel_loop3A_594, 32 : i32
          %parallel_loop3A_596 = arith.constant 16 : i32
          %parallel_loop3A_597 = arith.addi %parallel_loop3A_595, %parallel_loop3A_596 : i32
          %parallel_loop3A_598 = arith.constant 1 : i32
          %parallel_loop3A_599 = arith.index_cast %parallel_loop3A_598 : i32 to index
          %parallel_loop3A_600 = arith.index_cast %scan3A_575 : i32 to index
          %parallel_loop3A_601 = arith.index_cast %parallel_loop3A_595 : i32 to index
          %parallel_loop3A_602 = tpu.vector_load %arg7[%parallel_loop3A_599, %parallel_loop3A_600, %parallel_loop3A_601] {strides = array<i32>} : memref<8x16x768xf32, #tpu.memory_space<vmem>>, vector<1x1x16xf32>,
          %parallel_loop3A_603 = vector.shape_cast %parallel_loop3A_602 : vector<1x1x16xf32> to vector<16xf32>
          %parallel_loop3A_604 = arith.constant 27.7128124 : f32
          %parallel_loop3A_605 = vector.broadcast %parallel_loop3A_604 : f32 to vector<16xf32>
          %parallel_loop3A_606 = arith.mulf %parallel_loop3A_603, %parallel_loop3A_605 : vector<16xf32>
          %parallel_loop3A_607 = arith.addf %parallel_loop3A_606, %parallel_loop3A_588 : vector<16xf32>
          %parallel_loop3A_608 = arith.constant 1 : i32
          %parallel_loop3A_609 = arith.index_cast %parallel_loop3A_608 : i32 to index
          %parallel_loop3A_610 = arith.index_cast %scan3A_575 : i32 to index
          %parallel_loop3A_611 = arith.index_cast %parallel_loop3A_595 : i32 to index
          %parallel_loop3A_612 = tpu.vector_load %arg7[%parallel_loop3A_609, %parallel_loop3A_610, %parallel_loop3A_611] {strides = array<i32>} : memref<8x16x768xf32, #tpu.memory_space<vmem>>, vector<1x1x16xf32>,
          %parallel_loop3A_613 = vector.shape_cast %parallel_loop3A_612 : vector<1x1x16xf32> to vector<16xf32>
          %parallel_loop3A_614 = vector.shape_cast %parallel_loop3A_607 : vector<16xf32> to vector<1x1x16xf32>
          tpu.vector_store %arg7[%parallel_loop3A_609, %parallel_loop3A_610, %parallel_loop3A_611], %parallel_loop3A_614 {strides = array<i32>} : memref<8x16x768xf32, #tpu.memory_space<vmem>>, vector<1x1x16xf32>,
          %parallel_loop3A_615 = arith.constant 1 : i32
          %parallel_loop3A_616 = arith.index_cast %parallel_loop3A_615 : i32 to index
          %parallel_loop3A_617 = arith.index_cast %scan3A_575 : i32 to index
          %parallel_loop3A_618 = arith.index_cast %parallel_loop3A_597 : i32 to index
          %parallel_loop3A_619 = tpu.vector_load %arg7[%parallel_loop3A_616, %parallel_loop3A_617, %parallel_loop3A_618] {strides = array<i32>} : memref<8x16x768xf32, #tpu.memory_space<vmem>>, vector<1x1x16xf32>,
          %parallel_loop3A_620 = vector.shape_cast %parallel_loop3A_619 : vector<1x1x16xf32> to vector<16xf32>
          %parallel_loop3A_621 = arith.constant 27.7128124 : f32
          %parallel_loop3A_622 = vector.broadcast %parallel_loop3A_621 : f32 to vector<16xf32>
          %parallel_loop3A_623 = arith.mulf %parallel_loop3A_620, %parallel_loop3A_622 : vector<16xf32>
          %parallel_loop3A_624 = arith.addf %parallel_loop3A_623, %parallel_loop3A_592 : vector<16xf32>
          %parallel_loop3A_625 = arith.constant 1 : i32
          %parallel_loop3A_626 = arith.index_cast %parallel_loop3A_625 : i32 to index
          %parallel_loop3A_627 = arith.index_cast %scan3A_575 : i32 to index
          %parallel_loop3A_628 = arith.index_cast %parallel_loop3A_597 : i32 to index
          %parallel_loop3A_629 = tpu.vector_load %arg7[%parallel_loop3A_626, %parallel_loop3A_627, %parallel_loop3A_628] {strides = array<i32>} : memref<8x16x768xf32, #tpu.memory_space<vmem>>, vector<1x1x16xf32>,
          %parallel_loop3A_630 = vector.shape_cast %parallel_loop3A_629 : vector<1x1x16xf32> to vector<16xf32>
          %parallel_loop3A_631 = vector.shape_cast %parallel_loop3A_624 : vector<16xf32> to vector<1x1x16xf32>
          tpu.vector_store %arg7[%parallel_loop3A_626, %parallel_loop3A_627, %parallel_loop3A_628], %parallel_loop3A_631 {strides = array<i32>} : memref<8x16x768xf32, #tpu.memory_space<vmem>>, vector<1x1x16xf32>,
        } {sc.loop_unroll_factor = 4 : i64, sc.parallel_access}
      }
      %scan3A_244 = arith.constant 16 : i32
      %add3A_245 = arith.constant 8192 : i32
      %add3A_246 = arith.addi %add3A_245, %mul3A_2 : i32
      %mul3A_247 = arith.constant 16 : i32
      %mul3A_248 = arith.muli %add3A_156, %mul3A_247 : i32
      %add3A_249 = arith.addi %add3A_246, %mul3A_248 : i32
      %dma_start3A_250 = arith.constant 1 : i32
      %dma_start3A_251 = arith.constant 0 : i32
      %dma_start3A_252 = arith.constant 0 : i32
      %dma_start3A_253 = tpu.memref_slice %arg7[%dma_start3A_250, %dma_start3A_251, %dma_start3A_252] : memref<8x16x768xf32, #tpu.memory_space<vmem>> -> memref<1x16x768xf32, #tpu.memory_space<vmem>>
      %dma_start3A_254 = tpu.memref_squeeze %dma_start3A_253 : memref<1x16x768xf32, #tpu.memory_space<vmem>> -> memref<16x768xf32, #tpu.memory_space<vmem>>
      %dma_start3A_255 = arith.constant 0 : i32
      %dma_start3A_256 = tpu.memref_slice %arg5[%add3A_249, %dma_start3A_255] : memref<32768x768xf32, #tpu.memory_space<hbm>> -> memref<16x768xf32, #tpu.memory_space<hbm>>
      %dma_start3A_257 = arith.constant 0 : i32
      %dma_start3A_258 = tpu.memref_slice %arg5[%add3A_249, %dma_start3A_257] : memref<32768x768xf32, #tpu.memory_space<hbm>> -> memref<16x768xf32, #tpu.memory_space<hbm>>
      %dma_start3A_259 = arith.constant 0 : i32
      %dma_start3A_260 = arith.constant 0 : i32
      %dma_start3A_261 = tpu.memref_slice %arg7[%dma_start3A_250, %dma_start3A_259, %dma_start3A_260] : memref<8x16x768xf32, #tpu.memory_space<vmem>> -> memref<1x16x768xf32, #tpu.memory_space<vmem>>
      %dma_start3A_262 = tpu.memref_squeeze %dma_start3A_261 : memref<1x16x768xf32, #tpu.memory_space<vmem>> -> memref<16x768xf32, #tpu.memory_space<vmem>>
      tpu.enqueue_dma source(%dma_start3A_262 : memref<16x768xf32, #tpu.memory_space<vmem>>) target(%dma_start3A_258 : memref<16x768xf32, #tpu.memory_space<hbm>>) target_semaphore(%arg18 : memref<!tpu.dma_semaphore, #tpu.memory_space<semaphore_mem>>)
      %gt3A_263 = arith.constant 0 : i32
      %gt3A_264 = arith.cmpi sgt, %add3A_156, %gt3A_263 : i32
      %convert_element_type3A_265 = arith.extui %gt3A_264 : i1 to i32
      %cond3A_266 = arith.constant 0 : i32
      %cond3A_267 = arith.cmpi ne, %convert_element_type3A_265, %cond3A_266 : i32
      scf.if %cond3A_267 {
        %add3A_575 = arith.constant 16384 : i32
        %add3A_576 = arith.addi %add3A_575, %mul3A_2 : i32
        %mul3A_577 = arith.constant 16 : i32
        %mul3A_578 = arith.muli %add3A_156, %mul3A_577 : i32
        %add3A_579 = arith.addi %add3A_576, %mul3A_578 : i32
        %dma_wait3A_580 = arith.constant 6 : i32
        %dma_wait3A_581 = arith.constant 0 : i32
        %dma_wait3A_582 = arith.constant 0 : i32
        %dma_wait3A_583 = tpu.memref_slice %arg7[%dma_wait3A_580, %dma_wait3A_581, %dma_wait3A_582] : memref<8x16x768xf32, #tpu.memory_space<vmem>> -> memref<1x16x768xf32, #tpu.memory_space<vmem>>
        %dma_wait3A_584 = tpu.memref_squeeze %dma_wait3A_583 : memref<1x16x768xf32, #tpu.memory_space<vmem>> -> memref<16x768xf32, #tpu.memory_space<vmem>>
        %dma_wait3A_585 = arith.constant 0 : i32
        %dma_wait3A_586 = tpu.memref_slice %arg5[%add3A_579, %dma_wait3A_585] : memref<32768x768xf32, #tpu.memory_space<hbm>> -> memref<16x768xf32, #tpu.memory_space<hbm>>
        %dma_wait3A_587 = arith.constant 0 : i32
        %dma_wait3A_588 = tpu.memref_slice %arg5[%add3A_579, %dma_wait3A_587] : memref<32768x768xf32, #tpu.memory_space<hbm>> -> memref<16x768xf32, #tpu.memory_space<hbm>>
        %dma_wait3A_589 = arith.constant 0 : i32
        %dma_wait3A_590 = arith.constant 0 : i32
        %dma_wait3A_591 = tpu.memref_slice %arg7[%dma_wait3A_580, %dma_wait3A_589, %dma_wait3A_590] : memref<8x16x768xf32, #tpu.memory_space<vmem>> -> memref<1x16x768xf32, #tpu.memory_space<vmem>>
        %dma_wait3A_592 = tpu.memref_squeeze %dma_wait3A_591 : memref<1x16x768xf32, #tpu.memory_space<vmem>> -> memref<16x768xf32, #tpu.memory_space<vmem>>
        tpu.wait_dma2 semaphore(%arg23 : memref<!tpu.dma_semaphore, #tpu.memory_space<semaphore_mem>>) src(%dma_wait3A_592 : memref<16x768xf32, #tpu.memory_space<vmem>>) dst(%dma_wait3A_588 : memref<16x768xf32, #tpu.memory_space<hbm>>)
      } else {
      }
      %lt3A_268 = arith.constant 15 : i32
      %lt3A_269 = arith.cmpi slt, %add3A_156, %lt3A_268 : i32
      %convert_element_type3A_270 = arith.extui %lt3A_269 : i1 to i32
      %cond3A_271 = arith.constant 0 : i32
      %cond3A_272 = arith.cmpi ne, %convert_element_type3A_270, %cond3A_271 : i32
      scf.if %cond3A_272 {
        %add3A_575 = arith.constant 1 : i32
        %add3A_576 = arith.addi %add3A_156, %add3A_575 : i32
        %mul3A_577 = arith.constant 16 : i32
        %mul3A_578 = arith.muli %add3A_576, %mul3A_577 : i32
        %add3A_579 = arith.constant 512 : i32
        %add3A_580 = arith.addi %add3A_579, %mul3A_578 : i32
        %dma_start3A_581 = arith.constant 6 : i32
        %dma_start3A_582 = arith.constant 0 : i32
        %dma_start3A_583 = arith.constant 0 : i32
        %dma_start3A_584 = tpu.memref_slice %arg7[%dma_start3A_581, %dma_start3A_582, %dma_start3A_583] : memref<8x16x768xf32, #tpu.memory_space<vmem>> -> memref<1x16x768xf32, #tpu.memory_space<vmem>>
        %dma_start3A_585 = tpu.memref_squeeze %dma_start3A_584 : memref<1x16x768xf32, #tpu.memory_space<vmem>> -> memref<16x768xf32, #tpu.memory_space<vmem>>
        %dma_start3A_586 = tpu.memref_slice %arg6[%add3A_580] : memref<1024xi32, #tpu.memory_space<vmem>> -> memref<16xi32, #tpu.memory_space<vmem>>
        %dma_start3A_587 = arith.constant 0 : i32
        %dma_start3A_588 = arith.constant 0 : i32
        %dma_start3A_589 = tpu.memref_slice %arg2[%dma_start3A_587, %dma_start3A_588] : memref<100000x768xf32, #tpu.memory_space<hbm>> -> memref<100000x768xf32, #tpu.memory_space<hbm>>
        tpu.enqueue_indirect_dma source(%dma_start3A_589 : memref<100000x768xf32, #tpu.memory_space<hbm>>) target(%dma_start3A_585 : memref<16x768xf32, #tpu.memory_space<vmem>>) offsets(%dma_start3A_586 : memref<16xi32, #tpu.memory_space<vmem>>) semaphore(%arg15 : memref<!tpu.dma_semaphore, #tpu.memory_space<semaphore_mem>>)
      } else {
      }
      %mul3A_273 = arith.constant 16 : i32
      %mul3A_274 = arith.muli %add3A_156, %mul3A_273 : i32
      %add3A_275 = arith.constant 512 : i32
      %add3A_276 = arith.addi %add3A_275, %mul3A_274 : i32
      %dma_wait3A_277 = arith.constant 2 : i32
      %dma_wait3A_278 = arith.constant 0 : i32
      %dma_wait3A_279 = arith.constant 0 : i32
      %dma_wait3A_280 = tpu.memref_slice %arg7[%dma_wait3A_277, %dma_wait3A_278, %dma_wait3A_279] : memref<8x16x768xf32, #tpu.memory_space<vmem>> -> memref<1x16x768xf32, #tpu.memory_space<vmem>>
      %dma_wait3A_281 = tpu.memref_squeeze %dma_wait3A_280 : memref<1x16x768xf32, #tpu.memory_space<vmem>> -> memref<16x768xf32, #tpu.memory_space<vmem>>
      %dma_wait3A_282 = tpu.memref_slice %arg6[%add3A_276] : memref<1024xi32, #tpu.memory_space<vmem>> -> memref<16xi32, #tpu.memory_space<vmem>>
      %dma_wait3A_283 = arith.constant 0 : i32
      %dma_wait3A_284 = arith.constant 0 : i32
      %dma_wait3A_285 = tpu.memref_slice %arg2[%dma_wait3A_283, %dma_wait3A_284] : memref<100000x768xf32, #tpu.memory_space<hbm>> -> memref<100000x768xf32, #tpu.memory_space<hbm>>
      tpu.wait_indirect_dma semaphore(%arg11 : memref<!tpu.dma_semaphore, #tpu.memory_space<semaphore_mem>>) src(%dma_wait3A_285 : memref<100000x768xf32, #tpu.memory_space<hbm>>) dst(%dma_wait3A_281 : memref<16x768xf32, #tpu.memory_space<vmem>>)
      %scan3A_286 = arith.constant 0 : i32
      %scan3A_287 = arith.constant 0 : i32
      %scan3A_288 = arith.constant 16 : i32
      %scan3A_289 = arith.addi %scan3A_287, %scan3A_288 : i32
      %scan3A_290 = arith.constant 1 : i32
      scf.for %scan3A_575 = %scan3A_287 to %scan3A_289 step %scan3A_290  : i32 {
        %parallel_loop3A = arith.constant 0 : i32
        %parallel_loop3A_576 = arith.constant 384 : i32
        %parallel_loop3A_577 = arith.constant 16 : i32
        scf.for %parallel_loop3A_578 = %parallel_loop3A to %parallel_loop3A_576 step %parallel_loop3A_577  : i32 {
          %parallel_loop3A_579 = arith.constant 0 : i32
          %parallel_loop3A_580 = arith.index_cast %parallel_loop3A_579 : i32 to index
          %parallel_loop3A_581 = arith.index_cast %scan3A_575 : i32 to index
          %parallel_loop3A_582 = arith.index_cast %parallel_loop3A_578 : i32 to index
          %parallel_loop3A_583 = tpu.vector_load %arg8[%parallel_loop3A_580, %parallel_loop3A_581, %parallel_loop3A_582] {strides = array<i32>} : memref<2x16x384xi32, #tpu.memory_space<vmem>>, vector<1x1x16xi32>,
          %parallel_loop3A_584 = vector.shape_cast %parallel_loop3A_583 : vector<1x1x16xi32> to vector<16xi32>
          %parallel_loop3A_585 = arith.constant 16 : i32
          %parallel_loop3A_586 = vector.broadcast %parallel_loop3A_585 : i32 to vector<16xi32>
          %parallel_loop3A_587 = arith.shli %parallel_loop3A_584, %parallel_loop3A_586 : vector<16xi32>
          %parallel_loop3A_588 = tpu.bitcast %parallel_loop3A_587 : vector<16xi32> -> vector<16xf32>
          %parallel_loop3A_589 = arith.constant -65536 : i32
          %parallel_loop3A_590 = vector.broadcast %parallel_loop3A_589 : i32 to vector<16xi32>
          %parallel_loop3A_591 = arith.andi %parallel_loop3A_584, %parallel_loop3A_590 : vector<16xi32>
          %parallel_loop3A_592 = tpu.bitcast %parallel_loop3A_591 : vector<16xi32> -> vector<16xf32>
          %parallel_loop3A_593 = arith.constant 2 : i32
          %parallel_loop3A_594 = arith.muli %parallel_loop3A_593, %parallel_loop3A_578 : i32
          %parallel_loop3A_595 = tpu.assume_multiple %parallel_loop3A_594, 32 : i32
          %parallel_loop3A_596 = arith.constant 16 : i32
          %parallel_loop3A_597 = arith.addi %parallel_loop3A_595, %parallel_loop3A_596 : i32
          %parallel_loop3A_598 = arith.constant 2 : i32
          %parallel_loop3A_599 = arith.index_cast %parallel_loop3A_598 : i32 to index
          %parallel_loop3A_600 = arith.index_cast %scan3A_575 : i32 to index
          %parallel_loop3A_601 = arith.index_cast %parallel_loop3A_595 : i32 to index
          %parallel_loop3A_602 = tpu.vector_load %arg7[%parallel_loop3A_599, %parallel_loop3A_600, %parallel_loop3A_601] {strides = array<i32>} : memref<8x16x768xf32, #tpu.memory_space<vmem>>, vector<1x1x16xf32>,
          %parallel_loop3A_603 = vector.shape_cast %parallel_loop3A_602 : vector<1x1x16xf32> to vector<16xf32>
          %parallel_loop3A_604 = arith.constant 27.7128124 : f32
          %parallel_loop3A_605 = vector.broadcast %parallel_loop3A_604 : f32 to vector<16xf32>
          %parallel_loop3A_606 = arith.mulf %parallel_loop3A_603, %parallel_loop3A_605 : vector<16xf32>
          %parallel_loop3A_607 = arith.addf %parallel_loop3A_606, %parallel_loop3A_588 : vector<16xf32>
          %parallel_loop3A_608 = arith.constant 2 : i32
          %parallel_loop3A_609 = arith.index_cast %parallel_loop3A_608 : i32 to index
          %parallel_loop3A_610 = arith.index_cast %scan3A_575 : i32 to index
          %parallel_loop3A_611 = arith.index_cast %parallel_loop3A_595 : i32 to index
          %parallel_loop3A_612 = tpu.vector_load %arg7[%parallel_loop3A_609, %parallel_loop3A_610, %parallel_loop3A_611] {strides = array<i32>} : memref<8x16x768xf32, #tpu.memory_space<vmem>>, vector<1x1x16xf32>,
          %parallel_loop3A_613 = vector.shape_cast %parallel_loop3A_612 : vector<1x1x16xf32> to vector<16xf32>
          %parallel_loop3A_614 = vector.shape_cast %parallel_loop3A_607 : vector<16xf32> to vector<1x1x16xf32>
          tpu.vector_store %arg7[%parallel_loop3A_609, %parallel_loop3A_610, %parallel_loop3A_611], %parallel_loop3A_614 {strides = array<i32>} : memref<8x16x768xf32, #tpu.memory_space<vmem>>, vector<1x1x16xf32>,
          %parallel_loop3A_615 = arith.constant 2 : i32
          %parallel_loop3A_616 = arith.index_cast %parallel_loop3A_615 : i32 to index
          %parallel_loop3A_617 = arith.index_cast %scan3A_575 : i32 to index
          %parallel_loop3A_618 = arith.index_cast %parallel_loop3A_597 : i32 to index
          %parallel_loop3A_619 = tpu.vector_load %arg7[%parallel_loop3A_616, %parallel_loop3A_617, %parallel_loop3A_618] {strides = array<i32>} : memref<8x16x768xf32, #tpu.memory_space<vmem>>, vector<1x1x16xf32>,
          %parallel_loop3A_620 = vector.shape_cast %parallel_loop3A_619 : vector<1x1x16xf32> to vector<16xf32>
          %parallel_loop3A_621 = arith.constant 27.7128124 : f32
          %parallel_loop3A_622 = vector.broadcast %parallel_loop3A_621 : f32 to vector<16xf32>
          %parallel_loop3A_623 = arith.mulf %parallel_loop3A_620, %parallel_loop3A_622 : vector<16xf32>
          %parallel_loop3A_624 = arith.addf %parallel_loop3A_623, %parallel_loop3A_592 : vector<16xf32>
          %parallel_loop3A_625 = arith.constant 2 : i32
          %parallel_loop3A_626 = arith.index_cast %parallel_loop3A_625 : i32 to index
          %parallel_loop3A_627 = arith.index_cast %scan3A_575 : i32 to index
          %parallel_loop3A_628 = arith.index_cast %parallel_loop3A_597 : i32 to index
          %parallel_loop3A_629 = tpu.vector_load %arg7[%parallel_loop3A_626, %parallel_loop3A_627, %parallel_loop3A_628] {strides = array<i32>} : memref<8x16x768xf32, #tpu.memory_space<vmem>>, vector<1x1x16xf32>,
          %parallel_loop3A_630 = vector.shape_cast %parallel_loop3A_629 : vector<1x1x16xf32> to vector<16xf32>
          %parallel_loop3A_631 = vector.shape_cast %parallel_loop3A_624 : vector<16xf32> to vector<1x1x16xf32>
          tpu.vector_store %arg7[%parallel_loop3A_626, %parallel_loop3A_627, %parallel_loop3A_628], %parallel_loop3A_631 {strides = array<i32>} : memref<8x16x768xf32, #tpu.memory_space<vmem>>, vector<1x1x16xf32>,
        } {sc.loop_unroll_factor = 4 : i64, sc.parallel_access}
      }
      %scan3A_291 = arith.constant 16 : i32
      %add3A_292 = arith.constant 16384 : i32
      %add3A_293 = arith.addi %add3A_292, %mul3A_2 : i32
      %mul3A_294 = arith.constant 16 : i32
      %mul3A_295 = arith.muli %add3A_156, %mul3A_294 : i32
      %add3A_296 = arith.addi %add3A_293, %mul3A_295 : i32
      %dma_start3A_297 = arith.constant 2 : i32
      %dma_start3A_298 = arith.constant 0 : i32
      %dma_start3A_299 = arith.constant 0 : i32
      %dma_start3A_300 = tpu.memref_slice %arg7[%dma_start3A_297, %dma_start3A_298, %dma_start3A_299] : memref<8x16x768xf32, #tpu.memory_space<vmem>> -> memref<1x16x768xf32, #tpu.memory_space<vmem>>
      %dma_start3A_301 = tpu.memref_squeeze %dma_start3A_300 : memref<1x16x768xf32, #tpu.memory_space<vmem>> -> memref<16x768xf32, #tpu.memory_space<vmem>>
      %dma_start3A_302 = arith.constant 0 : i32
      %dma_start3A_303 = tpu.memref_slice %arg5[%add3A_296, %dma_start3A_302] : memref<32768x768xf32, #tpu.memory_space<hbm>> -> memref<16x768xf32, #tpu.memory_space<hbm>>
      %dma_start3A_304 = arith.constant 0 : i32
      %dma_start3A_305 = tpu.memref_slice %arg5[%add3A_296, %dma_start3A_304] : memref<32768x768xf32, #tpu.memory_space<hbm>> -> memref<16x768xf32, #tpu.memory_space<hbm>>
      %dma_start3A_306 = arith.constant 0 : i32
      %dma_start3A_307 = arith.constant 0 : i32
      %dma_start3A_308 = tpu.memref_slice %arg7[%dma_start3A_297, %dma_start3A_306, %dma_start3A_307] : memref<8x16x768xf32, #tpu.memory_space<vmem>> -> memref<1x16x768xf32, #tpu.memory_space<vmem>>
      %dma_start3A_309 = tpu.memref_squeeze %dma_start3A_308 : memref<1x16x768xf32, #tpu.memory_space<vmem>> -> memref<16x768xf32, #tpu.memory_space<vmem>>
      tpu.enqueue_dma source(%dma_start3A_309 : memref<16x768xf32, #tpu.memory_space<vmem>>) target(%dma_start3A_305 : memref<16x768xf32, #tpu.memory_space<hbm>>) target_semaphore(%arg19 : memref<!tpu.dma_semaphore, #tpu.memory_space<semaphore_mem>>)
      %gt3A_310 = arith.constant 0 : i32
      %gt3A_311 = arith.cmpi sgt, %add3A_156, %gt3A_310 : i32
      %convert_element_type3A_312 = arith.extui %gt3A_311 : i1 to i32
      %cond3A_313 = arith.constant 0 : i32
      %cond3A_314 = arith.cmpi ne, %convert_element_type3A_312, %cond3A_313 : i32
      scf.if %cond3A_314 {
        %add3A_575 = arith.constant 24576 : i32
        %add3A_576 = arith.addi %add3A_575, %mul3A_2 : i32
        %mul3A_577 = arith.constant 16 : i32
        %mul3A_578 = arith.muli %add3A_156, %mul3A_577 : i32
        %add3A_579 = arith.addi %add3A_576, %mul3A_578 : i32
        %dma_wait3A_580 = arith.constant 7 : i32
        %dma_wait3A_581 = arith.constant 0 : i32
        %dma_wait3A_582 = arith.constant 0 : i32
        %dma_wait3A_583 = tpu.memref_slice %arg7[%dma_wait3A_580, %dma_wait3A_581, %dma_wait3A_582] : memref<8x16x768xf32, #tpu.memory_space<vmem>> -> memref<1x16x768xf32, #tpu.memory_space<vmem>>
        %dma_wait3A_584 = tpu.memref_squeeze %dma_wait3A_583 : memref<1x16x768xf32, #tpu.memory_space<vmem>> -> memref<16x768xf32, #tpu.memory_space<vmem>>
        %dma_wait3A_585 = arith.constant 0 : i32
        %dma_wait3A_586 = tpu.memref_slice %arg5[%add3A_579, %dma_wait3A_585] : memref<32768x768xf32, #tpu.memory_space<hbm>> -> memref<16x768xf32, #tpu.memory_space<hbm>>
        %dma_wait3A_587 = arith.constant 0 : i32
        %dma_wait3A_588 = tpu.memref_slice %arg5[%add3A_579, %dma_wait3A_587] : memref<32768x768xf32, #tpu.memory_space<hbm>> -> memref<16x768xf32, #tpu.memory_space<hbm>>
        %dma_wait3A_589 = arith.constant 0 : i32
        %dma_wait3A_590 = arith.constant 0 : i32
        %dma_wait3A_591 = tpu.memref_slice %arg7[%dma_wait3A_580, %dma_wait3A_589, %dma_wait3A_590] : memref<8x16x768xf32, #tpu.memory_space<vmem>> -> memref<1x16x768xf32, #tpu.memory_space<vmem>>
        %dma_wait3A_592 = tpu.memref_squeeze %dma_wait3A_591 : memref<1x16x768xf32, #tpu.memory_space<vmem>> -> memref<16x768xf32, #tpu.memory_space<vmem>>
        tpu.wait_dma2 semaphore(%arg24 : memref<!tpu.dma_semaphore, #tpu.memory_space<semaphore_mem>>) src(%dma_wait3A_592 : memref<16x768xf32, #tpu.memory_space<vmem>>) dst(%dma_wait3A_588 : memref<16x768xf32, #tpu.memory_space<hbm>>)
      } else {
      }
      %lt3A_315 = arith.constant 15 : i32
      %lt3A_316 = arith.cmpi slt, %add3A_156, %lt3A_315 : i32
      %convert_element_type3A_317 = arith.extui %lt3A_316 : i1 to i32
      %cond3A_318 = arith.constant 0 : i32
      %cond3A_319 = arith.cmpi ne, %convert_element_type3A_317, %cond3A_318 : i32
      scf.if %cond3A_319 {
        %add3A_575 = arith.constant 1 : i32
        %add3A_576 = arith.addi %add3A_156, %add3A_575 : i32
        %mul3A_577 = arith.constant 16 : i32
        %mul3A_578 = arith.muli %add3A_576, %mul3A_577 : i32
        %add3A_579 = arith.constant 768 : i32
        %add3A_580 = arith.addi %add3A_579, %mul3A_578 : i32
        %dma_start3A_581 = arith.constant 7 : i32
        %dma_start3A_582 = arith.constant 0 : i32
        %dma_start3A_583 = arith.constant 0 : i32
        %dma_start3A_584 = tpu.memref_slice %arg7[%dma_start3A_581, %dma_start3A_582, %dma_start3A_583] : memref<8x16x768xf32, #tpu.memory_space<vmem>> -> memref<1x16x768xf32, #tpu.memory_space<vmem>>
        %dma_start3A_585 = tpu.memref_squeeze %dma_start3A_584 : memref<1x16x768xf32, #tpu.memory_space<vmem>> -> memref<16x768xf32, #tpu.memory_space<vmem>>
        %dma_start3A_586 = tpu.memref_slice %arg6[%add3A_580] : memref<1024xi32, #tpu.memory_space<vmem>> -> memref<16xi32, #tpu.memory_space<vmem>>
        %dma_start3A_587 = arith.constant 0 : i32
        %dma_start3A_588 = arith.constant 0 : i32
        %dma_start3A_589 = tpu.memref_slice %arg2[%dma_start3A_587, %dma_start3A_588] : memref<100000x768xf32, #tpu.memory_space<hbm>> -> memref<100000x768xf32, #tpu.memory_space<hbm>>
        tpu.enqueue_indirect_dma source(%dma_start3A_589 : memref<100000x768xf32, #tpu.memory_space<hbm>>) target(%dma_start3A_585 : memref<16x768xf32, #tpu.memory_space<vmem>>) offsets(%dma_start3A_586 : memref<16xi32, #tpu.memory_space<vmem>>) semaphore(%arg16 : memref<!tpu.dma_semaphore, #tpu.memory_space<semaphore_mem>>)
      } else {
      }
      %mul3A_320 = arith.constant 16 : i32
      %mul3A_321 = arith.muli %add3A_156, %mul3A_320 : i32
      %add3A_322 = arith.constant 768 : i32
      %add3A_323 = arith.addi %add3A_322, %mul3A_321 : i32
      %dma_wait3A_324 = arith.constant 3 : i32
      %dma_wait3A_325 = arith.constant 0 : i32
      %dma_wait3A_326 = arith.constant 0 : i32
      %dma_wait3A_327 = tpu.memref_slice %arg7[%dma_wait3A_324, %dma_wait3A_325, %dma_wait3A_326] : memref<8x16x768xf32, #tpu.memory_space<vmem>> -> memref<1x16x768xf32, #tpu.memory_space<vmem>>
      %dma_wait3A_328 = tpu.memref_squeeze %dma_wait3A_327 : memref<1x16x768xf32, #tpu.memory_space<vmem>> -> memref<16x768xf32, #tpu.memory_space<vmem>>
      %dma_wait3A_329 = tpu.memref_slice %arg6[%add3A_323] : memref<1024xi32, #tpu.memory_space<vmem>> -> memref<16xi32, #tpu.memory_space<vmem>>
      %dma_wait3A_330 = arith.constant 0 : i32
      %dma_wait3A_331 = arith.constant 0 : i32
      %dma_wait3A_332 = tpu.memref_slice %arg2[%dma_wait3A_330, %dma_wait3A_331] : memref<100000x768xf32, #tpu.memory_space<hbm>> -> memref<100000x768xf32, #tpu.memory_space<hbm>>
      tpu.wait_indirect_dma semaphore(%arg12 : memref<!tpu.dma_semaphore, #tpu.memory_space<semaphore_mem>>) src(%dma_wait3A_332 : memref<100000x768xf32, #tpu.memory_space<hbm>>) dst(%dma_wait3A_328 : memref<16x768xf32, #tpu.memory_space<vmem>>)
      %scan3A_333 = arith.constant 0 : i32
      %scan3A_334 = arith.constant 0 : i32
      %scan3A_335 = arith.constant 16 : i32
      %scan3A_336 = arith.addi %scan3A_334, %scan3A_335 : i32
      %scan3A_337 = arith.constant 1 : i32
      scf.for %scan3A_575 = %scan3A_334 to %scan3A_336 step %scan3A_337  : i32 {
        %parallel_loop3A = arith.constant 0 : i32
        %parallel_loop3A_576 = arith.constant 384 : i32
        %parallel_loop3A_577 = arith.constant 16 : i32
        scf.for %parallel_loop3A_578 = %parallel_loop3A to %parallel_loop3A_576 step %parallel_loop3A_577  : i32 {
          %parallel_loop3A_579 = arith.constant 0 : i32
          %parallel_loop3A_580 = arith.index_cast %parallel_loop3A_579 : i32 to index
          %parallel_loop3A_581 = arith.index_cast %scan3A_575 : i32 to index
          %parallel_loop3A_582 = arith.index_cast %parallel_loop3A_578 : i32 to index
          %parallel_loop3A_583 = tpu.vector_load %arg8[%parallel_loop3A_580, %parallel_loop3A_581, %parallel_loop3A_582] {strides = array<i32>} : memref<2x16x384xi32, #tpu.memory_space<vmem>>, vector<1x1x16xi32>,
          %parallel_loop3A_584 = vector.shape_cast %parallel_loop3A_583 : vector<1x1x16xi32> to vector<16xi32>
          %parallel_loop3A_585 = arith.constant 16 : i32
          %parallel_loop3A_586 = vector.broadcast %parallel_loop3A_585 : i32 to vector<16xi32>
          %parallel_loop3A_587 = arith.shli %parallel_loop3A_584, %parallel_loop3A_586 : vector<16xi32>
          %parallel_loop3A_588 = tpu.bitcast %parallel_loop3A_587 : vector<16xi32> -> vector<16xf32>
          %parallel_loop3A_589 = arith.constant -65536 : i32
          %parallel_loop3A_590 = vector.broadcast %parallel_loop3A_589 : i32 to vector<16xi32>
          %parallel_loop3A_591 = arith.andi %parallel_loop3A_584, %parallel_loop3A_590 : vector<16xi32>
          %parallel_loop3A_592 = tpu.bitcast %parallel_loop3A_591 : vector<16xi32> -> vector<16xf32>
          %parallel_loop3A_593 = arith.constant 2 : i32
          %parallel_loop3A_594 = arith.muli %parallel_loop3A_593, %parallel_loop3A_578 : i32
          %parallel_loop3A_595 = tpu.assume_multiple %parallel_loop3A_594, 32 : i32
          %parallel_loop3A_596 = arith.constant 16 : i32
          %parallel_loop3A_597 = arith.addi %parallel_loop3A_595, %parallel_loop3A_596 : i32
          %parallel_loop3A_598 = arith.constant 3 : i32
          %parallel_loop3A_599 = arith.index_cast %parallel_loop3A_598 : i32 to index
          %parallel_loop3A_600 = arith.index_cast %scan3A_575 : i32 to index
          %parallel_loop3A_601 = arith.index_cast %parallel_loop3A_595 : i32 to index
          %parallel_loop3A_602 = tpu.vector_load %arg7[%parallel_loop3A_599, %parallel_loop3A_600, %parallel_loop3A_601] {strides = array<i32>} : memref<8x16x768xf32, #tpu.memory_space<vmem>>, vector<1x1x16xf32>,
          %parallel_loop3A_603 = vector.shape_cast %parallel_loop3A_602 : vector<1x1x16xf32> to vector<16xf32>
          %parallel_loop3A_604 = arith.constant 27.7128124 : f32
          %parallel_loop3A_605 = vector.broadcast %parallel_loop3A_604 : f32 to vector<16xf32>
          %parallel_loop3A_606 = arith.mulf %parallel_loop3A_603, %parallel_loop3A_605 : vector<16xf32>
          %parallel_loop3A_607 = arith.addf %parallel_loop3A_606, %parallel_loop3A_588 : vector<16xf32>
          %parallel_loop3A_608 = arith.constant 3 : i32
          %parallel_loop3A_609 = arith.index_cast %parallel_loop3A_608 : i32 to index
          %parallel_loop3A_610 = arith.index_cast %scan3A_575 : i32 to index
          %parallel_loop3A_611 = arith.index_cast %parallel_loop3A_595 : i32 to index
          %parallel_loop3A_612 = tpu.vector_load %arg7[%parallel_loop3A_609, %parallel_loop3A_610, %parallel_loop3A_611] {strides = array<i32>} : memref<8x16x768xf32, #tpu.memory_space<vmem>>, vector<1x1x16xf32>,
          %parallel_loop3A_613 = vector.shape_cast %parallel_loop3A_612 : vector<1x1x16xf32> to vector<16xf32>
          %parallel_loop3A_614 = vector.shape_cast %parallel_loop3A_607 : vector<16xf32> to vector<1x1x16xf32>
          tpu.vector_store %arg7[%parallel_loop3A_609, %parallel_loop3A_610, %parallel_loop3A_611], %parallel_loop3A_614 {strides = array<i32>} : memref<8x16x768xf32, #tpu.memory_space<vmem>>, vector<1x1x16xf32>,
          %parallel_loop3A_615 = arith.constant 3 : i32
          %parallel_loop3A_616 = arith.index_cast %parallel_loop3A_615 : i32 to index
          %parallel_loop3A_617 = arith.index_cast %scan3A_575 : i32 to index
          %parallel_loop3A_618 = arith.index_cast %parallel_loop3A_597 : i32 to index
          %parallel_loop3A_619 = tpu.vector_load %arg7[%parallel_loop3A_616, %parallel_loop3A_617, %parallel_loop3A_618] {strides = array<i32>} : memref<8x16x768xf32, #tpu.memory_space<vmem>>, vector<1x1x16xf32>,
          %parallel_loop3A_620 = vector.shape_cast %parallel_loop3A_619 : vector<1x1x16xf32> to vector<16xf32>
          %parallel_loop3A_621 = arith.constant 27.7128124 : f32
          %parallel_loop3A_622 = vector.broadcast %parallel_loop3A_621 : f32 to vector<16xf32>
          %parallel_loop3A_623 = arith.mulf %parallel_loop3A_620, %parallel_loop3A_622 : vector<16xf32>
          %parallel_loop3A_624 = arith.addf %parallel_loop3A_623, %parallel_loop3A_592 : vector<16xf32>
          %parallel_loop3A_625 = arith.constant 3 : i32
          %parallel_loop3A_626 = arith.index_cast %parallel_loop3A_625 : i32 to index
          %parallel_loop3A_627 = arith.index_cast %scan3A_575 : i32 to index
          %parallel_loop3A_628 = arith.index_cast %parallel_loop3A_597 : i32 to index
          %parallel_loop3A_629 = tpu.vector_load %arg7[%parallel_loop3A_626, %parallel_loop3A_627, %parallel_loop3A_628] {strides = array<i32>} : memref<8x16x768xf32, #tpu.memory_space<vmem>>, vector<1x1x16xf32>,
          %parallel_loop3A_630 = vector.shape_cast %parallel_loop3A_629 : vector<1x1x16xf32> to vector<16xf32>
          %parallel_loop3A_631 = vector.shape_cast %parallel_loop3A_624 : vector<16xf32> to vector<1x1x16xf32>
          tpu.vector_store %arg7[%parallel_loop3A_626, %parallel_loop3A_627, %parallel_loop3A_628], %parallel_loop3A_631 {strides = array<i32>} : memref<8x16x768xf32, #tpu.memory_space<vmem>>, vector<1x1x16xf32>,
        } {sc.loop_unroll_factor = 4 : i64, sc.parallel_access}
      }
      %scan3A_338 = arith.constant 16 : i32
      %add3A_339 = arith.constant 24576 : i32
      %add3A_340 = arith.addi %add3A_339, %mul3A_2 : i32
      %mul3A_341 = arith.constant 16 : i32
      %mul3A_342 = arith.muli %add3A_156, %mul3A_341 : i32
      %add3A_343 = arith.addi %add3A_340, %mul3A_342 : i32
      %dma_start3A_344 = arith.constant 3 : i32
      %dma_start3A_345 = arith.constant 0 : i32
      %dma_start3A_346 = arith.constant 0 : i32
      %dma_start3A_347 = tpu.memref_slice %arg7[%dma_start3A_344, %dma_start3A_345, %dma_start3A_346] : memref<8x16x768xf32, #tpu.memory_space<vmem>> -> memref<1x16x768xf32, #tpu.memory_space<vmem>>
      %dma_start3A_348 = tpu.memref_squeeze %dma_start3A_347 : memref<1x16x768xf32, #tpu.memory_space<vmem>> -> memref<16x768xf32, #tpu.memory_space<vmem>>
      %dma_start3A_349 = arith.constant 0 : i32
      %dma_start3A_350 = tpu.memref_slice %arg5[%add3A_343, %dma_start3A_349] : memref<32768x768xf32, #tpu.memory_space<hbm>> -> memref<16x768xf32, #tpu.memory_space<hbm>>
      %dma_start3A_351 = arith.constant 0 : i32
      %dma_start3A_352 = tpu.memref_slice %arg5[%add3A_343, %dma_start3A_351] : memref<32768x768xf32, #tpu.memory_space<hbm>> -> memref<16x768xf32, #tpu.memory_space<hbm>>
      %dma_start3A_353 = arith.constant 0 : i32
      %dma_start3A_354 = arith.constant 0 : i32
      %dma_start3A_355 = tpu.memref_slice %arg7[%dma_start3A_344, %dma_start3A_353, %dma_start3A_354] : memref<8x16x768xf32, #tpu.memory_space<vmem>> -> memref<1x16x768xf32, #tpu.memory_space<vmem>>
      %dma_start3A_356 = tpu.memref_squeeze %dma_start3A_355 : memref<1x16x768xf32, #tpu.memory_space<vmem>> -> memref<16x768xf32, #tpu.memory_space<vmem>>
      tpu.enqueue_dma source(%dma_start3A_356 : memref<16x768xf32, #tpu.memory_space<vmem>>) target(%dma_start3A_352 : memref<16x768xf32, #tpu.memory_space<hbm>>) target_semaphore(%arg20 : memref<!tpu.dma_semaphore, #tpu.memory_space<semaphore_mem>>)
      %lt3A_357 = arith.constant 14 : i32
      %lt3A_358 = arith.cmpi slt, %add3A_156, %lt3A_357 : i32
      %convert_element_type3A_359 = arith.extui %lt3A_358 : i1 to i32
      %cond3A_360 = arith.constant 0 : i32
      %cond3A_361 = arith.cmpi ne, %convert_element_type3A_359, %cond3A_360 : i32
      scf.if %cond3A_361 {
        %add3A_575 = arith.constant 2 : i32
        %add3A_576 = arith.addi %add3A_156, %add3A_575 : i32
        %mul3A_577 = arith.constant 16 : i32
        %mul3A_578 = arith.muli %add3A_576, %mul3A_577 : i32
        %add3A_579 = arith.addi %mul3A_2, %mul3A_578 : i32
        %dma_start3A_580 = arith.constant 0 : i32
        %dma_start3A_581 = arith.constant 0 : i32
        %dma_start3A_582 = arith.constant 0 : i32
        %dma_start3A_583 = tpu.memref_slice %arg8[%dma_start3A_580, %dma_start3A_581, %dma_start3A_582] : memref<2x16x384xi32, #tpu.memory_space<vmem>> -> memref<1x16x384xi32, #tpu.memory_space<vmem>>
        %dma_start3A_584 = tpu.memref_squeeze %dma_start3A_583 : memref<1x16x384xi32, #tpu.memory_space<vmem>> -> memref<16x384xi32, #tpu.memory_space<vmem>>
        %dma_start3A_585 = arith.constant 0 : i32
        %dma_start3A_586 = tpu.memref_slice %arg4[%add3A_579, %dma_start3A_585] : memref<8192x384xi32, #tpu.memory_space<hbm>> -> memref<16x384xi32, #tpu.memory_space<hbm>>
        %dma_start3A_587 = arith.constant 0 : i32
        %dma_start3A_588 = arith.constant 0 : i32
        %dma_start3A_589 = tpu.memref_slice %arg8[%dma_start3A_580, %dma_start3A_587, %dma_start3A_588] : memref<2x16x384xi32, #tpu.memory_space<vmem>> -> memref<1x16x384xi32, #tpu.memory_space<vmem>>
        %dma_start3A_590 = tpu.memref_squeeze %dma_start3A_589 : memref<1x16x384xi32, #tpu.memory_space<vmem>> -> memref<16x384xi32, #tpu.memory_space<vmem>>
        %dma_start3A_591 = arith.constant 0 : i32
        %dma_start3A_592 = tpu.memref_slice %arg4[%add3A_579, %dma_start3A_591] : memref<8192x384xi32, #tpu.memory_space<hbm>> -> memref<16x384xi32, #tpu.memory_space<hbm>>
        tpu.enqueue_dma source(%dma_start3A_592 : memref<16x384xi32, #tpu.memory_space<hbm>>) target(%dma_start3A_590 : memref<16x384xi32, #tpu.memory_space<vmem>>) target_semaphore(%arg25 : memref<!tpu.dma_semaphore, #tpu.memory_space<semaphore_mem>>)
      } else {
      }
      %mul3A_362 = arith.constant 2 : i32
      %mul3A_363 = arith.muli %mul3A_362, %scan3A_152 : i32
      %add3A_364 = arith.constant 1 : i32
      %add3A_365 = arith.addi %mul3A_363, %add3A_364 : i32
      %mul3A_366 = arith.constant 16 : i32
      %mul3A_367 = arith.muli %add3A_365, %mul3A_366 : i32
      %add3A_368 = arith.addi %mul3A_2, %mul3A_367 : i32
      %dma_wait3A_369 = arith.constant 1 : i32
      %dma_wait3A_370 = arith.constant 0 : i32
      %dma_wait3A_371 = arith.constant 0 : i32
      %dma_wait3A_372 = tpu.memref_slice %arg8[%dma_wait3A_369, %dma_wait3A_370, %dma_wait3A_371] : memref<2x16x384xi32, #tpu.memory_space<vmem>> -> memref<1x16x384xi32, #tpu.memory_space<vmem>>
      %dma_wait3A_373 = tpu.memref_squeeze %dma_wait3A_372 : memref<1x16x384xi32, #tpu.memory_space<vmem>> -> memref<16x384xi32, #tpu.memory_space<vmem>>
      %dma_wait3A_374 = arith.constant 0 : i32
      %dma_wait3A_375 = tpu.memref_slice %arg4[%add3A_368, %dma_wait3A_374] : memref<8192x384xi32, #tpu.memory_space<hbm>> -> memref<16x384xi32, #tpu.memory_space<hbm>>
      %dma_wait3A_376 = arith.constant 0 : i32
      %dma_wait3A_377 = arith.constant 0 : i32
      %dma_wait3A_378 = tpu.memref_slice %arg8[%dma_wait3A_369, %dma_wait3A_376, %dma_wait3A_377] : memref<2x16x384xi32, #tpu.memory_space<vmem>> -> memref<1x16x384xi32, #tpu.memory_space<vmem>>
      %dma_wait3A_379 = tpu.memref_squeeze %dma_wait3A_378 : memref<1x16x384xi32, #tpu.memory_space<vmem>> -> memref<16x384xi32, #tpu.memory_space<vmem>>
      %dma_wait3A_380 = arith.constant 0 : i32
      %dma_wait3A_381 = tpu.memref_slice %arg4[%add3A_368, %dma_wait3A_380] : memref<8192x384xi32, #tpu.memory_space<hbm>> -> memref<16x384xi32, #tpu.memory_space<hbm>>
      tpu.wait_dma2 semaphore(%arg26 : memref<!tpu.dma_semaphore, #tpu.memory_space<semaphore_mem>>) src(%dma_wait3A_381 : memref<16x384xi32, #tpu.memory_space<hbm>>) dst(%dma_wait3A_379 : memref<16x384xi32, #tpu.memory_space<vmem>>)
      %gt3A_382 = arith.constant 0 : i32
      %gt3A_383 = arith.cmpi sgt, %add3A_365, %gt3A_382 : i32
      %convert_element_type3A_384 = arith.extui %gt3A_383 : i1 to i32
      %cond3A_385 = arith.constant 0 : i32
      %cond3A_386 = arith.cmpi ne, %convert_element_type3A_384, %cond3A_385 : i32
      scf.if %cond3A_386 {
        %add3A_575 = arith.constant 0 : i32
        %add3A_576 = arith.addi %add3A_575, %mul3A_2 : i32
        %mul3A_577 = arith.constant 16 : i32
        %mul3A_578 = arith.muli %add3A_365, %mul3A_577 : i32
        %add3A_579 = arith.addi %add3A_576, %mul3A_578 : i32
        %dma_wait3A_580 = arith.constant 0 : i32
        %dma_wait3A_581 = arith.constant 0 : i32
        %dma_wait3A_582 = arith.constant 0 : i32
        %dma_wait3A_583 = tpu.memref_slice %arg7[%dma_wait3A_580, %dma_wait3A_581, %dma_wait3A_582] : memref<8x16x768xf32, #tpu.memory_space<vmem>> -> memref<1x16x768xf32, #tpu.memory_space<vmem>>
        %dma_wait3A_584 = tpu.memref_squeeze %dma_wait3A_583 : memref<1x16x768xf32, #tpu.memory_space<vmem>> -> memref<16x768xf32, #tpu.memory_space<vmem>>
        %dma_wait3A_585 = arith.constant 0 : i32
        %dma_wait3A_586 = tpu.memref_slice %arg5[%add3A_579, %dma_wait3A_585] : memref<32768x768xf32, #tpu.memory_space<hbm>> -> memref<16x768xf32, #tpu.memory_space<hbm>>
        %dma_wait3A_587 = arith.constant 0 : i32
        %dma_wait3A_588 = tpu.memref_slice %arg5[%add3A_579, %dma_wait3A_587] : memref<32768x768xf32, #tpu.memory_space<hbm>> -> memref<16x768xf32, #tpu.memory_space<hbm>>
        %dma_wait3A_589 = arith.constant 0 : i32
        %dma_wait3A_590 = arith.constant 0 : i32
        %dma_wait3A_591 = tpu.memref_slice %arg7[%dma_wait3A_580, %dma_wait3A_589, %dma_wait3A_590] : memref<8x16x768xf32, #tpu.memory_space<vmem>> -> memref<1x16x768xf32, #tpu.memory_space<vmem>>
        %dma_wait3A_592 = tpu.memref_squeeze %dma_wait3A_591 : memref<1x16x768xf32, #tpu.memory_space<vmem>> -> memref<16x768xf32, #tpu.memory_space<vmem>>
        tpu.wait_dma2 semaphore(%arg17 : memref<!tpu.dma_semaphore, #tpu.memory_space<semaphore_mem>>) src(%dma_wait3A_592 : memref<16x768xf32, #tpu.memory_space<vmem>>) dst(%dma_wait3A_588 : memref<16x768xf32, #tpu.memory_space<hbm>>)
      } else {
      }
      %lt3A_387 = arith.constant 15 : i32
      %lt3A_388 = arith.cmpi slt, %add3A_365, %lt3A_387 : i32
      %convert_element_type3A_389 = arith.extui %lt3A_388 : i1 to i32
      %cond3A_390 = arith.constant 0 : i32
      %cond3A_391 = arith.cmpi ne, %convert_element_type3A_389, %cond3A_390 : i32
      scf.if %cond3A_391 {
        %add3A_575 = arith.constant 1 : i32
        %add3A_576 = arith.addi %add3A_365, %add3A_575 : i32
        %mul3A_577 = arith.constant 16 : i32
        %mul3A_578 = arith.muli %add3A_576, %mul3A_577 : i32
        %add3A_579 = arith.constant 0 : i32
        %add3A_580 = arith.addi %add3A_579, %mul3A_578 : i32
        %dma_start3A_581 = arith.constant 0 : i32
        %dma_start3A_582 = arith.constant 0 : i32
        %dma_start3A_583 = arith.constant 0 : i32
        %dma_start3A_584 = tpu.memref_slice %arg7[%dma_start3A_581, %dma_start3A_582, %dma_start3A_583] : memref<8x16x768xf32, #tpu.memory_space<vmem>> -> memref<1x16x768xf32, #tpu.memory_space<vmem>>
        %dma_start3A_585 = tpu.memref_squeeze %dma_start3A_584 : memref<1x16x768xf32, #tpu.memory_space<vmem>> -> memref<16x768xf32, #tpu.memory_space<vmem>>
        %dma_start3A_586 = tpu.memref_slice %arg6[%add3A_580] : memref<1024xi32, #tpu.memory_space<vmem>> -> memref<16xi32, #tpu.memory_space<vmem>>
        %dma_start3A_587 = arith.constant 0 : i32
        %dma_start3A_588 = arith.constant 0 : i32
        %dma_start3A_589 = tpu.memref_slice %arg2[%dma_start3A_587, %dma_start3A_588] : memref<100000x768xf32, #tpu.memory_space<hbm>> -> memref<100000x768xf32, #tpu.memory_space<hbm>>
        tpu.enqueue_indirect_dma source(%dma_start3A_589 : memref<100000x768xf32, #tpu.memory_space<hbm>>) target(%dma_start3A_585 : memref<16x768xf32, #tpu.memory_space<vmem>>) offsets(%dma_start3A_586 : memref<16xi32, #tpu.memory_space<vmem>>) semaphore(%arg9 : memref<!tpu.dma_semaphore, #tpu.memory_space<semaphore_mem>>)
      } else {
      }
      %mul3A_392 = arith.constant 16 : i32
      %mul3A_393 = arith.muli %add3A_365, %mul3A_392 : i32
      %add3A_394 = arith.constant 0 : i32
      %add3A_395 = arith.addi %add3A_394, %mul3A_393 : i32
      %dma_wait3A_396 = arith.constant 4 : i32
      %dma_wait3A_397 = arith.constant 0 : i32
      %dma_wait3A_398 = arith.constant 0 : i32
      %dma_wait3A_399 = tpu.memref_slice %arg7[%dma_wait3A_396, %dma_wait3A_397, %dma_wait3A_398] : memref<8x16x768xf32, #tpu.memory_space<vmem>> -> memref<1x16x768xf32, #tpu.memory_space<vmem>>
      %dma_wait3A_400 = tpu.memref_squeeze %dma_wait3A_399 : memref<1x16x768xf32, #tpu.memory_space<vmem>> -> memref<16x768xf32, #tpu.memory_space<vmem>>
      %dma_wait3A_401 = tpu.memref_slice %arg6[%add3A_395] : memref<1024xi32, #tpu.memory_space<vmem>> -> memref<16xi32, #tpu.memory_space<vmem>>
      %dma_wait3A_402 = arith.constant 0 : i32
      %dma_wait3A_403 = arith.constant 0 : i32
      %dma_wait3A_404 = tpu.memref_slice %arg2[%dma_wait3A_402, %dma_wait3A_403] : memref<100000x768xf32, #tpu.memory_space<hbm>> -> memref<100000x768xf32, #tpu.memory_space<hbm>>
      tpu.wait_indirect_dma semaphore(%arg13 : memref<!tpu.dma_semaphore, #tpu.memory_space<semaphore_mem>>) src(%dma_wait3A_404 : memref<100000x768xf32, #tpu.memory_space<hbm>>) dst(%dma_wait3A_400 : memref<16x768xf32, #tpu.memory_space<vmem>>)
      %scan3A_405 = arith.constant 0 : i32
      %scan3A_406 = arith.constant 0 : i32
      %scan3A_407 = arith.constant 16 : i32
      %scan3A_408 = arith.addi %scan3A_406, %scan3A_407 : i32
      %scan3A_409 = arith.constant 1 : i32
      scf.for %scan3A_575 = %scan3A_406 to %scan3A_408 step %scan3A_409  : i32 {
        %parallel_loop3A = arith.constant 0 : i32
        %parallel_loop3A_576 = arith.constant 384 : i32
        %parallel_loop3A_577 = arith.constant 16 : i32
        scf.for %parallel_loop3A_578 = %parallel_loop3A to %parallel_loop3A_576 step %parallel_loop3A_577  : i32 {
          %parallel_loop3A_579 = arith.constant 1 : i32
          %parallel_loop3A_580 = arith.index_cast %parallel_loop3A_579 : i32 to index
          %parallel_loop3A_581 = arith.index_cast %scan3A_575 : i32 to index
          %parallel_loop3A_582 = arith.index_cast %parallel_loop3A_578 : i32 to index
          %parallel_loop3A_583 = tpu.vector_load %arg8[%parallel_loop3A_580, %parallel_loop3A_581, %parallel_loop3A_582] {strides = array<i32>} : memref<2x16x384xi32, #tpu.memory_space<vmem>>, vector<1x1x16xi32>,
          %parallel_loop3A_584 = vector.shape_cast %parallel_loop3A_583 : vector<1x1x16xi32> to vector<16xi32>
          %parallel_loop3A_585 = arith.constant 16 : i32
          %parallel_loop3A_586 = vector.broadcast %parallel_loop3A_585 : i32 to vector<16xi32>
          %parallel_loop3A_587 = arith.shli %parallel_loop3A_584, %parallel_loop3A_586 : vector<16xi32>
          %parallel_loop3A_588 = tpu.bitcast %parallel_loop3A_587 : vector<16xi32> -> vector<16xf32>
          %parallel_loop3A_589 = arith.constant -65536 : i32
          %parallel_loop3A_590 = vector.broadcast %parallel_loop3A_589 : i32 to vector<16xi32>
          %parallel_loop3A_591 = arith.andi %parallel_loop3A_584, %parallel_loop3A_590 : vector<16xi32>
          %parallel_loop3A_592 = tpu.bitcast %parallel_loop3A_591 : vector<16xi32> -> vector<16xf32>
          %parallel_loop3A_593 = arith.constant 2 : i32
          %parallel_loop3A_594 = arith.muli %parallel_loop3A_593, %parallel_loop3A_578 : i32
          %parallel_loop3A_595 = tpu.assume_multiple %parallel_loop3A_594, 32 : i32
          %parallel_loop3A_596 = arith.constant 16 : i32
          %parallel_loop3A_597 = arith.addi %parallel_loop3A_595, %parallel_loop3A_596 : i32
          %parallel_loop3A_598 = arith.constant 4 : i32
          %parallel_loop3A_599 = arith.index_cast %parallel_loop3A_598 : i32 to index
          %parallel_loop3A_600 = arith.index_cast %scan3A_575 : i32 to index
          %parallel_loop3A_601 = arith.index_cast %parallel_loop3A_595 : i32 to index
          %parallel_loop3A_602 = tpu.vector_load %arg7[%parallel_loop3A_599, %parallel_loop3A_600, %parallel_loop3A_601] {strides = array<i32>} : memref<8x16x768xf32, #tpu.memory_space<vmem>>, vector<1x1x16xf32>,
          %parallel_loop3A_603 = vector.shape_cast %parallel_loop3A_602 : vector<1x1x16xf32> to vector<16xf32>
          %parallel_loop3A_604 = arith.constant 27.7128124 : f32
          %parallel_loop3A_605 = vector.broadcast %parallel_loop3A_604 : f32 to vector<16xf32>
          %parallel_loop3A_606 = arith.mulf %parallel_loop3A_603, %parallel_loop3A_605 : vector<16xf32>
          %parallel_loop3A_607 = arith.addf %parallel_loop3A_606, %parallel_loop3A_588 : vector<16xf32>
          %parallel_loop3A_608 = arith.constant 4 : i32
          %parallel_loop3A_609 = arith.index_cast %parallel_loop3A_608 : i32 to index
          %parallel_loop3A_610 = arith.index_cast %scan3A_575 : i32 to index
          %parallel_loop3A_611 = arith.index_cast %parallel_loop3A_595 : i32 to index
          %parallel_loop3A_612 = tpu.vector_load %arg7[%parallel_loop3A_609, %parallel_loop3A_610, %parallel_loop3A_611] {strides = array<i32>} : memref<8x16x768xf32, #tpu.memory_space<vmem>>, vector<1x1x16xf32>,
          %parallel_loop3A_613 = vector.shape_cast %parallel_loop3A_612 : vector<1x1x16xf32> to vector<16xf32>
          %parallel_loop3A_614 = vector.shape_cast %parallel_loop3A_607 : vector<16xf32> to vector<1x1x16xf32>
          tpu.vector_store %arg7[%parallel_loop3A_609, %parallel_loop3A_610, %parallel_loop3A_611], %parallel_loop3A_614 {strides = array<i32>} : memref<8x16x768xf32, #tpu.memory_space<vmem>>, vector<1x1x16xf32>,
          %parallel_loop3A_615 = arith.constant 4 : i32
          %parallel_loop3A_616 = arith.index_cast %parallel_loop3A_615 : i32 to index
          %parallel_loop3A_617 = arith.index_cast %scan3A_575 : i32 to index
          %parallel_loop3A_618 = arith.index_cast %parallel_loop3A_597 : i32 to index
          %parallel_loop3A_619 = tpu.vector_load %arg7[%parallel_loop3A_616, %parallel_loop3A_617, %parallel_loop3A_618] {strides = array<i32>} : memref<8x16x768xf32, #tpu.memory_space<vmem>>, vector<1x1x16xf32>,
          %parallel_loop3A_620 = vector.shape_cast %parallel_loop3A_619 : vector<1x1x16xf32> to vector<16xf32>
          %parallel_loop3A_621 = arith.constant 27.7128124 : f32
          %parallel_loop3A_622 = vector.broadcast %parallel_loop3A_621 : f32 to vector<16xf32>
          %parallel_loop3A_623 = arith.mulf %parallel_loop3A_620, %parallel_loop3A_622 : vector<16xf32>
          %parallel_loop3A_624 = arith.addf %parallel_loop3A_623, %parallel_loop3A_592 : vector<16xf32>
          %parallel_loop3A_625 = arith.constant 4 : i32
          %parallel_loop3A_626 = arith.index_cast %parallel_loop3A_625 : i32 to index
          %parallel_loop3A_627 = arith.index_cast %scan3A_575 : i32 to index
          %parallel_loop3A_628 = arith.index_cast %parallel_loop3A_597 : i32 to index
          %parallel_loop3A_629 = tpu.vector_load %arg7[%parallel_loop3A_626, %parallel_loop3A_627, %parallel_loop3A_628] {strides = array<i32>} : memref<8x16x768xf32, #tpu.memory_space<vmem>>, vector<1x1x16xf32>,
          %parallel_loop3A_630 = vector.shape_cast %parallel_loop3A_629 : vector<1x1x16xf32> to vector<16xf32>
          %parallel_loop3A_631 = vector.shape_cast %parallel_loop3A_624 : vector<16xf32> to vector<1x1x16xf32>
          tpu.vector_store %arg7[%parallel_loop3A_626, %parallel_loop3A_627, %parallel_loop3A_628], %parallel_loop3A_631 {strides = array<i32>} : memref<8x16x768xf32, #tpu.memory_space<vmem>>, vector<1x1x16xf32>,
        } {sc.loop_unroll_factor = 4 : i64, sc.parallel_access}
      }
      %scan3A_410 = arith.constant 16 : i32
      %add3A_411 = arith.constant 0 : i32
      %add3A_412 = arith.addi %add3A_411, %mul3A_2 : i32
      %mul3A_413 = arith.constant 16 : i32
      %mul3A_414 = arith.muli %add3A_365, %mul3A_413 : i32
      %add3A_415 = arith.addi %add3A_412, %mul3A_414 : i32
      %dma_start3A_416 = arith.constant 4 : i32
      %dma_start3A_417 = arith.constant 0 : i32
      %dma_start3A_418 = arith.constant 0 : i32
      %dma_start3A_419 = tpu.memref_slice %arg7[%dma_start3A_416, %dma_start3A_417, %dma_start3A_418] : memref<8x16x768xf32, #tpu.memory_space<vmem>> -> memref<1x16x768xf32, #tpu.memory_space<vmem>>
      %dma_start3A_420 = tpu.memref_squeeze %dma_start3A_419 : memref<1x16x768xf32, #tpu.memory_space<vmem>> -> memref<16x768xf32, #tpu.memory_space<vmem>>
      %dma_start3A_421 = arith.constant 0 : i32
      %dma_start3A_422 = tpu.memref_slice %arg5[%add3A_415, %dma_start3A_421] : memref<32768x768xf32, #tpu.memory_space<hbm>> -> memref<16x768xf32, #tpu.memory_space<hbm>>
      %dma_start3A_423 = arith.constant 0 : i32
      %dma_start3A_424 = tpu.memref_slice %arg5[%add3A_415, %dma_start3A_423] : memref<32768x768xf32, #tpu.memory_space<hbm>> -> memref<16x768xf32, #tpu.memory_space<hbm>>
      %dma_start3A_425 = arith.constant 0 : i32
      %dma_start3A_426 = arith.constant 0 : i32
      %dma_start3A_427 = tpu.memref_slice %arg7[%dma_start3A_416, %dma_start3A_425, %dma_start3A_426] : memref<8x16x768xf32, #tpu.memory_space<vmem>> -> memref<1x16x768xf32, #tpu.memory_space<vmem>>
      %dma_start3A_428 = tpu.memref_squeeze %dma_start3A_427 : memref<1x16x768xf32, #tpu.memory_space<vmem>> -> memref<16x768xf32, #tpu.memory_space<vmem>>
      tpu.enqueue_dma source(%dma_start3A_428 : memref<16x768xf32, #tpu.memory_space<vmem>>) target(%dma_start3A_424 : memref<16x768xf32, #tpu.memory_space<hbm>>) target_semaphore(%arg21 : memref<!tpu.dma_semaphore, #tpu.memory_space<semaphore_mem>>)
      %gt3A_429 = arith.constant 0 : i32
      %gt3A_430 = arith.cmpi sgt, %add3A_365, %gt3A_429 : i32
      %convert_element_type3A_431 = arith.extui %gt3A_430 : i1 to i32
      %cond3A_432 = arith.constant 0 : i32
      %cond3A_433 = arith.cmpi ne, %convert_element_type3A_431, %cond3A_432 : i32
      scf.if %cond3A_433 {
        %add3A_575 = arith.constant 8192 : i32
        %add3A_576 = arith.addi %add3A_575, %mul3A_2 : i32
        %mul3A_577 = arith.constant 16 : i32
        %mul3A_578 = arith.muli %add3A_365, %mul3A_577 : i32
        %add3A_579 = arith.addi %add3A_576, %mul3A_578 : i32
        %dma_wait3A_580 = arith.constant 1 : i32
        %dma_wait3A_581 = arith.constant 0 : i32
        %dma_wait3A_582 = arith.constant 0 : i32
        %dma_wait3A_583 = tpu.memref_slice %arg7[%dma_wait3A_580, %dma_wait3A_581, %dma_wait3A_582] : memref<8x16x768xf32, #tpu.memory_space<vmem>> -> memref<1x16x768xf32, #tpu.memory_space<vmem>>
        %dma_wait3A_584 = tpu.memref_squeeze %dma_wait3A_583 : memref<1x16x768xf32, #tpu.memory_space<vmem>> -> memref<16x768xf32, #tpu.memory_space<vmem>>
        %dma_wait3A_585 = arith.constant 0 : i32
        %dma_wait3A_586 = tpu.memref_slice %arg5[%add3A_579, %dma_wait3A_585] : memref<32768x768xf32, #tpu.memory_space<hbm>> -> memref<16x768xf32, #tpu.memory_space<hbm>>
        %dma_wait3A_587 = arith.constant 0 : i32
        %dma_wait3A_588 = tpu.memref_slice %arg5[%add3A_579, %dma_wait3A_587] : memref<32768x768xf32, #tpu.memory_space<hbm>> -> memref<16x768xf32, #tpu.memory_space<hbm>>
        %dma_wait3A_589 = arith.constant 0 : i32
        %dma_wait3A_590 = arith.constant 0 : i32
        %dma_wait3A_591 = tpu.memref_slice %arg7[%dma_wait3A_580, %dma_wait3A_589, %dma_wait3A_590] : memref<8x16x768xf32, #tpu.memory_space<vmem>> -> memref<1x16x768xf32, #tpu.memory_space<vmem>>
        %dma_wait3A_592 = tpu.memref_squeeze %dma_wait3A_591 : memref<1x16x768xf32, #tpu.memory_space<vmem>> -> memref<16x768xf32, #tpu.memory_space<vmem>>
        tpu.wait_dma2 semaphore(%arg18 : memref<!tpu.dma_semaphore, #tpu.memory_space<semaphore_mem>>) src(%dma_wait3A_592 : memref<16x768xf32, #tpu.memory_space<vmem>>) dst(%dma_wait3A_588 : memref<16x768xf32, #tpu.memory_space<hbm>>)
      } else {
      }
      %lt3A_434 = arith.constant 15 : i32
      %lt3A_435 = arith.cmpi slt, %add3A_365, %lt3A_434 : i32
      %convert_element_type3A_436 = arith.extui %lt3A_435 : i1 to i32
      %cond3A_437 = arith.constant 0 : i32
      %cond3A_438 = arith.cmpi ne, %convert_element_type3A_436, %cond3A_437 : i32
      scf.if %cond3A_438 {
        %add3A_575 = arith.constant 1 : i32
        %add3A_576 = arith.addi %add3A_365, %add3A_575 : i32
        %mul3A_577 = arith.constant 16 : i32
        %mul3A_578 = arith.muli %add3A_576, %mul3A_577 : i32
        %add3A_579 = arith.constant 256 : i32
        %add3A_580 = arith.addi %add3A_579, %mul3A_578 : i32
        %dma_start3A_581 = arith.constant 1 : i32
        %dma_start3A_582 = arith.constant 0 : i32
        %dma_start3A_583 = arith.constant 0 : i32
        %dma_start3A_584 = tpu.memref_slice %arg7[%dma_start3A_581, %dma_start3A_582, %dma_start3A_583] : memref<8x16x768xf32, #tpu.memory_space<vmem>> -> memref<1x16x768xf32, #tpu.memory_space<vmem>>
        %dma_start3A_585 = tpu.memref_squeeze %dma_start3A_584 : memref<1x16x768xf32, #tpu.memory_space<vmem>> -> memref<16x768xf32, #tpu.memory_space<vmem>>
        %dma_start3A_586 = tpu.memref_slice %arg6[%add3A_580] : memref<1024xi32, #tpu.memory_space<vmem>> -> memref<16xi32, #tpu.memory_space<vmem>>
        %dma_start3A_587 = arith.constant 0 : i32
        %dma_start3A_588 = arith.constant 0 : i32
        %dma_start3A_589 = tpu.memref_slice %arg2[%dma_start3A_587, %dma_start3A_588] : memref<100000x768xf32, #tpu.memory_space<hbm>> -> memref<100000x768xf32, #tpu.memory_space<hbm>>
        tpu.enqueue_indirect_dma source(%dma_start3A_589 : memref<100000x768xf32, #tpu.memory_space<hbm>>) target(%dma_start3A_585 : memref<16x768xf32, #tpu.memory_space<vmem>>) offsets(%dma_start3A_586 : memref<16xi32, #tpu.memory_space<vmem>>) semaphore(%arg10 : memref<!tpu.dma_semaphore, #tpu.memory_space<semaphore_mem>>)
      } else {
      }
      %mul3A_439 = arith.constant 16 : i32
      %mul3A_440 = arith.muli %add3A_365, %mul3A_439 : i32
      %add3A_441 = arith.constant 256 : i32
      %add3A_442 = arith.addi %add3A_441, %mul3A_440 : i32
      %dma_wait3A_443 = arith.constant 5 : i32
      %dma_wait3A_444 = arith.constant 0 : i32
      %dma_wait3A_445 = arith.constant 0 : i32
      %dma_wait3A_446 = tpu.memref_slice %arg7[%dma_wait3A_443, %dma_wait3A_444, %dma_wait3A_445] : memref<8x16x768xf32, #tpu.memory_space<vmem>> -> memref<1x16x768xf32, #tpu.memory_space<vmem>>
      %dma_wait3A_447 = tpu.memref_squeeze %dma_wait3A_446 : memref<1x16x768xf32, #tpu.memory_space<vmem>> -> memref<16x768xf32, #tpu.memory_space<vmem>>
      %dma_wait3A_448 = tpu.memref_slice %arg6[%add3A_442] : memref<1024xi32, #tpu.memory_space<vmem>> -> memref<16xi32, #tpu.memory_space<vmem>>
      %dma_wait3A_449 = arith.constant 0 : i32
      %dma_wait3A_450 = arith.constant 0 : i32
      %dma_wait3A_451 = tpu.memref_slice %arg2[%dma_wait3A_449, %dma_wait3A_450] : memref<100000x768xf32, #tpu.memory_space<hbm>> -> memref<100000x768xf32, #tpu.memory_space<hbm>>
      tpu.wait_indirect_dma semaphore(%arg14 : memref<!tpu.dma_semaphore, #tpu.memory_space<semaphore_mem>>) src(%dma_wait3A_451 : memref<100000x768xf32, #tpu.memory_space<hbm>>) dst(%dma_wait3A_447 : memref<16x768xf32, #tpu.memory_space<vmem>>)
      %scan3A_452 = arith.constant 0 : i32
      %scan3A_453 = arith.constant 0 : i32
      %scan3A_454 = arith.constant 16 : i32
      %scan3A_455 = arith.addi %scan3A_453, %scan3A_454 : i32
      %scan3A_456 = arith.constant 1 : i32
      scf.for %scan3A_575 = %scan3A_453 to %scan3A_455 step %scan3A_456  : i32 {
        %parallel_loop3A = arith.constant 0 : i32
        %parallel_loop3A_576 = arith.constant 384 : i32
        %parallel_loop3A_577 = arith.constant 16 : i32
        scf.for %parallel_loop3A_578 = %parallel_loop3A to %parallel_loop3A_576 step %parallel_loop3A_577  : i32 {
          %parallel_loop3A_579 = arith.constant 1 : i32
          %parallel_loop3A_580 = arith.index_cast %parallel_loop3A_579 : i32 to index
          %parallel_loop3A_581 = arith.index_cast %scan3A_575 : i32 to index
          %parallel_loop3A_582 = arith.index_cast %parallel_loop3A_578 : i32 to index
          %parallel_loop3A_583 = tpu.vector_load %arg8[%parallel_loop3A_580, %parallel_loop3A_581, %parallel_loop3A_582] {strides = array<i32>} : memref<2x16x384xi32, #tpu.memory_space<vmem>>, vector<1x1x16xi32>,
          %parallel_loop3A_584 = vector.shape_cast %parallel_loop3A_583 : vector<1x1x16xi32> to vector<16xi32>
          %parallel_loop3A_585 = arith.constant 16 : i32
          %parallel_loop3A_586 = vector.broadcast %parallel_loop3A_585 : i32 to vector<16xi32>
          %parallel_loop3A_587 = arith.shli %parallel_loop3A_584, %parallel_loop3A_586 : vector<16xi32>
          %parallel_loop3A_588 = tpu.bitcast %parallel_loop3A_587 : vector<16xi32> -> vector<16xf32>
          %parallel_loop3A_589 = arith.constant -65536 : i32
          %parallel_loop3A_590 = vector.broadcast %parallel_loop3A_589 : i32 to vector<16xi32>
          %parallel_loop3A_591 = arith.andi %parallel_loop3A_584, %parallel_loop3A_590 : vector<16xi32>
          %parallel_loop3A_592 = tpu.bitcast %parallel_loop3A_591 : vector<16xi32> -> vector<16xf32>
          %parallel_loop3A_593 = arith.constant 2 : i32
          %parallel_loop3A_594 = arith.muli %parallel_loop3A_593, %parallel_loop3A_578 : i32
          %parallel_loop3A_595 = tpu.assume_multiple %parallel_loop3A_594, 32 : i32
          %parallel_loop3A_596 = arith.constant 16 : i32
          %parallel_loop3A_597 = arith.addi %parallel_loop3A_595, %parallel_loop3A_596 : i32
          %parallel_loop3A_598 = arith.constant 5 : i32
          %parallel_loop3A_599 = arith.index_cast %parallel_loop3A_598 : i32 to index
          %parallel_loop3A_600 = arith.index_cast %scan3A_575 : i32 to index
          %parallel_loop3A_601 = arith.index_cast %parallel_loop3A_595 : i32 to index
          %parallel_loop3A_602 = tpu.vector_load %arg7[%parallel_loop3A_599, %parallel_loop3A_600, %parallel_loop3A_601] {strides = array<i32>} : memref<8x16x768xf32, #tpu.memory_space<vmem>>, vector<1x1x16xf32>,
          %parallel_loop3A_603 = vector.shape_cast %parallel_loop3A_602 : vector<1x1x16xf32> to vector<16xf32>
          %parallel_loop3A_604 = arith.constant 27.7128124 : f32
          %parallel_loop3A_605 = vector.broadcast %parallel_loop3A_604 : f32 to vector<16xf32>
          %parallel_loop3A_606 = arith.mulf %parallel_loop3A_603, %parallel_loop3A_605 : vector<16xf32>
          %parallel_loop3A_607 = arith.addf %parallel_loop3A_606, %parallel_loop3A_588 : vector<16xf32>
          %parallel_loop3A_608 = arith.constant 5 : i32
          %parallel_loop3A_609 = arith.index_cast %parallel_loop3A_608 : i32 to index
          %parallel_loop3A_610 = arith.index_cast %scan3A_575 : i32 to index
          %parallel_loop3A_611 = arith.index_cast %parallel_loop3A_595 : i32 to index
          %parallel_loop3A_612 = tpu.vector_load %arg7[%parallel_loop3A_609, %parallel_loop3A_610, %parallel_loop3A_611] {strides = array<i32>} : memref<8x16x768xf32, #tpu.memory_space<vmem>>, vector<1x1x16xf32>,
          %parallel_loop3A_613 = vector.shape_cast %parallel_loop3A_612 : vector<1x1x16xf32> to vector<16xf32>
          %parallel_loop3A_614 = vector.shape_cast %parallel_loop3A_607 : vector<16xf32> to vector<1x1x16xf32>
          tpu.vector_store %arg7[%parallel_loop3A_609, %parallel_loop3A_610, %parallel_loop3A_611], %parallel_loop3A_614 {strides = array<i32>} : memref<8x16x768xf32, #tpu.memory_space<vmem>>, vector<1x1x16xf32>,
          %parallel_loop3A_615 = arith.constant 5 : i32
          %parallel_loop3A_616 = arith.index_cast %parallel_loop3A_615 : i32 to index
          %parallel_loop3A_617 = arith.index_cast %scan3A_575 : i32 to index
          %parallel_loop3A_618 = arith.index_cast %parallel_loop3A_597 : i32 to index
          %parallel_loop3A_619 = tpu.vector_load %arg7[%parallel_loop3A_616, %parallel_loop3A_617, %parallel_loop3A_618] {strides = array<i32>} : memref<8x16x768xf32, #tpu.memory_space<vmem>>, vector<1x1x16xf32>,
          %parallel_loop3A_620 = vector.shape_cast %parallel_loop3A_619 : vector<1x1x16xf32> to vector<16xf32>
          %parallel_loop3A_621 = arith.constant 27.7128124 : f32
          %parallel_loop3A_622 = vector.broadcast %parallel_loop3A_621 : f32 to vector<16xf32>
          %parallel_loop3A_623 = arith.mulf %parallel_loop3A_620, %parallel_loop3A_622 : vector<16xf32>
          %parallel_loop3A_624 = arith.addf %parallel_loop3A_623, %parallel_loop3A_592 : vector<16xf32>
          %parallel_loop3A_625 = arith.constant 5 : i32
          %parallel_loop3A_626 = arith.index_cast %parallel_loop3A_625 : i32 to index
          %parallel_loop3A_627 = arith.index_cast %scan3A_575 : i32 to index
          %parallel_loop3A_628 = arith.index_cast %parallel_loop3A_597 : i32 to index
          %parallel_loop3A_629 = tpu.vector_load %arg7[%parallel_loop3A_626, %parallel_loop3A_627, %parallel_loop3A_628] {strides = array<i32>} : memref<8x16x768xf32, #tpu.memory_space<vmem>>, vector<1x1x16xf32>,
          %parallel_loop3A_630 = vector.shape_cast %parallel_loop3A_629 : vector<1x1x16xf32> to vector<16xf32>
          %parallel_loop3A_631 = vector.shape_cast %parallel_loop3A_624 : vector<16xf32> to vector<1x1x16xf32>
          tpu.vector_store %arg7[%parallel_loop3A_626, %parallel_loop3A_627, %parallel_loop3A_628], %parallel_loop3A_631 {strides = array<i32>} : memref<8x16x768xf32, #tpu.memory_space<vmem>>, vector<1x1x16xf32>,
        } {sc.loop_unroll_factor = 4 : i64, sc.parallel_access}
      }
      %scan3A_457 = arith.constant 16 : i32
      %add3A_458 = arith.constant 8192 : i32
      %add3A_459 = arith.addi %add3A_458, %mul3A_2 : i32
      %mul3A_460 = arith.constant 16 : i32
      %mul3A_461 = arith.muli %add3A_365, %mul3A_460 : i32
      %add3A_462 = arith.addi %add3A_459, %mul3A_461 : i32
      %dma_start3A_463 = arith.constant 5 : i32
      %dma_start3A_464 = arith.constant 0 : i32
      %dma_start3A_465 = arith.constant 0 : i32
      %dma_start3A_466 = tpu.memref_slice %arg7[%dma_start3A_463, %dma_start3A_464, %dma_start3A_465] : memref<8x16x768xf32, #tpu.memory_space<vmem>> -> memref<1x16x768xf32, #tpu.memory_space<vmem>>
      %dma_start3A_467 = tpu.memref_squeeze %dma_start3A_466 : memref<1x16x768xf32, #tpu.memory_space<vmem>> -> memref<16x768xf32, #tpu.memory_space<vmem>>
      %dma_start3A_468 = arith.constant 0 : i32
      %dma_start3A_469 = tpu.memref_slice %arg5[%add3A_462, %dma_start3A_468] : memref<32768x768xf32, #tpu.memory_space<hbm>> -> memref<16x768xf32, #tpu.memory_space<hbm>>
      %dma_start3A_470 = arith.constant 0 : i32
      %dma_start3A_471 = tpu.memref_slice %arg5[%add3A_462, %dma_start3A_470] : memref<32768x768xf32, #tpu.memory_space<hbm>> -> memref<16x768xf32, #tpu.memory_space<hbm>>
      %dma_start3A_472 = arith.constant 0 : i32
      %dma_start3A_473 = arith.constant 0 : i32
      %dma_start3A_474 = tpu.memref_slice %arg7[%dma_start3A_463, %dma_start3A_472, %dma_start3A_473] : memref<8x16x768xf32, #tpu.memory_space<vmem>> -> memref<1x16x768xf32, #tpu.memory_space<vmem>>
      %dma_start3A_475 = tpu.memref_squeeze %dma_start3A_474 : memref<1x16x768xf32, #tpu.memory_space<vmem>> -> memref<16x768xf32, #tpu.memory_space<vmem>>
      tpu.enqueue_dma source(%dma_start3A_475 : memref<16x768xf32, #tpu.memory_space<vmem>>) target(%dma_start3A_471 : memref<16x768xf32, #tpu.memory_space<hbm>>) target_semaphore(%arg22 : memref<!tpu.dma_semaphore, #tpu.memory_space<semaphore_mem>>)
      %gt3A_476 = arith.constant 0 : i32
      %gt3A_477 = arith.cmpi sgt, %add3A_365, %gt3A_476 : i32
      %convert_element_type3A_478 = arith.extui %gt3A_477 : i1 to i32
      %cond3A_479 = arith.constant 0 : i32
      %cond3A_480 = arith.cmpi ne, %convert_element_type3A_478, %cond3A_479 : i32
      scf.if %cond3A_480 {
        %add3A_575 = arith.constant 16384 : i32
        %add3A_576 = arith.addi %add3A_575, %mul3A_2 : i32
        %mul3A_577 = arith.constant 16 : i32
        %mul3A_578 = arith.muli %add3A_365, %mul3A_577 : i32
        %add3A_579 = arith.addi %add3A_576, %mul3A_578 : i32
        %dma_wait3A_580 = arith.constant 2 : i32
        %dma_wait3A_581 = arith.constant 0 : i32
        %dma_wait3A_582 = arith.constant 0 : i32
        %dma_wait3A_583 = tpu.memref_slice %arg7[%dma_wait3A_580, %dma_wait3A_581, %dma_wait3A_582] : memref<8x16x768xf32, #tpu.memory_space<vmem>> -> memref<1x16x768xf32, #tpu.memory_space<vmem>>
        %dma_wait3A_584 = tpu.memref_squeeze %dma_wait3A_583 : memref<1x16x768xf32, #tpu.memory_space<vmem>> -> memref<16x768xf32, #tpu.memory_space<vmem>>
        %dma_wait3A_585 = arith.constant 0 : i32
        %dma_wait3A_586 = tpu.memref_slice %arg5[%add3A_579, %dma_wait3A_585] : memref<32768x768xf32, #tpu.memory_space<hbm>> -> memref<16x768xf32, #tpu.memory_space<hbm>>
        %dma_wait3A_587 = arith.constant 0 : i32
        %dma_wait3A_588 = tpu.memref_slice %arg5[%add3A_579, %dma_wait3A_587] : memref<32768x768xf32, #tpu.memory_space<hbm>> -> memref<16x768xf32, #tpu.memory_space<hbm>>
        %dma_wait3A_589 = arith.constant 0 : i32
        %dma_wait3A_590 = arith.constant 0 : i32
        %dma_wait3A_591 = tpu.memref_slice %arg7[%dma_wait3A_580, %dma_wait3A_589, %dma_wait3A_590] : memref<8x16x768xf32, #tpu.memory_space<vmem>> -> memref<1x16x768xf32, #tpu.memory_space<vmem>>
        %dma_wait3A_592 = tpu.memref_squeeze %dma_wait3A_591 : memref<1x16x768xf32, #tpu.memory_space<vmem>> -> memref<16x768xf32, #tpu.memory_space<vmem>>
        tpu.wait_dma2 semaphore(%arg19 : memref<!tpu.dma_semaphore, #tpu.memory_space<semaphore_mem>>) src(%dma_wait3A_592 : memref<16x768xf32, #tpu.memory_space<vmem>>) dst(%dma_wait3A_588 : memref<16x768xf32, #tpu.memory_space<hbm>>)
      } else {
      }
      %lt3A_481 = arith.constant 15 : i32
      %lt3A_482 = arith.cmpi slt, %add3A_365, %lt3A_481 : i32
      %convert_element_type3A_483 = arith.extui %lt3A_482 : i1 to i32
      %cond3A_484 = arith.constant 0 : i32
      %cond3A_485 = arith.cmpi ne, %convert_element_type3A_483, %cond3A_484 : i32
      scf.if %cond3A_485 {
        %add3A_575 = arith.constant 1 : i32
        %add3A_576 = arith.addi %add3A_365, %add3A_575 : i32
        %mul3A_577 = arith.constant 16 : i32
        %mul3A_578 = arith.muli %add3A_576, %mul3A_577 : i32
        %add3A_579 = arith.constant 512 : i32
        %add3A_580 = arith.addi %add3A_579, %mul3A_578 : i32
        %dma_start3A_581 = arith.constant 2 : i32
        %dma_start3A_582 = arith.constant 0 : i32
        %dma_start3A_583 = arith.constant 0 : i32
        %dma_start3A_584 = tpu.memref_slice %arg7[%dma_start3A_581, %dma_start3A_582, %dma_start3A_583] : memref<8x16x768xf32, #tpu.memory_space<vmem>> -> memref<1x16x768xf32, #tpu.memory_space<vmem>>
        %dma_start3A_585 = tpu.memref_squeeze %dma_start3A_584 : memref<1x16x768xf32, #tpu.memory_space<vmem>> -> memref<16x768xf32, #tpu.memory_space<vmem>>
        %dma_start3A_586 = tpu.memref_slice %arg6[%add3A_580] : memref<1024xi32, #tpu.memory_space<vmem>> -> memref<16xi32, #tpu.memory_space<vmem>>
        %dma_start3A_587 = arith.constant 0 : i32
        %dma_start3A_588 = arith.constant 0 : i32
        %dma_start3A_589 = tpu.memref_slice %arg2[%dma_start3A_587, %dma_start3A_588] : memref<100000x768xf32, #tpu.memory_space<hbm>> -> memref<100000x768xf32, #tpu.memory_space<hbm>>
        tpu.enqueue_indirect_dma source(%dma_start3A_589 : memref<100000x768xf32, #tpu.memory_space<hbm>>) target(%dma_start3A_585 : memref<16x768xf32, #tpu.memory_space<vmem>>) offsets(%dma_start3A_586 : memref<16xi32, #tpu.memory_space<vmem>>) semaphore(%arg11 : memref<!tpu.dma_semaphore, #tpu.memory_space<semaphore_mem>>)
      } else {
      }
      %mul3A_486 = arith.constant 16 : i32
      %mul3A_487 = arith.muli %add3A_365, %mul3A_486 : i32
      %add3A_488 = arith.constant 512 : i32
      %add3A_489 = arith.addi %add3A_488, %mul3A_487 : i32
      %dma_wait3A_490 = arith.constant 6 : i32
      %dma_wait3A_491 = arith.constant 0 : i32
      %dma_wait3A_492 = arith.constant 0 : i32
      %dma_wait3A_493 = tpu.memref_slice %arg7[%dma_wait3A_490, %dma_wait3A_491, %dma_wait3A_492] : memref<8x16x768xf32, #tpu.memory_space<vmem>> -> memref<1x16x768xf32, #tpu.memory_space<vmem>>
      %dma_wait3A_494 = tpu.memref_squeeze %dma_wait3A_493 : memref<1x16x768xf32, #tpu.memory_space<vmem>> -> memref<16x768xf32, #tpu.memory_space<vmem>>
      %dma_wait3A_495 = tpu.memref_slice %arg6[%add3A_489] : memref<1024xi32, #tpu.memory_space<vmem>> -> memref<16xi32, #tpu.memory_space<vmem>>
      %dma_wait3A_496 = arith.constant 0 : i32
      %dma_wait3A_497 = arith.constant 0 : i32
      %dma_wait3A_498 = tpu.memref_slice %arg2[%dma_wait3A_496, %dma_wait3A_497] : memref<100000x768xf32, #tpu.memory_space<hbm>> -> memref<100000x768xf32, #tpu.memory_space<hbm>>
      tpu.wait_indirect_dma semaphore(%arg15 : memref<!tpu.dma_semaphore, #tpu.memory_space<semaphore_mem>>) src(%dma_wait3A_498 : memref<100000x768xf32, #tpu.memory_space<hbm>>) dst(%dma_wait3A_494 : memref<16x768xf32, #tpu.memory_space<vmem>>)
      %scan3A_499 = arith.constant 0 : i32
      %scan3A_500 = arith.constant 0 : i32
      %scan3A_501 = arith.constant 16 : i32
      %scan3A_502 = arith.addi %scan3A_500, %scan3A_501 : i32
      %scan3A_503 = arith.constant 1 : i32
      scf.for %scan3A_575 = %scan3A_500 to %scan3A_502 step %scan3A_503  : i32 {
        %parallel_loop3A = arith.constant 0 : i32
        %parallel_loop3A_576 = arith.constant 384 : i32
        %parallel_loop3A_577 = arith.constant 16 : i32
        scf.for %parallel_loop3A_578 = %parallel_loop3A to %parallel_loop3A_576 step %parallel_loop3A_577  : i32 {
          %parallel_loop3A_579 = arith.constant 1 : i32
          %parallel_loop3A_580 = arith.index_cast %parallel_loop3A_579 : i32 to index
          %parallel_loop3A_581 = arith.index_cast %scan3A_575 : i32 to index
          %parallel_loop3A_582 = arith.index_cast %parallel_loop3A_578 : i32 to index
          %parallel_loop3A_583 = tpu.vector_load %arg8[%parallel_loop3A_580, %parallel_loop3A_581, %parallel_loop3A_582] {strides = array<i32>} : memref<2x16x384xi32, #tpu.memory_space<vmem>>, vector<1x1x16xi32>,
          %parallel_loop3A_584 = vector.shape_cast %parallel_loop3A_583 : vector<1x1x16xi32> to vector<16xi32>
          %parallel_loop3A_585 = arith.constant 16 : i32
          %parallel_loop3A_586 = vector.broadcast %parallel_loop3A_585 : i32 to vector<16xi32>
          %parallel_loop3A_587 = arith.shli %parallel_loop3A_584, %parallel_loop3A_586 : vector<16xi32>
          %parallel_loop3A_588 = tpu.bitcast %parallel_loop3A_587 : vector<16xi32> -> vector<16xf32>
          %parallel_loop3A_589 = arith.constant -65536 : i32
          %parallel_loop3A_590 = vector.broadcast %parallel_loop3A_589 : i32 to vector<16xi32>
          %parallel_loop3A_591 = arith.andi %parallel_loop3A_584, %parallel_loop3A_590 : vector<16xi32>
          %parallel_loop3A_592 = tpu.bitcast %parallel_loop3A_591 : vector<16xi32> -> vector<16xf32>
          %parallel_loop3A_593 = arith.constant 2 : i32
          %parallel_loop3A_594 = arith.muli %parallel_loop3A_593, %parallel_loop3A_578 : i32
          %parallel_loop3A_595 = tpu.assume_multiple %parallel_loop3A_594, 32 : i32
          %parallel_loop3A_596 = arith.constant 16 : i32
          %parallel_loop3A_597 = arith.addi %parallel_loop3A_595, %parallel_loop3A_596 : i32
          %parallel_loop3A_598 = arith.constant 6 : i32
          %parallel_loop3A_599 = arith.index_cast %parallel_loop3A_598 : i32 to index
          %parallel_loop3A_600 = arith.index_cast %scan3A_575 : i32 to index
          %parallel_loop3A_601 = arith.index_cast %parallel_loop3A_595 : i32 to index
          %parallel_loop3A_602 = tpu.vector_load %arg7[%parallel_loop3A_599, %parallel_loop3A_600, %parallel_loop3A_601] {strides = array<i32>} : memref<8x16x768xf32, #tpu.memory_space<vmem>>, vector<1x1x16xf32>,
          %parallel_loop3A_603 = vector.shape_cast %parallel_loop3A_602 : vector<1x1x16xf32> to vector<16xf32>
          %parallel_loop3A_604 = arith.constant 27.7128124 : f32
          %parallel_loop3A_605 = vector.broadcast %parallel_loop3A_604 : f32 to vector<16xf32>
          %parallel_loop3A_606 = arith.mulf %parallel_loop3A_603, %parallel_loop3A_605 : vector<16xf32>
          %parallel_loop3A_607 = arith.addf %parallel_loop3A_606, %parallel_loop3A_588 : vector<16xf32>
          %parallel_loop3A_608 = arith.constant 6 : i32
          %parallel_loop3A_609 = arith.index_cast %parallel_loop3A_608 : i32 to index
          %parallel_loop3A_610 = arith.index_cast %scan3A_575 : i32 to index
          %parallel_loop3A_611 = arith.index_cast %parallel_loop3A_595 : i32 to index
          %parallel_loop3A_612 = tpu.vector_load %arg7[%parallel_loop3A_609, %parallel_loop3A_610, %parallel_loop3A_611] {strides = array<i32>} : memref<8x16x768xf32, #tpu.memory_space<vmem>>, vector<1x1x16xf32>,
          %parallel_loop3A_613 = vector.shape_cast %parallel_loop3A_612 : vector<1x1x16xf32> to vector<16xf32>
          %parallel_loop3A_614 = vector.shape_cast %parallel_loop3A_607 : vector<16xf32> to vector<1x1x16xf32>
          tpu.vector_store %arg7[%parallel_loop3A_609, %parallel_loop3A_610, %parallel_loop3A_611], %parallel_loop3A_614 {strides = array<i32>} : memref<8x16x768xf32, #tpu.memory_space<vmem>>, vector<1x1x16xf32>,
          %parallel_loop3A_615 = arith.constant 6 : i32
          %parallel_loop3A_616 = arith.index_cast %parallel_loop3A_615 : i32 to index
          %parallel_loop3A_617 = arith.index_cast %scan3A_575 : i32 to index
          %parallel_loop3A_618 = arith.index_cast %parallel_loop3A_597 : i32 to index
          %parallel_loop3A_619 = tpu.vector_load %arg7[%parallel_loop3A_616, %parallel_loop3A_617, %parallel_loop3A_618] {strides = array<i32>} : memref<8x16x768xf32, #tpu.memory_space<vmem>>, vector<1x1x16xf32>,
          %parallel_loop3A_620 = vector.shape_cast %parallel_loop3A_619 : vector<1x1x16xf32> to vector<16xf32>
          %parallel_loop3A_621 = arith.constant 27.7128124 : f32
          %parallel_loop3A_622 = vector.broadcast %parallel_loop3A_621 : f32 to vector<16xf32>
          %parallel_loop3A_623 = arith.mulf %parallel_loop3A_620, %parallel_loop3A_622 : vector<16xf32>
          %parallel_loop3A_624 = arith.addf %parallel_loop3A_623, %parallel_loop3A_592 : vector<16xf32>
          %parallel_loop3A_625 = arith.constant 6 : i32
          %parallel_loop3A_626 = arith.index_cast %parallel_loop3A_625 : i32 to index
          %parallel_loop3A_627 = arith.index_cast %scan3A_575 : i32 to index
          %parallel_loop3A_628 = arith.index_cast %parallel_loop3A_597 : i32 to index
          %parallel_loop3A_629 = tpu.vector_load %arg7[%parallel_loop3A_626, %parallel_loop3A_627, %parallel_loop3A_628] {strides = array<i32>} : memref<8x16x768xf32, #tpu.memory_space<vmem>>, vector<1x1x16xf32>,
          %parallel_loop3A_630 = vector.shape_cast %parallel_loop3A_629 : vector<1x1x16xf32> to vector<16xf32>
          %parallel_loop3A_631 = vector.shape_cast %parallel_loop3A_624 : vector<16xf32> to vector<1x1x16xf32>
          tpu.vector_store %arg7[%parallel_loop3A_626, %parallel_loop3A_627, %parallel_loop3A_628], %parallel_loop3A_631 {strides = array<i32>} : memref<8x16x768xf32, #tpu.memory_space<vmem>>, vector<1x1x16xf32>,
        } {sc.loop_unroll_factor = 4 : i64, sc.parallel_access}
      }
      %scan3A_504 = arith.constant 16 : i32
      %add3A_505 = arith.constant 16384 : i32
      %add3A_506 = arith.addi %add3A_505, %mul3A_2 : i32
      %mul3A_507 = arith.constant 16 : i32
      %mul3A_508 = arith.muli %add3A_365, %mul3A_507 : i32
      %add3A_509 = arith.addi %add3A_506, %mul3A_508 : i32
      %dma_start3A_510 = arith.constant 6 : i32
      %dma_start3A_511 = arith.constant 0 : i32
      %dma_start3A_512 = arith.constant 0 : i32
      %dma_start3A_513 = tpu.memref_slice %arg7[%dma_start3A_510, %dma_start3A_511, %dma_start3A_512] : memref<8x16x768xf32, #tpu.memory_space<vmem>> -> memref<1x16x768xf32, #tpu.memory_space<vmem>>
      %dma_start3A_514 = tpu.memref_squeeze %dma_start3A_513 : memref<1x16x768xf32, #tpu.memory_space<vmem>> -> memref<16x768xf32, #tpu.memory_space<vmem>>
      %dma_start3A_515 = arith.constant 0 : i32
      %dma_start3A_516 = tpu.memref_slice %arg5[%add3A_509, %dma_start3A_515] : memref<32768x768xf32, #tpu.memory_space<hbm>> -> memref<16x768xf32, #tpu.memory_space<hbm>>
      %dma_start3A_517 = arith.constant 0 : i32
      %dma_start3A_518 = tpu.memref_slice %arg5[%add3A_509, %dma_start3A_517] : memref<32768x768xf32, #tpu.memory_space<hbm>> -> memref<16x768xf32, #tpu.memory_space<hbm>>
      %dma_start3A_519 = arith.constant 0 : i32
      %dma_start3A_520 = arith.constant 0 : i32
      %dma_start3A_521 = tpu.memref_slice %arg7[%dma_start3A_510, %dma_start3A_519, %dma_start3A_520] : memref<8x16x768xf32, #tpu.memory_space<vmem>> -> memref<1x16x768xf32, #tpu.memory_space<vmem>>
      %dma_start3A_522 = tpu.memref_squeeze %dma_start3A_521 : memref<1x16x768xf32, #tpu.memory_space<vmem>> -> memref<16x768xf32, #tpu.memory_space<vmem>>
      tpu.enqueue_dma source(%dma_start3A_522 : memref<16x768xf32, #tpu.memory_space<vmem>>) target(%dma_start3A_518 : memref<16x768xf32, #tpu.memory_space<hbm>>) target_semaphore(%arg23 : memref<!tpu.dma_semaphore, #tpu.memory_space<semaphore_mem>>)
      %gt3A_523 = arith.constant 0 : i32
      %gt3A_524 = arith.cmpi sgt, %add3A_365, %gt3A_523 : i32
      %convert_element_type3A_525 = arith.extui %gt3A_524 : i1 to i32
      %cond3A_526 = arith.constant 0 : i32
      %cond3A_527 = arith.cmpi ne, %convert_element_type3A_525, %cond3A_526 : i32
      scf.if %cond3A_527 {
        %add3A_575 = arith.constant 24576 : i32
        %add3A_576 = arith.addi %add3A_575, %mul3A_2 : i32
        %mul3A_577 = arith.constant 16 : i32
        %mul3A_578 = arith.muli %add3A_365, %mul3A_577 : i32
        %add3A_579 = arith.addi %add3A_576, %mul3A_578 : i32
        %dma_wait3A_580 = arith.constant 3 : i32
        %dma_wait3A_581 = arith.constant 0 : i32
        %dma_wait3A_582 = arith.constant 0 : i32
        %dma_wait3A_583 = tpu.memref_slice %arg7[%dma_wait3A_580, %dma_wait3A_581, %dma_wait3A_582] : memref<8x16x768xf32, #tpu.memory_space<vmem>> -> memref<1x16x768xf32, #tpu.memory_space<vmem>>
        %dma_wait3A_584 = tpu.memref_squeeze %dma_wait3A_583 : memref<1x16x768xf32, #tpu.memory_space<vmem>> -> memref<16x768xf32, #tpu.memory_space<vmem>>
        %dma_wait3A_585 = arith.constant 0 : i32
        %dma_wait3A_586 = tpu.memref_slice %arg5[%add3A_579, %dma_wait3A_585] : memref<32768x768xf32, #tpu.memory_space<hbm>> -> memref<16x768xf32, #tpu.memory_space<hbm>>
        %dma_wait3A_587 = arith.constant 0 : i32
        %dma_wait3A_588 = tpu.memref_slice %arg5[%add3A_579, %dma_wait3A_587] : memref<32768x768xf32, #tpu.memory_space<hbm>> -> memref<16x768xf32, #tpu.memory_space<hbm>>
        %dma_wait3A_589 = arith.constant 0 : i32
        %dma_wait3A_590 = arith.constant 0 : i32
        %dma_wait3A_591 = tpu.memref_slice %arg7[%dma_wait3A_580, %dma_wait3A_589, %dma_wait3A_590] : memref<8x16x768xf32, #tpu.memory_space<vmem>> -> memref<1x16x768xf32, #tpu.memory_space<vmem>>
        %dma_wait3A_592 = tpu.memref_squeeze %dma_wait3A_591 : memref<1x16x768xf32, #tpu.memory_space<vmem>> -> memref<16x768xf32, #tpu.memory_space<vmem>>
        tpu.wait_dma2 semaphore(%arg20 : memref<!tpu.dma_semaphore, #tpu.memory_space<semaphore_mem>>) src(%dma_wait3A_592 : memref<16x768xf32, #tpu.memory_space<vmem>>) dst(%dma_wait3A_588 : memref<16x768xf32, #tpu.memory_space<hbm>>)
      } else {
      }
      %lt3A_528 = arith.constant 15 : i32
      %lt3A_529 = arith.cmpi slt, %add3A_365, %lt3A_528 : i32
      %convert_element_type3A_530 = arith.extui %lt3A_529 : i1 to i32
      %cond3A_531 = arith.constant 0 : i32
      %cond3A_532 = arith.cmpi ne, %convert_element_type3A_530, %cond3A_531 : i32
      scf.if %cond3A_532 {
        %add3A_575 = arith.constant 1 : i32
        %add3A_576 = arith.addi %add3A_365, %add3A_575 : i32
        %mul3A_577 = arith.constant 16 : i32
        %mul3A_578 = arith.muli %add3A_576, %mul3A_577 : i32
        %add3A_579 = arith.constant 768 : i32
        %add3A_580 = arith.addi %add3A_579, %mul3A_578 : i32
        %dma_start3A_581 = arith.constant 3 : i32
        %dma_start3A_582 = arith.constant 0 : i32
        %dma_start3A_583 = arith.constant 0 : i32
        %dma_start3A_584 = tpu.memref_slice %arg7[%dma_start3A_581, %dma_start3A_582, %dma_start3A_583] : memref<8x16x768xf32, #tpu.memory_space<vmem>> -> memref<1x16x768xf32, #tpu.memory_space<vmem>>
        %dma_start3A_585 = tpu.memref_squeeze %dma_start3A_584 : memref<1x16x768xf32, #tpu.memory_space<vmem>> -> memref<16x768xf32, #tpu.memory_space<vmem>>
        %dma_start3A_586 = tpu.memref_slice %arg6[%add3A_580] : memref<1024xi32, #tpu.memory_space<vmem>> -> memref<16xi32, #tpu.memory_space<vmem>>
        %dma_start3A_587 = arith.constant 0 : i32
        %dma_start3A_588 = arith.constant 0 : i32
        %dma_start3A_589 = tpu.memref_slice %arg2[%dma_start3A_587, %dma_start3A_588] : memref<100000x768xf32, #tpu.memory_space<hbm>> -> memref<100000x768xf32, #tpu.memory_space<hbm>>
        tpu.enqueue_indirect_dma source(%dma_start3A_589 : memref<100000x768xf32, #tpu.memory_space<hbm>>) target(%dma_start3A_585 : memref<16x768xf32, #tpu.memory_space<vmem>>) offsets(%dma_start3A_586 : memref<16xi32, #tpu.memory_space<vmem>>) semaphore(%arg12 : memref<!tpu.dma_semaphore, #tpu.memory_space<semaphore_mem>>)
      } else {
      }
      %mul3A_533 = arith.constant 16 : i32
      %mul3A_534 = arith.muli %add3A_365, %mul3A_533 : i32
      %add3A_535 = arith.constant 768 : i32
      %add3A_536 = arith.addi %add3A_535, %mul3A_534 : i32
      %dma_wait3A_537 = arith.constant 7 : i32
      %dma_wait3A_538 = arith.constant 0 : i32
      %dma_wait3A_539 = arith.constant 0 : i32
      %dma_wait3A_540 = tpu.memref_slice %arg7[%dma_wait3A_537, %dma_wait3A_538, %dma_wait3A_539] : memref<8x16x768xf32, #tpu.memory_space<vmem>> -> memref<1x16x768xf32, #tpu.memory_space<vmem>>
      %dma_wait3A_541 = tpu.memref_squeeze %dma_wait3A_540 : memref<1x16x768xf32, #tpu.memory_space<vmem>> -> memref<16x768xf32, #tpu.memory_space<vmem>>
      %dma_wait3A_542 = tpu.memref_slice %arg6[%add3A_536] : memref<1024xi32, #tpu.memory_space<vmem>> -> memref<16xi32, #tpu.memory_space<vmem>>
      %dma_wait3A_543 = arith.constant 0 : i32
      %dma_wait3A_544 = arith.constant 0 : i32
      %dma_wait3A_545 = tpu.memref_slice %arg2[%dma_wait3A_543, %dma_wait3A_544] : memref<100000x768xf32, #tpu.memory_space<hbm>> -> memref<100000x768xf32, #tpu.memory_space<hbm>>
      tpu.wait_indirect_dma semaphore(%arg16 : memref<!tpu.dma_semaphore, #tpu.memory_space<semaphore_mem>>) src(%dma_wait3A_545 : memref<100000x768xf32, #tpu.memory_space<hbm>>) dst(%dma_wait3A_541 : memref<16x768xf32, #tpu.memory_space<vmem>>)
      %scan3A_546 = arith.constant 0 : i32
      %scan3A_547 = arith.constant 0 : i32
      %scan3A_548 = arith.constant 16 : i32
      %scan3A_549 = arith.addi %scan3A_547, %scan3A_548 : i32
      %scan3A_550 = arith.constant 1 : i32
      scf.for %scan3A_575 = %scan3A_547 to %scan3A_549 step %scan3A_550  : i32 {
        %parallel_loop3A = arith.constant 0 : i32
        %parallel_loop3A_576 = arith.constant 384 : i32
        %parallel_loop3A_577 = arith.constant 16 : i32
        scf.for %parallel_loop3A_578 = %parallel_loop3A to %parallel_loop3A_576 step %parallel_loop3A_577  : i32 {
          %parallel_loop3A_579 = arith.constant 1 : i32
          %parallel_loop3A_580 = arith.index_cast %parallel_loop3A_579 : i32 to index
          %parallel_loop3A_581 = arith.index_cast %scan3A_575 : i32 to index
          %parallel_loop3A_582 = arith.index_cast %parallel_loop3A_578 : i32 to index
          %parallel_loop3A_583 = tpu.vector_load %arg8[%parallel_loop3A_580, %parallel_loop3A_581, %parallel_loop3A_582] {strides = array<i32>} : memref<2x16x384xi32, #tpu.memory_space<vmem>>, vector<1x1x16xi32>,
          %parallel_loop3A_584 = vector.shape_cast %parallel_loop3A_583 : vector<1x1x16xi32> to vector<16xi32>
          %parallel_loop3A_585 = arith.constant 16 : i32
          %parallel_loop3A_586 = vector.broadcast %parallel_loop3A_585 : i32 to vector<16xi32>
          %parallel_loop3A_587 = arith.shli %parallel_loop3A_584, %parallel_loop3A_586 : vector<16xi32>
          %parallel_loop3A_588 = tpu.bitcast %parallel_loop3A_587 : vector<16xi32> -> vector<16xf32>
          %parallel_loop3A_589 = arith.constant -65536 : i32
          %parallel_loop3A_590 = vector.broadcast %parallel_loop3A_589 : i32 to vector<16xi32>
          %parallel_loop3A_591 = arith.andi %parallel_loop3A_584, %parallel_loop3A_590 : vector<16xi32>
          %parallel_loop3A_592 = tpu.bitcast %parallel_loop3A_591 : vector<16xi32> -> vector<16xf32>
          %parallel_loop3A_593 = arith.constant 2 : i32
          %parallel_loop3A_594 = arith.muli %parallel_loop3A_593, %parallel_loop3A_578 : i32
          %parallel_loop3A_595 = tpu.assume_multiple %parallel_loop3A_594, 32 : i32
          %parallel_loop3A_596 = arith.constant 16 : i32
          %parallel_loop3A_597 = arith.addi %parallel_loop3A_595, %parallel_loop3A_596 : i32
          %parallel_loop3A_598 = arith.constant 7 : i32
          %parallel_loop3A_599 = arith.index_cast %parallel_loop3A_598 : i32 to index
          %parallel_loop3A_600 = arith.index_cast %scan3A_575 : i32 to index
          %parallel_loop3A_601 = arith.index_cast %parallel_loop3A_595 : i32 to index
          %parallel_loop3A_602 = tpu.vector_load %arg7[%parallel_loop3A_599, %parallel_loop3A_600, %parallel_loop3A_601] {strides = array<i32>} : memref<8x16x768xf32, #tpu.memory_space<vmem>>, vector<1x1x16xf32>,
          %parallel_loop3A_603 = vector.shape_cast %parallel_loop3A_602 : vector<1x1x16xf32> to vector<16xf32>
          %parallel_loop3A_604 = arith.constant 27.7128124 : f32
          %parallel_loop3A_605 = vector.broadcast %parallel_loop3A_604 : f32 to vector<16xf32>
          %parallel_loop3A_606 = arith.mulf %parallel_loop3A_603, %parallel_loop3A_605 : vector<16xf32>
          %parallel_loop3A_607 = arith.addf %parallel_loop3A_606, %parallel_loop3A_588 : vector<16xf32>
          %parallel_loop3A_608 = arith.constant 7 : i32
          %parallel_loop3A_609 = arith.index_cast %parallel_loop3A_608 : i32 to index
          %parallel_loop3A_610 = arith.index_cast %scan3A_575 : i32 to index
          %parallel_loop3A_611 = arith.index_cast %parallel_loop3A_595 : i32 to index
          %parallel_loop3A_612 = tpu.vector_load %arg7[%parallel_loop3A_609, %parallel_loop3A_610, %parallel_loop3A_611] {strides = array<i32>} : memref<8x16x768xf32, #tpu.memory_space<vmem>>, vector<1x1x16xf32>,
          %parallel_loop3A_613 = vector.shape_cast %parallel_loop3A_612 : vector<1x1x16xf32> to vector<16xf32>
          %parallel_loop3A_614 = vector.shape_cast %parallel_loop3A_607 : vector<16xf32> to vector<1x1x16xf32>
          tpu.vector_store %arg7[%parallel_loop3A_609, %parallel_loop3A_610, %parallel_loop3A_611], %parallel_loop3A_614 {strides = array<i32>} : memref<8x16x768xf32, #tpu.memory_space<vmem>>, vector<1x1x16xf32>,
          %parallel_loop3A_615 = arith.constant 7 : i32
          %parallel_loop3A_616 = arith.index_cast %parallel_loop3A_615 : i32 to index
          %parallel_loop3A_617 = arith.index_cast %scan3A_575 : i32 to index
          %parallel_loop3A_618 = arith.index_cast %parallel_loop3A_597 : i32 to index
          %parallel_loop3A_619 = tpu.vector_load %arg7[%parallel_loop3A_616, %parallel_loop3A_617, %parallel_loop3A_618] {strides = array<i32>} : memref<8x16x768xf32, #tpu.memory_space<vmem>>, vector<1x1x16xf32>,
          %parallel_loop3A_620 = vector.shape_cast %parallel_loop3A_619 : vector<1x1x16xf32> to vector<16xf32>
          %parallel_loop3A_621 = arith.constant 27.7128124 : f32
          %parallel_loop3A_622 = vector.broadcast %parallel_loop3A_621 : f32 to vector<16xf32>
          %parallel_loop3A_623 = arith.mulf %parallel_loop3A_620, %parallel_loop3A_622 : vector<16xf32>
          %parallel_loop3A_624 = arith.addf %parallel_loop3A_623, %parallel_loop3A_592 : vector<16xf32>
          %parallel_loop3A_625 = arith.constant 7 : i32
          %parallel_loop3A_626 = arith.index_cast %parallel_loop3A_625 : i32 to index
          %parallel_loop3A_627 = arith.index_cast %scan3A_575 : i32 to index
          %parallel_loop3A_628 = arith.index_cast %parallel_loop3A_597 : i32 to index
          %parallel_loop3A_629 = tpu.vector_load %arg7[%parallel_loop3A_626, %parallel_loop3A_627, %parallel_loop3A_628] {strides = array<i32>} : memref<8x16x768xf32, #tpu.memory_space<vmem>>, vector<1x1x16xf32>,
          %parallel_loop3A_630 = vector.shape_cast %parallel_loop3A_629 : vector<1x1x16xf32> to vector<16xf32>
          %parallel_loop3A_631 = vector.shape_cast %parallel_loop3A_624 : vector<16xf32> to vector<1x1x16xf32>
          tpu.vector_store %arg7[%parallel_loop3A_626, %parallel_loop3A_627, %parallel_loop3A_628], %parallel_loop3A_631 {strides = array<i32>} : memref<8x16x768xf32, #tpu.memory_space<vmem>>, vector<1x1x16xf32>,
        } {sc.loop_unroll_factor = 4 : i64, sc.parallel_access}
      }
      %scan3A_551 = arith.constant 16 : i32
      %add3A_552 = arith.constant 24576 : i32
      %add3A_553 = arith.addi %add3A_552, %mul3A_2 : i32
      %mul3A_554 = arith.constant 16 : i32
      %mul3A_555 = arith.muli %add3A_365, %mul3A_554 : i32
      %add3A_556 = arith.addi %add3A_553, %mul3A_555 : i32
      %dma_start3A_557 = arith.constant 7 : i32
      %dma_start3A_558 = arith.constant 0 : i32
      %dma_start3A_559 = arith.constant 0 : i32
      %dma_start3A_560 = tpu.memref_slice %arg7[%dma_start3A_557, %dma_start3A_558, %dma_start3A_559] : memref<8x16x768xf32, #tpu.memory_space<vmem>> -> memref<1x16x768xf32, #tpu.memory_space<vmem>>
      %dma_start3A_561 = tpu.memref_squeeze %dma_start3A_560 : memref<1x16x768xf32, #tpu.memory_space<vmem>> -> memref<16x768xf32, #tpu.memory_space<vmem>>
      %dma_start3A_562 = arith.constant 0 : i32
      %dma_start3A_563 = tpu.memref_slice %arg5[%add3A_556, %dma_start3A_562] : memref<32768x768xf32, #tpu.memory_space<hbm>> -> memref<16x768xf32, #tpu.memory_space<hbm>>
      %dma_start3A_564 = arith.constant 0 : i32
      %dma_start3A_565 = tpu.memref_slice %arg5[%add3A_556, %dma_start3A_564] : memref<32768x768xf32, #tpu.memory_space<hbm>> -> memref<16x768xf32, #tpu.memory_space<hbm>>
      %dma_start3A_566 = arith.constant 0 : i32
      %dma_start3A_567 = arith.constant 0 : i32
      %dma_start3A_568 = tpu.memref_slice %arg7[%dma_start3A_557, %dma_start3A_566, %dma_start3A_567] : memref<8x16x768xf32, #tpu.memory_space<vmem>> -> memref<1x16x768xf32, #tpu.memory_space<vmem>>
      %dma_start3A_569 = tpu.memref_squeeze %dma_start3A_568 : memref<1x16x768xf32, #tpu.memory_space<vmem>> -> memref<16x768xf32, #tpu.memory_space<vmem>>
      tpu.enqueue_dma source(%dma_start3A_569 : memref<16x768xf32, #tpu.memory_space<vmem>>) target(%dma_start3A_565 : memref<16x768xf32, #tpu.memory_space<hbm>>) target_semaphore(%arg24 : memref<!tpu.dma_semaphore, #tpu.memory_space<semaphore_mem>>)
      %lt3A_570 = arith.constant 14 : i32
      %lt3A_571 = arith.cmpi slt, %add3A_365, %lt3A_570 : i32
      %convert_element_type3A_572 = arith.extui %lt3A_571 : i1 to i32
      %cond3A_573 = arith.constant 0 : i32
      %cond3A_574 = arith.cmpi ne, %convert_element_type3A_572, %cond3A_573 : i32
      scf.if %cond3A_574 {
        %add3A_575 = arith.constant 2 : i32
        %add3A_576 = arith.addi %add3A_365, %add3A_575 : i32
        %mul3A_577 = arith.constant 16 : i32
        %mul3A_578 = arith.muli %add3A_576, %mul3A_577 : i32
        %add3A_579 = arith.addi %mul3A_2, %mul3A_578 : i32
        %dma_start3A_580 = arith.constant 1 : i32
        %dma_start3A_581 = arith.constant 0 : i32
        %dma_start3A_582 = arith.constant 0 : i32
        %dma_start3A_583 = tpu.memref_slice %arg8[%dma_start3A_580, %dma_start3A_581, %dma_start3A_582] : memref<2x16x384xi32, #tpu.memory_space<vmem>> -> memref<1x16x384xi32, #tpu.memory_space<vmem>>
        %dma_start3A_584 = tpu.memref_squeeze %dma_start3A_583 : memref<1x16x384xi32, #tpu.memory_space<vmem>> -> memref<16x384xi32, #tpu.memory_space<vmem>>
        %dma_start3A_585 = arith.constant 0 : i32
        %dma_start3A_586 = tpu.memref_slice %arg4[%add3A_579, %dma_start3A_585] : memref<8192x384xi32, #tpu.memory_space<hbm>> -> memref<16x384xi32, #tpu.memory_space<hbm>>
        %dma_start3A_587 = arith.constant 0 : i32
        %dma_start3A_588 = arith.constant 0 : i32
        %dma_start3A_589 = tpu.memref_slice %arg8[%dma_start3A_580, %dma_start3A_587, %dma_start3A_588] : memref<2x16x384xi32, #tpu.memory_space<vmem>> -> memref<1x16x384xi32, #tpu.memory_space<vmem>>
        %dma_start3A_590 = tpu.memref_squeeze %dma_start3A_589 : memref<1x16x384xi32, #tpu.memory_space<vmem>> -> memref<16x384xi32, #tpu.memory_space<vmem>>
        %dma_start3A_591 = arith.constant 0 : i32
        %dma_start3A_592 = tpu.memref_slice %arg4[%add3A_579, %dma_start3A_591] : memref<8192x384xi32, #tpu.memory_space<hbm>> -> memref<16x384xi32, #tpu.memory_space<hbm>>
        tpu.enqueue_dma source(%dma_start3A_592 : memref<16x384xi32, #tpu.memory_space<hbm>>) target(%dma_start3A_590 : memref<16x384xi32, #tpu.memory_space<vmem>>) target_semaphore(%arg26 : memref<!tpu.dma_semaphore, #tpu.memory_space<semaphore_mem>>)
      } else {
      }
    }
    %scan3A_84 = arith.constant 8 : i32
    %add3A_85 = arith.constant 0 : i32
    %add3A_86 = arith.addi %add3A_85, %mul3A_2 : i32
    %add3A_87 = arith.constant 240 : i32
    %add3A_88 = arith.addi %add3A_86, %add3A_87 : i32
    %dma_wait3A = arith.constant 4 : i32
    %dma_wait3A_89 = arith.constant 0 : i32
    %dma_wait3A_90 = arith.constant 0 : i32
    %dma_wait3A_91 = tpu.memref_slice %arg7[%dma_wait3A, %dma_wait3A_89, %dma_wait3A_90] : memref<8x16x768xf32, #tpu.memory_space<vmem>> -> memref<1x16x768xf32, #tpu.memory_space<vmem>>
    %dma_wait3A_92 = tpu.memref_squeeze %dma_wait3A_91 : memref<1x16x768xf32, #tpu.memory_space<vmem>> -> memref<16x768xf32, #tpu.memory_space<vmem>>
    %dma_wait3A_93 = arith.constant 0 : i32
    %dma_wait3A_94 = tpu.memref_slice %arg5[%add3A_88, %dma_wait3A_93] : memref<32768x768xf32, #tpu.memory_space<hbm>> -> memref<16x768xf32, #tpu.memory_space<hbm>>
    %dma_wait3A_95 = arith.constant 0 : i32
    %dma_wait3A_96 = tpu.memref_slice %arg5[%add3A_88, %dma_wait3A_95] : memref<32768x768xf32, #tpu.memory_space<hbm>> -> memref<16x768xf32, #tpu.memory_space<hbm>>
    %dma_wait3A_97 = arith.constant 0 : i32
    %dma_wait3A_98 = arith.constant 0 : i32
    %dma_wait3A_99 = tpu.memref_slice %arg7[%dma_wait3A, %dma_wait3A_97, %dma_wait3A_98] : memref<8x16x768xf32, #tpu.memory_space<vmem>> -> memref<1x16x768xf32, #tpu.memory_space<vmem>>
    %dma_wait3A_100 = tpu.memref_squeeze %dma_wait3A_99 : memref<1x16x768xf32, #tpu.memory_space<vmem>> -> memref<16x768xf32, #tpu.memory_space<vmem>>
    tpu.wait_dma2 semaphore(%arg21 : memref<!tpu.dma_semaphore, #tpu.memory_space<semaphore_mem>>) src(%dma_wait3A_100 : memref<16x768xf32, #tpu.memory_space<vmem>>) dst(%dma_wait3A_96 : memref<16x768xf32, #tpu.memory_space<hbm>>)
    %add3A_101 = arith.constant 8192 : i32
    %add3A_102 = arith.addi %add3A_101, %mul3A_2 : i32
    %add3A_103 = arith.constant 240 : i32
    %add3A_104 = arith.addi %add3A_102, %add3A_103 : i32
    %dma_wait3A_105 = arith.constant 5 : i32
    %dma_wait3A_106 = arith.constant 0 : i32
    %dma_wait3A_107 = arith.constant 0 : i32
    %dma_wait3A_108 = tpu.memref_slice %arg7[%dma_wait3A_105, %dma_wait3A_106, %dma_wait3A_107] : memref<8x16x768xf32, #tpu.memory_space<vmem>> -> memref<1x16x768xf32, #tpu.memory_space<vmem>>
    %dma_wait3A_109 = tpu.memref_squeeze %dma_wait3A_108 : memref<1x16x768xf32, #tpu.memory_space<vmem>> -> memref<16x768xf32, #tpu.memory_space<vmem>>
    %dma_wait3A_110 = arith.constant 0 : i32
    %dma_wait3A_111 = tpu.memref_slice %arg5[%add3A_104, %dma_wait3A_110] : memref<32768x768xf32, #tpu.memory_space<hbm>> -> memref<16x768xf32, #tpu.memory_space<hbm>>
    %dma_wait3A_112 = arith.constant 0 : i32
    %dma_wait3A_113 = tpu.memref_slice %arg5[%add3A_104, %dma_wait3A_112] : memref<32768x768xf32, #tpu.memory_space<hbm>> -> memref<16x768xf32, #tpu.memory_space<hbm>>
    %dma_wait3A_114 = arith.constant 0 : i32
    %dma_wait3A_115 = arith.constant 0 : i32
    %dma_wait3A_116 = tpu.memref_slice %arg7[%dma_wait3A_105, %dma_wait3A_114, %dma_wait3A_115] : memref<8x16x768xf32, #tpu.memory_space<vmem>> -> memref<1x16x768xf32, #tpu.memory_space<vmem>>
    %dma_wait3A_117 = tpu.memref_squeeze %dma_wait3A_116 : memref<1x16x768xf32, #tpu.memory_space<vmem>> -> memref<16x768xf32, #tpu.memory_space<vmem>>
    tpu.wait_dma2 semaphore(%arg22 : memref<!tpu.dma_semaphore, #tpu.memory_space<semaphore_mem>>) src(%dma_wait3A_117 : memref<16x768xf32, #tpu.memory_space<vmem>>) dst(%dma_wait3A_113 : memref<16x768xf32, #tpu.memory_space<hbm>>)
    %add3A_118 = arith.constant 16384 : i32
    %add3A_119 = arith.addi %add3A_118, %mul3A_2 : i32
    %add3A_120 = arith.constant 240 : i32
    %add3A_121 = arith.addi %add3A_119, %add3A_120 : i32
    %dma_wait3A_122 = arith.constant 6 : i32
    %dma_wait3A_123 = arith.constant 0 : i32
    %dma_wait3A_124 = arith.constant 0 : i32
    %dma_wait3A_125 = tpu.memref_slice %arg7[%dma_wait3A_122, %dma_wait3A_123, %dma_wait3A_124] : memref<8x16x768xf32, #tpu.memory_space<vmem>> -> memref<1x16x768xf32, #tpu.memory_space<vmem>>
    %dma_wait3A_126 = tpu.memref_squeeze %dma_wait3A_125 : memref<1x16x768xf32, #tpu.memory_space<vmem>> -> memref<16x768xf32, #tpu.memory_space<vmem>>
    %dma_wait3A_127 = arith.constant 0 : i32
    %dma_wait3A_128 = tpu.memref_slice %arg5[%add3A_121, %dma_wait3A_127] : memref<32768x768xf32, #tpu.memory_space<hbm>> -> memref<16x768xf32, #tpu.memory_space<hbm>>
    %dma_wait3A_129 = arith.constant 0 : i32
    %dma_wait3A_130 = tpu.memref_slice %arg5[%add3A_121, %dma_wait3A_129] : memref<32768x768xf32, #tpu.memory_space<hbm>> -> memref<16x768xf32, #tpu.memory_space<hbm>>
    %dma_wait3A_131 = arith.constant 0 : i32
    %dma_wait3A_132 = arith.constant 0 : i32
    %dma_wait3A_133 = tpu.memref_slice %arg7[%dma_wait3A_122, %dma_wait3A_131, %dma_wait3A_132] : memref<8x16x768xf32, #tpu.memory_space<vmem>> -> memref<1x16x768xf32, #tpu.memory_space<vmem>>
    %dma_wait3A_134 = tpu.memref_squeeze %dma_wait3A_133 : memref<1x16x768xf32, #tpu.memory_space<vmem>> -> memref<16x768xf32, #tpu.memory_space<vmem>>
    tpu.wait_dma2 semaphore(%arg23 : memref<!tpu.dma_semaphore, #tpu.memory_space<semaphore_mem>>) src(%dma_wait3A_134 : memref<16x768xf32, #tpu.memory_space<vmem>>) dst(%dma_wait3A_130 : memref<16x768xf32, #tpu.memory_space<hbm>>)
    %add3A_135 = arith.constant 24576 : i32
    %add3A_136 = arith.addi %add3A_135, %mul3A_2 : i32
    %add3A_137 = arith.constant 240 : i32
    %add3A_138 = arith.addi %add3A_136, %add3A_137 : i32
    %dma_wait3A_139 = arith.constant 7 : i32
    %dma_wait3A_140 = arith.constant 0 : i32
    %dma_wait3A_141 = arith.constant 0 : i32
    %dma_wait3A_142 = tpu.memref_slice %arg7[%dma_wait3A_139, %dma_wait3A_140, %dma_wait3A_141] : memref<8x16x768xf32, #tpu.memory_space<vmem>> -> memref<1x16x768xf32, #tpu.memory_space<vmem>>
    %dma_wait3A_143 = tpu.memref_squeeze %dma_wait3A_142 : memref<1x16x768xf32, #tpu.memory_space<vmem>> -> memref<16x768xf32, #tpu.memory_space<vmem>>
    %dma_wait3A_144 = arith.constant 0 : i32
    %dma_wait3A_145 = tpu.memref_slice %arg5[%add3A_138, %dma_wait3A_144] : memref<32768x768xf32, #tpu.memory_space<hbm>> -> memref<16x768xf32, #tpu.memory_space<hbm>>
    %dma_wait3A_146 = arith.constant 0 : i32
    %dma_wait3A_147 = tpu.memref_slice %arg5[%add3A_138, %dma_wait3A_146] : memref<32768x768xf32, #tpu.memory_space<hbm>> -> memref<16x768xf32, #tpu.memory_space<hbm>>
    %dma_wait3A_148 = arith.constant 0 : i32
    %dma_wait3A_149 = arith.constant 0 : i32
    %dma_wait3A_150 = tpu.memref_slice %arg7[%dma_wait3A_139, %dma_wait3A_148, %dma_wait3A_149] : memref<8x16x768xf32, #tpu.memory_space<vmem>> -> memref<1x16x768xf32, #tpu.memory_space<vmem>>
    %dma_wait3A_151 = tpu.memref_squeeze %dma_wait3A_150 : memref<1x16x768xf32, #tpu.memory_space<vmem>> -> memref<16x768xf32, #tpu.memory_space<vmem>>
    tpu.wait_dma2 semaphore(%arg24 : memref<!tpu.dma_semaphore, #tpu.memory_space<semaphore_mem>>) src(%dma_wait3A_151 : memref<16x768xf32, #tpu.memory_space<vmem>>) dst(%dma_wait3A_147 : memref<16x768xf32, #tpu.memory_space<hbm>>)
    return
  }
}

</mosaic_0001>

<sc_bundles>
// kernel: kernel.3.cloned.1.call-start
scs
__scs_entry_jumppad:
0x0: {  	(pc) =	sbr.rel $0x88, $3  }
0x1: {  	(tag) =	ssettag $0x0;
	lr =	simm.s32 $0x1  }
0x2: {  	[smem:$0x3F9F] =	sst lr;
	_ =	strace $0xD0000000  }
0x3: {  	_ = 	snop  }
0x4: {  	_ = 	snop  }
0x5: {  	_ = 	snop  }
0x6: {  	_ = 	snop  }
0x7: {  	_ = 	snop  }
__scs_overlays_trampoline_lowered:
0x8: {  	[smem:$0x3FAE] =	sst s0  }
0x9: {  	[smem:$0x3FAF] =	sst s1  }
0xa: {  	[smem:$0x3FB0] =	sst s2  }
0xb: {  	[smem:$0x3FB1] =	sst s3  }
0xc: {  	[smem:$0x3FB2] =	sst s4  }
0xd: {  	[smem:$0x3FB3] =	sst s5  }
0xe: {  	[smem:$0x3FB4] =	sst s6  }
0xf: {  	[smem:$0x3FB5] =	sst s7  }
0x10: {  	[smem:$0x3FB6] =	sst s8  }
0x11: {  	[smem:$0x3FB7] =	sst s9;
	s0 =	simm.s32 @!p0 $0x0  }
0x12: {  	s1 =	sld [smem:$0x3F9D];
	s0 =	simm.s32 @p0 $0x1  }
0x13: {  	[smem:$0x3FB8] =	sst s0;
	s0 =	simm.s32 @!p1 $0x0  }
0x14: {  	s2 =	sld [smem:$0x3F9C];
	s0 =	simm.s32 @p1 $0x1  }
0x15: {  	[smem:$0x3FB9] =	sst s0;
	s0 =	simm.s32 @!p2 $0x0  }
0x16: {  	s3 =	sld [smem:$0x3FDB];
	s0 =	simm.s32 @p2 $0x1  }
0x17: {  	s4 =	simm.s32 $0x1BF5;
	[smem:$0x3FBB] =	sst s0  }
0x18: {  	s0 =	sld [smem:$0x3F9E];
	_ =	swait.ge [sflag:s4], $0x0  }
0x19: {  	s7 =	sld [smem:$0x3F9F]  }
0x1a: {  	s8 =	sadd.s32 $0xFFFFE003, lr  }
0x1b: {  	s9 =	sadd.s32 $0xFFFFFEF7, lr;
	s5 =	simm.s32 $0xFFFFFFFF;
	p2 =	slt.u32 s8, $0xFFFFF086  }
0x1c: {  	p1 =	slt.u32 s9, $0xF7A;
	s5 =	simm.s32 @!p2 $0x0  }
0x1d: {  	s5 =	simm.s32 @p1 $0x1;
	p0 =	seq.s32 s7, s2  }
0x1e: {  	s7 =	smul.u32 @!p0 $0xF7A, s2;
	p2 =	seq.s32 @!p0 s5, $0x0  }
0x1f: {  	s9 =	smul.u32 $0xF7A, s1;
	s8 =	simm.s32 @!p0 $0x1BF5;
	p2 =	por !p2, p0  }
0x20: {  	[sflag:s8] =	ssyncset.s32 @!p0 $0xFFFFF086;
	s6 =	sadd.s32 @!p0 s3, s7;
	s7 =	simm.s32 @!p0 $0x108  }
0x21: {  	s3 =	sadd.s32 s3, s9;
	s6 =	sadd.s32 @!p0 $0x88, s6;
	s7 =	simm.s32 @p2 $0x1082  }
0x22: {  	[simem:s7], [sflag:s8] =	dma.local @!p0 [hbm:s6], $0xF7A  }
0x23: {  	s9 =	sor.u32 $0xD0000000, s2;
	s6 =	simm.s32 $0x108;
	_ =	swait.ge @!p0 [sflag:s8], $0x0  }
0x24: {  	s3 =	sadd.s32 $0x88, s3;
	s6 =	simm.s32 @!p1 $0x1082;
	[sflag:s4] =	ssyncset.s32 $0xFFFFF086  }
0x25: {  	[simem:s6], [sflag:s4] =	dma.local [hbm:s3], $0xF7A  }
0x26: {  	[smem:$0x3F9F] =	sst s1;
	(tag) =	ssettag s2;
	_ =	strace s9  }
0x27: {  	s1 =	sld [smem:$0x3FAF]  }
0x28: {  	s2 =	sld [smem:$0x3FB0]  }
0x29: {  	s4 =	sld [smem:$0x3FB2]  }
0x2a: {  	p0 =	seq.s32 s5, $0x0;
	s5 =	sld [smem:$0x3FB3]  }
0x2b: {  	s6 =	sld [smem:$0x3FB4]  }
0x2c: {  	s7 =	sld [smem:$0x3FB5]  }
0x2d: {  	s3 =	simm.s32 $0x108;
	s8 =	sld [smem:$0x3FB6]  }
0x2e: {  	s3 =	simm.s32 @!p0 $0x1082;
	s9 =	sld [smem:$0x3FB7]  }
0x2f: {  	lr =	sadd.s32 s0, s3;
	s0 =	sld [smem:$0x3FAE]  }
0x30: {  	s3 =	sld [smem:$0x3FB1]  }
0x31: {  	[smem:$0x3FBA] =	sst s10  }
0x32: {  	s10 =	sld [smem:$0x3FB8];
	_ =	sdelay $0x3  }
0x33: {  	p0 =	seq.s32 s10, $0x1;
	s10 =	sld [smem:$0x3FBA];
	_ =	sdelay $0x3  }
0x34: {  	[smem:$0x3FBA] =	sst s10  }
0x35: {  	s10 =	sld [smem:$0x3FB9];
	_ =	sdelay $0x3  }
0x36: {  	p1 =	seq.s32 s10, $0x1;
	s10 =	sld [smem:$0x3FBA];
	_ =	sdelay $0x3  }
0x37: {  	[smem:$0x3FBA] =	sst s10  }
0x38: {  	s10 =	sld [smem:$0x3FBB]  }
0x39: {  	_ = 	snop;
	(pc) =	sbr.ind lr, $3  }
0x3a: {  	_ = 	snop  }
0x3b: {  	_ = 	snop  }
0x3c: {  	p2 =	seq.s32 s10, $0x1;
	s10 =	sld [smem:$0x3FBA]  }
0x3d: {  	_ =	shalt  }
0x3e: {  	_ =	shalt  }
0x3f: {  	_ =	shalt  }
0x40: {  	_ =	shalt  }
0x41: {  	_ =	shalt  }
0x42: {  	_ =	shalt  }
0x43: {  	_ =	shalt  }
0x44: {  	_ =	shalt  }
0x45: {  	_ =	shalt  }
0x46: {  	_ =	shalt  }
0x47: {  	_ =	shalt  }
0x48: {  	_ =	shalt  }
0x49: {  	_ =	shalt  }
0x4a: {  	_ =	shalt  }
0x4b: {  	_ =	shalt  }
0x4c: {  	_ =	shalt  }
0x4d: {  	_ =	shalt  }
0x4e: {  	_ =	shalt  }
0x4f: {  	_ =	shalt  }
0x50: {  	_ =	shalt  }
0x51: {  	_ =	shalt  }
0x52: {  	_ =	shalt  }
0x53: {  	_ =	shalt  }
0x54: {  	_ =	shalt  }
0x55: {  	_ =	shalt  }
0x56: {  	_ =	shalt  }
0x57: {  	_ =	shalt  }
0x58: {  	_ =	shalt  }
0x59: {  	_ =	shalt  }
0x5a: {  	_ =	shalt  }
0x5b: {  	_ =	shalt  }
0x5c: {  	_ =	shalt  }
0x5d: {  	_ =	shalt  }
0x5e: {  	_ =	shalt  }
0x5f: {  	_ =	shalt  }
0x60: {  	_ =	shalt  }
0x61: {  	_ =	shalt  }
0x62: {  	_ =	shalt  }
0x63: {  	_ =	shalt  }
0x64: {  	_ =	shalt  }
0x65: {  	_ =	shalt  }
0x66: {  	_ =	shalt  }
0x67: {  	_ =	shalt  }
0x68: {  	_ =	shalt  }
0x69: {  	_ =	shalt  }
0x6a: {  	_ =	shalt  }
0x6b: {  	_ =	shalt  }
0x6c: {  	_ =	shalt  }
0x6d: {  	_ =	shalt  }
0x6e: {  	_ =	shalt  }
0x6f: {  	_ =	shalt  }
0x70: {  	_ =	shalt  }
0x71: {  	_ =	shalt  }
0x72: {  	_ =	shalt  }
0x73: {  	_ =	shalt  }
0x74: {  	_ =	shalt  }
0x75: {  	_ =	shalt  }
0x76: {  	_ =	shalt  }
0x77: {  	_ =	shalt  }
0x78: {  	_ =	shalt  }
0x79: {  	_ =	shalt  }
0x7a: {  	_ =	shalt  }
0x7b: {  	_ =	shalt  }
0x7c: {  	_ =	shalt  }
0x7d: {  	_ =	shalt  }
0x7e: {  	_ =	shalt  }
0x7f: {  	_ =	shalt  }
0x80: {  	_ =	shalt  }
0x81: {  	_ =	shalt  }
0x82: {  	_ =	shalt  }
0x83: {  	_ =	shalt  }
0x84: {  	_ =	shalt  }
0x85: {  	_ =	shalt  }
0x86: {  	_ =	shalt  }
0x87: {  	_ =	shalt  }
.Lfunc_end0:
.L_simem_size_0:
called_computation_lowered:
.L_overlay_start_0:
0x88: {  	s2 =	sld [smem:$0x3FD9]  }
0x89: {  	s3 =	sld [smem:$0x3FFE];
	_ =	sdelay $0x1  }
0x8a: {  	s1 =	srdreg.scid  }
0x8b: {  	s0 =	sand.u32 $0x1, s1  }
0x8c: {  	s17 =	sshll.u32 s0, $0xA;
	s2 =	sadd.s32 s3, s2  }
0x8d: {  	s2 =	sadd.s32 s2, s17  }
0x8e: {  	[smem:$0x3FC6] =	sst s2  }
0x8f: {  	_ = 	snop  }
0x90: {  	s2 =	sld [smem:$0x3FC8]  }
0x91: {  	s18 =	sld [smem:$0x3FD0];
	(tm) =	ssettm $0x1  }
0x92: {  	s4 =	sld [smem:$0x3FFB];
	_ =	sdelay $0x3  }
0x93: {  	_ =	strace s4  }
0x94: {  	s4 =	sld [smem:$0x3FFC];
	_ =	sdelay $0x3  }
0x95: {  	_ =	strace s4  }
0x96: {  	s4 =	sld [smem:$0x3FFD];
	_ =	sdelay $0x3  }
0x97: {  	_ =	strace s4  }
0x98: {  	_ =	strace $0x8FFFFFFF  }
0x99: {  	s19 =	sld [smem:$0x3FDB];
	_ =	sdelay $0x1  }
0x9a: {  	s5 =	simm.s32 $_scs_section_size  }
0x9b: {  	s6 =	simm.s32 $_size__tile_overlayer_lowered;
	s7 =	simm.s32 $_tile_overlayer_lowered  }
0x9c: {  	s22 =	simm.s32 $0x1BFF;
	s21 =	sshll.u32 s7, $0x1;
	s4 =	sadd.s32 s5, s19  }
0x9d: {  	s8 =	simm.s32 $0x0;
	s20 =	sshll.u32 s6, $0x1;
	s6 =	sadd.s32 s21, s4  }
0x9e: {  	[timem:s8], [sflag:s22] =	dma.local [hbm:s6], s20  }
0x9f: {  	_ =	swait.ge [sflag:s22], s20  }
0xa0: {  	s5 =	ssub.s32 $0x0, s20;
	[sflag:s22] =	ssyncset.done $0x0  }
0xa1: {  	[sflag:s22] =	ssyncadd.s32 s5;
	_ =	sdelay $0x1  }
0xa2: {  	s23 =	simm.s32 $0x1B8B  }
0xa3: {  	_ =	swait.ge [sflag:s23], $0x1  }
0xa4: {  	[sflag:s23] =	ssyncset.done $0x0  }
0xa5: {  	s25 =	simm.s32 $0x1B8E;
	s24 =	sld [smem:$0x3FFE];
	[sflag:s23] =	ssyncadd.s32 $0xFFFFFFFF  }
0xa6: {  	s26 =	simm.s32 $execute0_lowered;
	[smem:$0x3FD2] =	sst s25  }
0xa7: {  	s6 =	sshll.u32 s26, $0x1;
	_ =	strace $0x80000046;
	[dreg:$0x1] =	wrdreg $0xFFFFFFFF  }
0xa8: {  	s28 =	simm.s32 $_size_execute0_lowered;
	s4 =	sadd.s32 s4, s6;
	[dreg:$0x0] =	wrdreg $0x0  }
0xa9: {  	s6 =	sshll.u32 s28, $0x1;
	[dreg:$0x2] =	wrdreg s4  }
0xaa: {  	[dreg:$0x3] =	wrdreg s6  }
0xab: {  	[dreg:$0x4] =	wrdreg $0xC0  }
0xac: {  	_ =	task [dreg:s8], $0x5FFFF  }
0xad: {  	[dreg:$0x1] =	wrdreg $0xFFFFFFFF  }
0xae: {  	[dreg:$0x0] =	wrdreg $0x60  }
0xaf: {  	[dreg:$0x2] =	wrdreg s2  }
0xb0: {  	[dreg:$0x3] =	wrdreg s24  }
0xb1: {  	[dreg:$0x4] =	wrdreg s18  }
0xb2: {  	[dreg:$0x5] =	wrdreg $0x9  }
0xb3: {  	_ =	task.clear_ibuf [dreg:s8], $0x6FFFF;
	_ =	strace $0x90000046  }
0xb4: {  	s29 =	simm.s32 $0x9;
	_ =	strace $0x80000048  }
0xb5: {  	_ =	swait.ge [sflag:s29], $0x1  }
0xb6: {  	[sflag:s29] =	ssyncadd.s32 $0xFFFFFFFF  }
0xb7: {  	_ =	strace $0x90000048  }
0xb8: {  	_ =	sfence  }
0xb9: {  	s30 =	sld [smem:$0x0];
	_ =	sdelay $0x2  }
0xba: {  	s31 =	sshll.u32 s1, $0xD;
	s1 =	sshrl.u32 s1, $0x2  }
0xbb: {  	s3 =	sand.u32 $0x4000, s31;
	s1 =	sadd.s32 s1, s30  }
0xbc: {  	s0 =	sor.u32 s3, s0;
	s1 =	sshll.u32 s1, $0x11  }
0xbd: {  	s0 =	sor.u32 s1, s0  }
0xbe: {  	s0 =	sadd.s32 $0x8F2B, s0  }
0xbf: {  	[sflag:s0] =	ssyncadd.remote.s32 $0x1  }
0xc0: {  	_ =	sfence.sel $0xFFFF  }
0xc1: {  	[dreg:$0x0] =	wrdreg $0xFFFFFFFF;
	(pc) =	sbr.abs _section_cstart, $3  }
0xc2: {  	[dreg:$0x1] =	wrdreg $0xFFFFFFFF  }
0xc3: {  	_ =	task.clear_ibuf [dreg:s8], $0x2FFFF;
	_ =	strace $0x9FFFFFFF  }
0xc4: {  	(tm) =	ssettm $0x7FFFFFFF  }
0xc5: {  	_ =	shalt  }
tec
execute0_lowered:
.L_overlay_start_1:
0x0: {  	(tag) =	ssettag $0x1  }
0x1: {  	s1 =	rddreg [dreg:$0x0]  }
0x2: {  	s0 =	rddreg [dreg:$0x1]  }
0x3: {  	s2 =	rddreg [dreg:$0x2];
	s3 =	simm.s32 $0x0  }
0x4: {  	s4 =	srdreg.scid;
	s5 =	stileid.u32;
	s28 =	simm.s32 $0x7  }
0x5: {  	s22 =	simm.s32 $0xC;
	s31 =	simm.s32 $0x8;
	[smem:$0x7FF] =	sst s3  }
0x6: {  	s8 =	sadd.s32 $0x400, s0;
	s4 =	sand.u32 $0x1, s4;
	s6 =	sshll.u32 s5, $0x9  }
0x7: {  	s5 =	sadd.s32 $0x1400, s0;
	s7 =	ssub.s32 $0x2, s4;
	s4 =	sshll.u32 s4, $0x8  }
0x8: {  	_ =	strace $0x80000047;
	s24 =	sshrl.u32 s7, $0x1;
	s6 =	sor.u32 s4, s6  }
0x9: {  	s0 =	ssub.s32 s7, s24;
	s4 =	sshrl.u32 s6, $0x3;
	s7 =	sor.u32 $0x2000, s6  }
0xa: {  	s10 =	sor.u32 $0x4000, s6;
	s11 =	sor.u32 $0x6000, s6;
	s29 =	sor.u32 $0x20, s6  }
0xb: {  	s30 =	sor.u32 $0x30, s6;
	s9 =	sadd.s32 s8, s4;
	[dreg:$0xa] =	wrdreg s29  }
0xc: {  	s25 =	sshrl.u32 s7, $0x3;
	s4 =	smul.u32 $0x180, s4;
	[dreg:$0xb] =	wrdreg s30  }
0xd: {  	s26 =	sshrl.u32 s10, $0x3;
	s0 =	smax.u32 s0, $0x1;
	[dreg:$0x4] =	wrdreg s9  }
0xe: {  	s12 =	sshrl.u32 s11, $0x3;
	s9 =	sadd.s32 s8, s25;
	[dreg:$0xc] =	wrdreg s0  }
.Ltmp0:
0xf: {  	[dreg:$0x5] =	wrdreg s9;
	s9 =	sadd.s32 s8, s26;
	(pc) =	sbr.rel .LBB2_1-.Ltmp0, $4  }
0x10: {  	s16 =	sadd.s32 $0x100, s1;
	s8 =	sadd.s32 s8, s12;
	[dreg:$0x7] =	wrdreg s9  }
0x11: {  	v2 =	vlaneseq.u32;
	s17 =	sadd.s32 $0x200, s1;
	s4 =	sadd.s32 s5, s4;
	[dreg:$0x8] =	wrdreg s8  }
0x12: {  	vm0 =	vmmov $0xffff;
	v1 =	vshrl.u32 v2, $0x3;
	s24 =	simm.s32 $0xB;
	[dreg:$0x6] =	wrdreg s4;
	s4 =	sadd.s32 $0x300, s4  }
0x13: {  	v0 =	vand.u32 $0x7, v2;
	v2 =	vor.u32 $0x8, v2;
	v1 =	vmul.u32 $0x8, v1;
	s26 =	simm.s32 $0xC400;
	s8 =	simm.s32 $0x0;
	[dreg:$0x9] =	wrdreg s4  }
.LBB2_36:
0x14: {  	s0 =	simm.s32 $0xD  }
0x15: {  	_ =	swait.ge [sflag:s0], $0x3000  }
0x16: {  	[sflag:s0] =	ssyncset.done $0x0  }
0x17: {  	s25 =	simm.s32 $0xE;
	[sflag:s0] =	ssyncadd.s32 $0xFFFFD000  }
0x18: {  	_ =	swait.ge [sflag:s25], $0x3000  }
0x19: {  	[sflag:s25] =	ssyncset.done $0x0  }
0x1a: {  	s29 =	simm.s32 $0xF;
	[sflag:s25] =	ssyncadd.s32 $0xFFFFD000  }
0x1b: {  	_ =	swait.ge [sflag:s29], $0x3000  }
0x1c: {  	[sflag:s29] =	ssyncset.done $0x0  }
0x1d: {  	s4 =	simm.s32 $0x10;
	[sflag:s29] =	ssyncadd.s32 $0xFFFFD000  }
0x1e: {  	_ =	swait.ge [sflag:s4], $0x3000  }
0x1f: {  	s8 =	rddreg [dreg:$0xd]  }
0x20: {  	s30 =	rddreg [dreg:$0xc];
	s8 =	sadd.s32 $0x1, s8  }
0x21: {  	p0 =	sne.s32 s8, s30  }
.Ltmp1:
0x22: {  	_ = 	snop;
	(pc) =	sbr.rel @!p0 .LBB2_37-.Ltmp1, $3  }
0x23: {  	_ =	sdelay $0x1  }
0x24: {  	[sflag:s4] =	ssyncset.done $0x0  }
0x25: {  	[sflag:s4] =	ssyncadd.s32 $0xFFFFD000  }
.LBB2_1:
0x26: {  	[dreg:$0xd] =	wrdreg s8  }
0x27: {  	s0 =	rddreg [dreg:$0x4];
	s4 =	simm.s32 $0x13  }
0x28: {  	[tilespmem:s3], [sflag:$0x13] =	stream.linear.gather [hbm4b:s0+s3], $0x100, $0x38;
	[tilespmem:$0x1B400] =	vst v63  }
0x29: {  	_ =	swait.ge [sflag:s4], $0x100  }
0x2a: {  	[sflag:s4] =	ssyncset.done $0x0  }
0x2b: {  	s20 =	simm.s32 $0x100;
	s19 =	rddreg [dreg:$0x5];
	[sflag:s4] =	ssyncadd.s32 $0xFFFFFF00  }
0x2c: {  	[tilespmem:s20], [sflag:$0x13] =	stream.linear.gather [hbm4b:s19+s3], $0x100, $0x38;
	[tilespmem:$0x1B400] =	vst v63  }
0x2d: {  	_ =	swait.ge [sflag:s4], $0x100  }
0x2e: {  	[sflag:s4] =	ssyncset.done $0x0  }
0x2f: {  	s23 =	simm.s32 $0x200;
	s21 =	rddreg [dreg:$0x7];
	[sflag:s4] =	ssyncadd.s32 $0xFFFFFF00  }
0x30: {  	[tilespmem:s23], [sflag:$0x13] =	stream.linear.gather [hbm4b:s21+s3], $0x100, $0x38;
	[tilespmem:$0x1B400] =	vst v63  }
0x31: {  	_ =	swait.ge [sflag:s4], $0x100  }
0x32: {  	[sflag:s4] =	ssyncset.done $0x0  }
0x33: {  	s30 =	simm.s32 $0x300;
	s25 =	rddreg [dreg:$0x8];
	[sflag:s4] =	ssyncadd.s32 $0xFFFFFF00  }
0x34: {  	[tilespmem:s30], [sflag:$0x13] =	stream.linear.gather [hbm4b:s25+s3], $0x100, $0x38;
	[tilespmem:$0x1B400] =	vst v63  }
0x35: {  	_ =	swait.ge [sflag:s4], $0x100  }
0x36: {  	[sflag:s4] =	ssyncset.done $0x0  }
0x37: {  	s8 =	simm.s32 $0x18400;
	[sflag:s4] =	ssyncadd.s32 $0xFFFFFF00;
	s4 =	rddreg [dreg:$0x6]  }
0x38: {  	[tilespmem:s8], [sflag:$0x11] =	stream.linear.gather [hbm4b:s4+s3], $0x1800, $0x38;
	[tilespmem:$0x1B400] =	vst v63  }
0x39: {  	s12 =	simm.s32 $0x19C00;
	s9 =	rddreg [dreg:$0x9]  }
0x3a: {  	[tilespmem:s12], [sflag:$0x12] =	stream.linear.gather [hbm4b:s9+s3], $0x1800, $0x38;
	[tilespmem:$0x1B400] =	vst v63  }
0x3b: {  	v3 =	vld [tilespmem:$0x0];
	_ =	sdelay $0x4  }
0x3c: {  	v4 =	vshrl.u32 v3, $0x3  }
0x3d: {  	v4 =	vmul.u32 $0x30, v4  }
0x3e: {  	v3 =	vand.u32 $0x7, v3  }
0x3f: {  	v3 =	vor.u32 v3, v4  }
0x40: {  	v4 =	vperm.xlane v3, v0;
	_ =	sdelay $0x1  }
0x41: {  	v4 =	vadd.s32 v1, v4;
	_ =	sdelay $0x3  }
0x42: {  	s13 =	simm.s32 $0x400;
	v3 =	vperm.xlane v3, v2  }
0x43: {  	[tilespmem:s13], [sflag:$0x1] =	stream.indirect_vreg.gather [hbm4b:s1+s3], $0x80, v4, vm0, $0xb8;
	[tilespmem:$0x1B400] =	vst v63  }
0x44: {  	s14 =	simm.s32 $0xC00;
	v3 =	vadd.s32 v1, v3  }
0x45: {  	[tilespmem:s14], [sflag:$0x1] =	stream.indirect_vreg.gather [hbm4b:s16+s3], $0x80, v4, vm0, $0xb8;
	[tilespmem:$0x1B400] =	vst v63  }
0x46: {  	s15 =	simm.s32 $0x1400  }
0x47: {  	[tilespmem:s15], [sflag:$0x1] =	stream.indirect_vreg.gather [hbm4b:s17+s3], $0x80, v4, vm0, $0xb8;
	[tilespmem:$0x1B400] =	vst v63  }
0x48: {  	s18 =	simm.s32 $0x1C00  }
0x49: {  	[tilespmem:s18], [sflag:$0x1] =	stream.indirect_vreg.gather [hbm4b:s1+s3], $0x80, v3, vm0, $0xb8;
	[tilespmem:$0x1B400] =	vst v63  }
0x4a: {  	s19 =	simm.s32 $0x2400  }
0x4b: {  	[tilespmem:s19], [sflag:$0x1] =	stream.indirect_vreg.gather [hbm4b:s16+s3], $0x80, v3, vm0, $0xb8;
	[tilespmem:$0x1B400] =	vst v63  }
0x4c: {  	s20 =	simm.s32 $0x2C00  }
0x4d: {  	[tilespmem:s20], [sflag:$0x1] =	stream.indirect_vreg.gather [hbm4b:s17+s3], $0x80, v3, vm0, $0xb8;
	[tilespmem:$0x1B400] =	vst v63  }
0x4e: {  	v3 =	vld [tilespmem:$0x100];
	_ =	sdelay $0x4  }
0x4f: {  	v61 =	vshrl.u32 v3, $0x3  }
0x50: {  	v4 =	vmul.u32 $0x30, v61  }
0x51: {  	v3 =	vand.u32 $0x7, v3  }
0x52: {  	v3 =	vor.u32 v3, v4  }
0x53: {  	v4 =	vperm.xlane v3, v0;
	_ =	sdelay $0x1  }
0x54: {  	v4 =	vadd.s32 v1, v4;
	_ =	sdelay $0x3  }
0x55: {  	s21 =	simm.s32 $0x3400;
	v3 =	vperm.xlane v3, v2  }
0x56: {  	[tilespmem:s21], [sflag:$0x2] =	stream.indirect_vreg.gather [hbm4b:s1+s3], $0x80, v4, vm0, $0xb8;
	[tilespmem:$0x1B400] =	vst v63  }
0x57: {  	s23 =	simm.s32 $0x3C00;
	v3 =	vadd.s32 v1, v3  }
0x58: {  	[tilespmem:s23], [sflag:$0x2] =	stream.indirect_vreg.gather [hbm4b:s16+s3], $0x80, v4, vm0, $0xb8;
	[tilespmem:$0x1B400] =	vst v63  }
0x59: {  	s25 =	simm.s32 $0x4400  }
0x5a: {  	[tilespmem:s25], [sflag:$0x2] =	stream.indirect_vreg.gather [hbm4b:s17+s3], $0x80, v4, vm0, $0xb8;
	[tilespmem:$0x1B400] =	vst v63  }
0x5b: {  	s30 =	simm.s32 $0x4C00  }
0x5c: {  	[tilespmem:s30], [sflag:$0x2] =	stream.indirect_vreg.gather [hbm4b:s1+s3], $0x80, v3, vm0, $0xb8;
	[tilespmem:$0x1B400] =	vst v63  }
0x5d: {  	s4 =	simm.s32 $0x5400  }
0x5e: {  	[tilespmem:s4], [sflag:$0x2] =	stream.indirect_vreg.gather [hbm4b:s16+s3], $0x80, v3, vm0, $0xb8;
	[tilespmem:$0x1B400] =	vst v63  }
0x5f: {  	s8 =	simm.s32 $0x5C00  }
0x60: {  	[tilespmem:s8], [sflag:$0x2] =	stream.indirect_vreg.gather [hbm4b:s17+s3], $0x80, v3, vm0, $0xb8;
	[tilespmem:$0x1B400] =	vst v63  }
0x61: {  	v3 =	vld [tilespmem:$0x200];
	_ =	sdelay $0x4  }
0x62: {  	v62 =	vshrl.u32 v3, $0x3  }
0x63: {  	v4 =	vmul.u32 $0x30, v62  }
0x64: {  	v3 =	vand.u32 $0x7, v3  }
0x65: {  	v3 =	vor.u32 v3, v4  }
0x66: {  	v4 =	vperm.xlane v3, v0;
	_ =	sdelay $0x1  }
0x67: {  	v4 =	vadd.s32 v1, v4;
	_ =	sdelay $0x3  }
0x68: {  	s9 =	simm.s32 $0x6400;
	v3 =	vperm.xlane v3, v2  }
0x69: {  	[tilespmem:s9], [sflag:$0x3] =	stream.indirect_vreg.gather [hbm4b:s1+s3], $0x80, v4, vm0, $0xb8;
	[tilespmem:$0x1B400] =	vst v63  }
0x6a: {  	s12 =	simm.s32 $0x6C00;
	v3 =	vadd.s32 v1, v3  }
0x6b: {  	[tilespmem:s12], [sflag:$0x3] =	stream.indirect_vreg.gather [hbm4b:s16+s3], $0x80, v4, vm0, $0xb8;
	[tilespmem:$0x1B400] =	vst v63  }
0x6c: {  	s13 =	simm.s32 $0x7400  }
0x6d: {  	[tilespmem:s13], [sflag:$0x3] =	stream.indirect_vreg.gather [hbm4b:s17+s3], $0x80, v4, vm0, $0xb8;
	[tilespmem:$0x1B400] =	vst v63  }
0x6e: {  	s14 =	simm.s32 $0x7C00  }
0x6f: {  	[tilespmem:s14], [sflag:$0x3] =	stream.indirect_vreg.gather [hbm4b:s1+s3], $0x80, v3, vm0, $0xb8;
	[tilespmem:$0x1B400] =	vst v63  }
0x70: {  	s15 =	simm.s32 $0x8400  }
0x71: {  	[tilespmem:s15], [sflag:$0x3] =	stream.indirect_vreg.gather [hbm4b:s16+s3], $0x80, v3, vm0, $0xb8;
	[tilespmem:$0x1B400] =	vst v63  }
0x72: {  	s18 =	simm.s32 $0x8C00  }
0x73: {  	[tilespmem:s18], [sflag:$0x3] =	stream.indirect_vreg.gather [hbm4b:s17+s3], $0x80, v3, vm0, $0xb8;
	[tilespmem:$0x1B400] =	vst v63  }
0x74: {  	v3 =	vld [tilespmem:$0x300];
	_ =	sdelay $0x4  }
0x75: {  	v63 =	vshrl.u32 v3, $0x3  }
0x76: {  	v4 =	vmul.u32 $0x30, v63  }
0x77: {  	v3 =	vand.u32 $0x7, v3  }
0x78: {  	v3 =	vor.u32 v3, v4  }
0x79: {  	v4 =	vperm.xlane v3, v0;
	_ =	sdelay $0x1  }
0x7a: {  	v4 =	vadd.s32 v1, v4;
	_ =	sdelay $0x3  }
0x7b: {  	s19 =	simm.s32 $0x9400;
	v3 =	vperm.xlane v3, v2  }
0x7c: {  	[tilespmem:s19], [sflag:$0x4] =	stream.indirect_vreg.gather [hbm4b:s1+s3], $0x80, v4, vm0, $0xb8;
	[tilespmem:$0x1B400] =	vst v63  }
0x7d: {  	s20 =	simm.s32 $0x9C00;
	v3 =	vadd.s32 v1, v3  }
0x7e: {  	[tilespmem:s20], [sflag:$0x4] =	stream.indirect_vreg.gather [hbm4b:s16+s3], $0x80, v4, vm0, $0xb8;
	[tilespmem:$0x1B400] =	vst v63  }
0x7f: {  	s21 =	simm.s32 $0xA400  }
0x80: {  	[tilespmem:s21], [sflag:$0x4] =	stream.indirect_vreg.gather [hbm4b:s17+s3], $0x80, v4, vm0, $0xb8;
	[tilespmem:$0x1B400] =	vst v63  }
0x81: {  	s23 =	simm.s32 $0xAC00  }
0x82: {  	[tilespmem:s23], [sflag:$0x4] =	stream.indirect_vreg.gather [hbm4b:s1+s3], $0x80, v3, vm0, $0xb8;
	[tilespmem:$0x1B400] =	vst v63  }
0x83: {  	s25 =	simm.s32 $0xB400  }
0x84: {  	[tilespmem:s25], [sflag:$0x4] =	stream.indirect_vreg.gather [hbm4b:s16+s3], $0x80, v3, vm0, $0xb8;
	[tilespmem:$0x1B400] =	vst v63  }
0x85: {  	s29 =	simm.s32 $0x0;
	s30 =	simm.s32 $0xBC00  }
0x86: {  	[tilespmem:s30], [sflag:$0x4] =	stream.indirect_vreg.gather [hbm4b:s17+s3], $0x80, v3, vm0, $0xb8;
	[tilespmem:$0x1B400] =	vst v63  }
.LBB2_2:
0x87: {  	s0 =	simm.s32 $0x11  }
0x88: {  	_ =	swait.ge [sflag:s0], $0x1800  }
0x89: {  	p0 =	seq.s32 s29, $0x0;
	[sflag:s0] =	ssyncset.done $0x0  }
0x8a: {  	[sflag:s0] =	ssyncadd.s32 $0xFFFFE800;
	s0 =	simm.s32 @!p0 $0xD  }
0x8b: {  	_ =	swait.ge @!p0 [sflag:s0], $0x3000  }
0x8c: {  	s19 =	sshll.u32 s29, $0x5;
	[sflag:s0] =	ssyncset.done @!p0 $0x0  }
0x8d: {  	s18 =	sand.u32 $0x3FFFFFE0, s19;
	[sflag:s0] =	ssyncadd.s32 @!p0 $0xFFFFD000  }
0x8e: {  	v3 =	vld [tilespmem:s18+$0x10];
	_ =	sdelay $0x4  }
0x8f: {  	v4 =	vshrl.u32 v3, $0x3  }
0x90: {  	v4 =	vmul.u32 $0x30, v4  }
0x91: {  	v3 =	vand.u32 $0x7, v3  }
0x92: {  	v3 =	vor.u32 v3, v4  }
0x93: {  	v4 =	vperm.xlane v3, v0;
	_ =	sdelay $0x1  }
0x94: {  	v4 =	vadd.s32 v1, v4;
	_ =	sdelay $0x3  }
0x95: {  	s13 =	simm.s32 $0x0;
	v3 =	vperm.xlane v3, v2  }
0x96: {  	[tilespmem:s26], [sflag:$0x5] =	stream.indirect_vreg.gather [hbm4b:s1+s13], $0x80, v4, vm0, $0xb8;
	[tilespmem:$0x1B400] =	vst v63  }
0x97: {  	s20 =	simm.s32 $0xCC00;
	v3 =	vadd.s32 v1, v3  }
0x98: {  	[tilespmem:s20], [sflag:$0x5] =	stream.indirect_vreg.gather [hbm4b:s16+s13], $0x80, v4, vm0, $0xb8;
	[tilespmem:$0x1B400] =	vst v63  }
0x99: {  	s21 =	simm.s32 $0xD400  }
0x9a: {  	[tilespmem:s21], [sflag:$0x5] =	stream.indirect_vreg.gather [hbm4b:s17+s13], $0x80, v4, vm0, $0xb8;
	[tilespmem:$0x1B400] =	vst v63  }
0x9b: {  	s23 =	simm.s32 $0xDC00  }
0x9c: {  	[tilespmem:s23], [sflag:$0x5] =	stream.indirect_vreg.gather [hbm4b:s1+s13], $0x80, v3, vm0, $0xb8;
	[tilespmem:$0x1B400] =	vst v63  }
0x9d: {  	s25 =	simm.s32 $0xE400  }
0x9e: {  	[tilespmem:s25], [sflag:$0x5] =	stream.indirect_vreg.gather [hbm4b:s16+s13], $0x80, v3, vm0, $0xb8;
	[tilespmem:$0x1B400] =	vst v63  }
0x9f: {  	s4 =	simm.s32 $0x1;
	s26 =	simm.s32 $0xEC00  }
0xa0: {  	[tilespmem:s26], [sflag:$0x5] =	stream.indirect_vreg.gather [hbm4b:s17+s13], $0x80, v3, vm0, $0xb8;
	[tilespmem:$0x1B400] =	vst v63  }
0xa1: {  	_ =	swait.ge [sflag:s4], $0x3000  }
0xa2: {  	s30 =	sshll.u32 s29, $0x1;
	s0 =	sor.u32 s6, s19;
	[sflag:s4] =	ssyncset.done $0x0  }
0xa3: {  	s20 =	simm.s32 $0x0;
	s25 =	simm.s32 $0x0;
	[sflag:s4] =	ssyncadd.s32 $0xFFFFD000  }
.LBB2_3:
0xa4: {  	s8 =	sshrl.u32 s25, $0x3  }
0xa5: {  	s12 =	sand.u32 $0x7, s20;
	s9 =	smul.u32 $0x6000, s8  }
0xa6: {  	s12 =	sshll.u32 s12, $0x9  }
0xa7: {  	s9 =	sor.u32 s12, s9  }
0xa8: {  	s9 =	sshra.s32 s9, $0x2  }
0xa9: {  	s9 =	sor.u32 $0x440, s9  }
0xaa: {  	v4 =	vld [tilespmem:s9+$0x30]  }
0xab: {  	s14 =	sshll.u32 s25, $0x7;
	v6 =	vld [tilespmem:s9+$0xFFFFFFC0]  }
0xac: {  	s14 =	sand.u32 $0x380, s14;
	s8 =	smul.u32 $0x3000, s8;
	v7 =	vld [tilespmem:s9+$0xFFFFFFD0]  }
0xad: {  	v3 =	vmov s14;
	v8 =	vld [tilespmem:s9+$0xFFFFFFE0]  }
0xae: {  	s8 =	sshra.s32 s8, $0x2;
	v9 =	vld [tilespmem:s9+$0xFFFFFFF0]  }
0xaf: {  	s15 =	sand.u32 $0xC00, s13;
	s14 =	simm.s32 $0x0;
	s26 =	sadd.s32 $0x18400, s8;
	v10 =	vld [tilespmem:s9+$0x0]  }
0xb0: {  	s8 =	sand.u32 $0x40, s14;
	s12 =	sadd.s32 s15, s26;
	v11 =	vld [tilespmem:s9+$0x10]  }
0xb1: {  	s8 =	sadd.s32 s8, s12;
	v12 =	vld [tilespmem:s9+$0x20]  }
0xb2: {  	v5 =	vld.idx.msk [tilespmem:v3+s8+$0x30 ss:$0x1], $0xffff  }
0xb3: {  	s21 =	simm.s32 $0x200;
	v13 =	vld.idx.msk [tilespmem:v3+s8+$0x0 ss:$0x1], $0xffff  }
0xb4: {  	s15 =	simm.s32 $0x40;
	s12 =	sand.u32 $0xC00, s21;
	v14 =	vld.idx.msk [tilespmem:v3+s8+$0x10 ss:$0x1], $0xffff  }
0xb5: {  	s23 =	sand.u32 $0x40, s15;
	s12 =	sadd.s32 s12, s26;
	v15 =	vld.idx.msk [tilespmem:v3+s8+$0x20 ss:$0x1], $0xffff;
	s8 =	sadd.s32 $0x400, s9;
	v4 =	vmul.f32 $2.771281240e+01, v4;
	v6 =	vmul.f32 $2.771281240e+01, v6  }
0xb6: {  	s14 =	sadd.s32 s23, s12;
	v18 =	vld [tilespmem:s8+$0x30];
	v17 =	vmul.f32 $2.771281240e+01, v7;
	v19 =	vmul.f32 $2.771281240e+01, v8  }
0xb7: {  	v20 =	vld.idx.msk [tilespmem:v3+s14+$0x30 ss:$0x1], $0xffff;
	v7 =	vmul.f32 $2.771281240e+01, v12;
	v16 =	vshll.u32 v5, $0x10;
	v5 =	vand.u32 $0xFFFF0000, v5  }
0xb8: {  	v8 =	vshll.u32 v13, $0x10;
	v4 =	vadd.f32 v5, v4;
	v5 =	vmul.f32 $2.771281240e+01, v9;
	v9 =	vld [tilespmem:s8+$0xFFFFFFC0]  }
0xb9: {  	v21 =	vmul.f32 $2.771281240e+01, v10;
	v22 =	vmul.f32 $2.771281240e+01, v11;
	v11 =	vld [tilespmem:s8+$0xFFFFFFD0];
	v6 =	vadd.f32 v8, v6  }
0xba: {  	v12 =	vshll.u32 v14, $0x10;
	v23 =	vand.u32 $0xFFFF0000, v15;
	v10 =	vadd.f32 v16, v7;
	v16 =	vld [tilespmem:s8+$0xFFFFFFE0];
	[tilespmem:s9+$0x30] =	vst v4  }
0xbb: {  	v7 =	vld [tilespmem:s8+$0xFFFFFFF0];
	v4 =	vand.u32 $0xFFFF0000, v13;
	v13 =	vand.u32 $0xFFFF0000, v14;
	[tilespmem:s9+$0xFFFFFFC0] =	vst v6;
	v6 =	vadd.f32 v12, v19  }
0xbc: {  	v8 =	vld [tilespmem:s8+$0x0];
	[tilespmem:s9+$0x20] =	vst v10;
	v14 =	vadd.f32 v4, v17;
	v17 =	vshll.u32 v15, $0x10;
	v15 =	vmul.f32 $2.771281240e+01, v18  }
0xbd: {  	v63 =	vadd.f32 v13, v5;
	v13 =	vand.u32 $0xFFFF0000, v20;
	[tilespmem:s9+$0xFFFFFFE0] =	vst v6;
	v4 =	vmul.f32 $2.771281240e+01, v9;
	v9 =	vld [tilespmem:s8+$0x10]  }
0xbe: {  	v10 =	vshll.u32 v20, $0x10;
	v12 =	vld [tilespmem:s8+$0x20];
	v5 =	vmul.f32 $2.771281240e+01, v11;
	[tilespmem:s9+$0xFFFFFFD0] =	vst v14;
	v15 =	vadd.f32 v13, v15  }
0xbf: {  	s21 =	simm.s32 $0x400;
	s12 =	smov.u32 s8;
	v11 =	vld.idx.msk [tilespmem:v3+s14+$0x0 ss:$0x1], $0xffff;
	v13 =	vadd.f32 v17, v21;
	v6 =	vmul.f32 $2.771281240e+01, v16;
	[tilespmem:s9+$0xFFFFFFF0] =	vst v63;
	v14 =	vadd.f32 v23, v22  }
.LBB2_4:
0xc0: {  	s15 =	sadd.s32 $0x40, s15;
	s4 =	sand.u32 $0xC00, s21;
	v16 =	vld.idx.msk [tilespmem:v3+s14+$0x10 ss:$0x1], $0xffff;
	v17 =	vmul.f32 $2.771281240e+01, v7;
	[tilespmem:s8+$0x30] =	vst v15  }
0xc1: {  	s8 =	sadd.s32 $0x400, s8;
	s23 =	sand.u32 $0x40, s15;
	s4 =	sadd.s32 s4, s26;
	v15 =	vld.idx.msk [tilespmem:v3+s14+$0x20 ss:$0x1], $0xffff;
	v18 =	vmul.f32 $2.771281240e+01, v8;
	[tilespmem:s9+$0x0] =	vst v13  }
0xc2: {  	p1 =	slt.u32 s15, $0x140;
	s14 =	sadd.s32 s23, s4;
	v13 =	vld [tilespmem:s8+$0x30];
	v19 =	vmul.f32 $2.771281240e+01, v9;
	[tilespmem:s9+$0x10] =	vst v14;
	s9 =	smov.u32 s12  }
0xc3: {  	s12 =	smov.u32 s8;
	v14 =	vld.idx.msk [tilespmem:v3+s14+$0x30 ss:$0x1], $0xffff;
	v7 =	vmul.f32 $2.771281240e+01, v12  }
0xc4: {  	v9 =	vld [tilespmem:s8+$0xFFFFFFC0]  }
0xc5: {  	v8 =	vshll.u32 v11, $0x10;
	v11 =	vand.u32 $0xFFFF0000, v11;
	v12 =	vld [tilespmem:s8+$0xFFFFFFD0];
	v10 =	vadd.f32 v10, v7  }
0xc6: {  	v4 =	vadd.f32 v8, v4;
	v21 =	vshll.u32 v16, $0x10;
	v16 =	vand.u32 $0xFFFF0000, v16;
	v20 =	vld [tilespmem:s8+$0xFFFFFFE0]  }
.Ltmp2:
0xc7: {  	v5 =	vadd.f32 v11, v5;
	v11 =	vshll.u32 v15, $0x10;
	v22 =	vand.u32 $0xFFFF0000, v15;
	v7 =	vld [tilespmem:s8+$0xFFFFFFF0];
	[tilespmem:s9+$0x20] =	vst v10;
	(pc) =	sbr.rel @p1 .LBB2_4-.Ltmp2, $4  }
0xc8: {  	v6 =	vadd.f32 v21, v6;
	v16 =	vadd.f32 v16, v17;
	v13 =	vmul.f32 $2.771281240e+01, v13;
	v8 =	vld [tilespmem:s8+$0x0];
	[tilespmem:s9+$0xFFFFFFC0] =	vst v4  }
0xc9: {  	v10 =	vshll.u32 v14, $0x10;
	v14 =	vand.u32 $0xFFFF0000, v14;
	v4 =	vmul.f32 $2.771281240e+01, v9;
	v9 =	vld [tilespmem:s8+$0x10];
	[tilespmem:s9+$0xFFFFFFD0] =	vst v5  }
0xca: {  	v15 =	vadd.f32 v14, v13;
	v13 =	vadd.f32 v11, v18;
	v5 =	vmul.f32 $2.771281240e+01, v12;
	v12 =	vld [tilespmem:s8+$0x20];
	[tilespmem:s9+$0xFFFFFFE0] =	vst v6  }
0xcb: {  	s21 =	sadd.s32 $0x200, s21;
	v14 =	vadd.f32 v22, v19;
	v11 =	vld.idx.msk [tilespmem:v3+s14+$0x0 ss:$0x1], $0xffff;
	v6 =	vmul.f32 $2.771281240e+01, v20;
	[tilespmem:s9+$0xFFFFFFF0] =	vst v16  }
0xcc: {  	_ =	sdelay $0x3  }
0xcd: {  	v16 =	vld.idx.msk [tilespmem:v3+s14+$0x10 ss:$0x1], $0xffff  }
0xce: {  	v12 =	vmul.f32 $2.771281240e+01, v12  }
0xcf: {  	[tilespmem:s8+$0x30] =	vst v15;
	v3 =	vld.idx.msk [tilespmem:v3+s14+$0x20 ss:$0x1], $0xffff  }
0xd0: {  	[tilespmem:s9+$0x0] =	vst v13;
	v56 =	vshll.u32 v11, $0x10;
	v10 =	vadd.f32 v10, v12  }
0xd1: {  	[tilespmem:s9+$0x10] =	vst v14;
	v57 =	vand.u32 $0xFFFF0000, v11;
	v4 =	vadd.f32 v56, v4  }
0xd2: {  	v7 =	vmul.f32 $2.771281240e+01, v7;
	s25 =	sadd.s32 $0x1, s25;
	v58 =	vshll.u32 v16, $0x10;
	v5 =	vadd.f32 v57, v5;
	[tilespmem:s12+$0x20] =	vst v10  }
0xd3: {  	v8 =	vmul.f32 $2.771281240e+01, v8;
	p1 =	sne.s32 s25, $0x10;
	v59 =	vand.u32 $0xFFFF0000, v16;
	v60 =	vadd.f32 v58, v6;
	[tilespmem:s12+$0xFFFFFFC0] =	vst v4  }
.Ltmp3:
0xd4: {  	v61 =	vmul.f32 $2.771281240e+01, v9;
	v62 =	vshll.u32 v3, $0x10;
	v7 =	vadd.f32 v59, v7;
	[tilespmem:s12+$0xFFFFFFD0] =	vst v5;
	(pc) =	sbr.rel @p1 .LBB2_3-.Ltmp3, $4  }
0xd5: {  	v3 =	vand.u32 $0xFFFF0000, v3;
	v63 =	vadd.f32 v62, v8;
	[tilespmem:s12+$0xFFFFFFE0] =	vst v60  }
0xd6: {  	v3 =	vadd.f32 v3, v61;
	[tilespmem:s12+$0xFFFFFFF0] =	vst v7  }
0xd7: {  	[tilespmem:s12+$0x0] =	vst v63  }
0xd8: {  	s20 =	sadd.s32 $0x1, s20;
	[tilespmem:s12+$0x10] =	vst v3  }
0xd9: {  	s0 =	sshrl.u32 s0, $0x3  }
0xda: {  	s0 =	smul.u32 $0x300, s0;
	_ =	sdelay $0x1  }
0xdb: {  	s4 =	simm.s32 $0x400;
	s0 =	sadd.s32 s2, s0  }
0xdc: {  	[hbm4b:s0+s3] =	stream.linear.scatter [tilespmem:s4], [sflag:$0x9], $0x3000, $0x38;
	[tilespmem:$0x1B400] =	vst v63  }
0xdd: {  	s0 =	simm.s32 @!p0 $0xE  }
0xde: {  	_ =	swait.ge @!p0 [sflag:s0], $0x3000  }
0xdf: {  	[sflag:s0] =	ssyncset.done @!p0 $0x0  }
0xe0: {  	[sflag:s0] =	ssyncadd.s32 @!p0 $0xFFFFD000  }
0xe1: {  	v3 =	vld [tilespmem:s18+$0x110];
	_ =	sdelay $0x4  }
0xe2: {  	v4 =	vshrl.u32 v3, $0x3  }
0xe3: {  	v4 =	vmul.u32 $0x30, v4  }
0xe4: {  	v3 =	vand.u32 $0x7, v3  }
0xe5: {  	v3 =	vor.u32 v3, v4  }
0xe6: {  	v4 =	vperm.xlane v3, v0;
	_ =	sdelay $0x1  }
0xe7: {  	v4 =	vadd.s32 v1, v4;
	_ =	sdelay $0x3  }
0xe8: {  	s13 =	simm.s32 $0x0;
	s14 =	simm.s32 $0xF400;
	v3 =	vperm.xlane v3, v2  }
0xe9: {  	[tilespmem:s14], [sflag:$0x6] =	stream.indirect_vreg.gather [hbm4b:s1+s13], $0x80, v4, vm0, $0xb8;
	[tilespmem:$0x1B400] =	vst v63  }
0xea: {  	s15 =	simm.s32 $0xFC00;
	v3 =	vadd.s32 v1, v3  }
0xeb: {  	[tilespmem:s15], [sflag:$0x6] =	stream.indirect_vreg.gather [hbm4b:s16+s13], $0x80, v4, vm0, $0xb8;
	[tilespmem:$0x1B400] =	vst v63  }
0xec: {  	s20 =	simm.s32 $0x10400  }
0xed: {  	[tilespmem:s20], [sflag:$0x6] =	stream.indirect_vreg.gather [hbm4b:s17+s13], $0x80, v4, vm0, $0xb8;
	[tilespmem:$0x1B400] =	vst v63  }
0xee: {  	s21 =	simm.s32 $0x10C00  }
0xef: {  	[tilespmem:s21], [sflag:$0x6] =	stream.indirect_vreg.gather [hbm4b:s1+s13], $0x80, v3, vm0, $0xb8;
	[tilespmem:$0x1B400] =	vst v63  }
0xf0: {  	s23 =	simm.s32 $0x11400  }
0xf1: {  	[tilespmem:s23], [sflag:$0x6] =	stream.indirect_vreg.gather [hbm4b:s16+s13], $0x80, v3, vm0, $0xb8;
	[tilespmem:$0x1B400] =	vst v63  }
0xf2: {  	s25 =	simm.s32 $0x11C00;
	s26 =	simm.s32 $0x2  }
0xf3: {  	[tilespmem:s25], [sflag:$0x6] =	stream.indirect_vreg.gather [hbm4b:s17+s13], $0x80, v3, vm0, $0xb8;
	[tilespmem:$0x1B400] =	vst v63  }
0xf4: {  	_ =	swait.ge [sflag:s26], $0x3000  }
0xf5: {  	[sflag:s26] =	ssyncset.done $0x0  }
0xf6: {  	s0 =	simm.s32 $0x0;
	s20 =	simm.s32 $0x0;
	[sflag:s26] =	ssyncadd.s32 $0xFFFFD000  }
.LBB2_7:
0xf7: {  	s4 =	sshrl.u32 s20, $0x3  }
0xf8: {  	s9 =	sand.u32 $0x7, s0;
	s8 =	smul.u32 $0x6000, s4  }
0xf9: {  	s9 =	sshll.u32 s9, $0x9  }
0xfa: {  	s8 =	sor.u32 s9, s8  }
0xfb: {  	s8 =	sshra.s32 s8, $0x2  }
0xfc: {  	s9 =	sadd.s32 $0x3470, s8  }
0xfd: {  	v4 =	vld [tilespmem:s9+$0x0]  }
0xfe: {  	s12 =	sshll.u32 s20, $0x7;
	v6 =	vld [tilespmem:s9+$0xFFFFFF90]  }
0xff: {  	s12 =	sand.u32 $0x380, s12;
	s4 =	smul.u32 $0x3000, s4;
	v7 =	vld [tilespmem:s9+$0xFFFFFFA0]  }
0x100: {  	v3 =	vmov s12;
	v8 =	vld [tilespmem:s9+$0xFFFFFFB0]  }
0x101: {  	s4 =	sshra.s32 s4, $0x2;
	v9 =	vld [tilespmem:s9+$0xFFFFFFC0]  }
0x102: {  	s14 =	simm.s32 $0x0;
	s15 =	sand.u32 $0xC00, s13;
	s25 =	sadd.s32 $0x18400, s4;
	v10 =	vld [tilespmem:s9+$0xFFFFFFD0]  }
0x103: {  	s4 =	sand.u32 $0x40, s14;
	s21 =	sadd.s32 s15, s25;
	v11 =	vld [tilespmem:s9+$0xFFFFFFE0]  }
0x104: {  	s4 =	sadd.s32 s4, s21;
	v12 =	vld [tilespmem:s9+$0xFFFFFFF0]  }
0x105: {  	v5 =	vld.idx.msk [tilespmem:v3+s4+$0x30 ss:$0x1], $0xffff  }
0x106: {  	s23 =	simm.s32 $0x200;
	v13 =	vld.idx.msk [tilespmem:v3+s4+$0x0 ss:$0x1], $0xffff  }
0x107: {  	s15 =	simm.s32 $0x40;
	s8 =	sand.u32 $0xC00, s23;
	v14 =	vld.idx.msk [tilespmem:v3+s4+$0x10 ss:$0x1], $0xffff  }
0x108: {  	s26 =	sand.u32 $0x40, s15;
	s14 =	sadd.s32 s8, s25;
	s8 =	sadd.s32 $0x400, s9;
	v15 =	vld.idx.msk [tilespmem:v3+s4+$0x20 ss:$0x1], $0xffff;
	v4 =	vmul.f32 $2.771281240e+01, v4;
	v6 =	vmul.f32 $2.771281240e+01, v6  }
0x109: {  	s14 =	sadd.s32 s26, s14;
	v18 =	vld [tilespmem:s8+$0x0];
	v17 =	vmul.f32 $2.771281240e+01, v7;
	v19 =	vmul.f32 $2.771281240e+01, v8  }
0x10a: {  	v20 =	vld.idx.msk [tilespmem:v3+s14+$0x30 ss:$0x1], $0xffff;
	v7 =	vmul.f32 $2.771281240e+01, v12;
	v16 =	vshll.u32 v5, $0x10;
	v5 =	vand.u32 $0xFFFF0000, v5  }
0x10b: {  	v8 =	vshll.u32 v13, $0x10;
	v4 =	vadd.f32 v5, v4;
	v5 =	vmul.f32 $2.771281240e+01, v9;
	v9 =	vld [tilespmem:s8+$0xFFFFFF90]  }
0x10c: {  	v21 =	vmul.f32 $2.771281240e+01, v10;
	v22 =	vmul.f32 $2.771281240e+01, v11;
	v11 =	vld [tilespmem:s8+$0xFFFFFFA0];
	v6 =	vadd.f32 v8, v6  }
0x10d: {  	v12 =	vshll.u32 v14, $0x10;
	v23 =	vand.u32 $0xFFFF0000, v15;
	v10 =	vadd.f32 v16, v7;
	v16 =	vld [tilespmem:s8+$0xFFFFFFB0];
	[tilespmem:s9+$0x0] =	vst v4  }
0x10e: {  	v7 =	vld [tilespmem:s8+$0xFFFFFFC0];
	v4 =	vand.u32 $0xFFFF0000, v13;
	v13 =	vand.u32 $0xFFFF0000, v14;
	[tilespmem:s9+$0xFFFFFF90] =	vst v6;
	v6 =	vadd.f32 v12, v19  }
0x10f: {  	v8 =	vld [tilespmem:s8+$0xFFFFFFD0];
	[tilespmem:s9+$0xFFFFFFF0] =	vst v10;
	v14 =	vadd.f32 v4, v17;
	v17 =	vshll.u32 v15, $0x10;
	v15 =	vmul.f32 $2.771281240e+01, v18  }
0x110: {  	v63 =	vadd.f32 v13, v5;
	v13 =	vand.u32 $0xFFFF0000, v20;
	[tilespmem:s9+$0xFFFFFFB0] =	vst v6;
	v4 =	vmul.f32 $2.771281240e+01, v9;
	v9 =	vld [tilespmem:s8+$0xFFFFFFE0]  }
0x111: {  	v10 =	vshll.u32 v20, $0x10;
	v12 =	vld [tilespmem:s8+$0xFFFFFFF0];
	v5 =	vmul.f32 $2.771281240e+01, v11;
	[tilespmem:s9+$0xFFFFFFA0] =	vst v14;
	v15 =	vadd.f32 v13, v15  }
0x112: {  	s21 =	simm.s32 $0x400;
	s12 =	smov.u32 s8;
	v11 =	vld.idx.msk [tilespmem:v3+s14+$0x0 ss:$0x1], $0xffff;
	v13 =	vadd.f32 v17, v21;
	v6 =	vmul.f32 $2.771281240e+01, v16;
	[tilespmem:s9+$0xFFFFFFC0] =	vst v63;
	v14 =	vadd.f32 v23, v22  }
.LBB2_8:
0x113: {  	s15 =	sadd.s32 $0x40, s15;
	s4 =	sand.u32 $0xC00, s21;
	v16 =	vld.idx.msk [tilespmem:v3+s14+$0x10 ss:$0x1], $0xffff;
	v17 =	vmul.f32 $2.771281240e+01, v7;
	[tilespmem:s8+$0x0] =	vst v15  }
0x114: {  	s8 =	sadd.s32 $0x400, s8;
	s23 =	sand.u32 $0x40, s15;
	s4 =	sadd.s32 s4, s25;
	v15 =	vld.idx.msk [tilespmem:v3+s14+$0x20 ss:$0x1], $0xffff;
	v18 =	vmul.f32 $2.771281240e+01, v8;
	[tilespmem:s9+$0xFFFFFFD0] =	vst v13  }
0x115: {  	p1 =	slt.u32 s15, $0x140;
	s14 =	sadd.s32 s23, s4;
	v13 =	vld [tilespmem:s8+$0x0];
	v19 =	vmul.f32 $2.771281240e+01, v9;
	[tilespmem:s9+$0xFFFFFFE0] =	vst v14;
	s9 =	smov.u32 s12  }
0x116: {  	s12 =	smov.u32 s8;
	v14 =	vld.idx.msk [tilespmem:v3+s14+$0x30 ss:$0x1], $0xffff;
	v7 =	vmul.f32 $2.771281240e+01, v12  }
0x117: {  	v9 =	vld [tilespmem:s8+$0xFFFFFF90]  }
0x118: {  	v8 =	vshll.u32 v11, $0x10;
	v11 =	vand.u32 $0xFFFF0000, v11;
	v12 =	vld [tilespmem:s8+$0xFFFFFFA0];
	v10 =	vadd.f32 v10, v7  }
0x119: {  	v4 =	vadd.f32 v8, v4;
	v21 =	vshll.u32 v16, $0x10;
	v16 =	vand.u32 $0xFFFF0000, v16;
	v20 =	vld [tilespmem:s8+$0xFFFFFFB0]  }
.Ltmp4:
0x11a: {  	v5 =	vadd.f32 v11, v5;
	v11 =	vshll.u32 v15, $0x10;
	v22 =	vand.u32 $0xFFFF0000, v15;
	v7 =	vld [tilespmem:s8+$0xFFFFFFC0];
	[tilespmem:s9+$0xFFFFFFF0] =	vst v10;
	(pc) =	sbr.rel @p1 .LBB2_8-.Ltmp4, $4  }
0x11b: {  	v6 =	vadd.f32 v21, v6;
	v16 =	vadd.f32 v16, v17;
	v13 =	vmul.f32 $2.771281240e+01, v13;
	v8 =	vld [tilespmem:s8+$0xFFFFFFD0];
	[tilespmem:s9+$0xFFFFFF90] =	vst v4  }
0x11c: {  	v10 =	vshll.u32 v14, $0x10;
	v14 =	vand.u32 $0xFFFF0000, v14;
	v4 =	vmul.f32 $2.771281240e+01, v9;
	v9 =	vld [tilespmem:s8+$0xFFFFFFE0];
	[tilespmem:s9+$0xFFFFFFA0] =	vst v5  }
0x11d: {  	v15 =	vadd.f32 v14, v13;
	v13 =	vadd.f32 v11, v18;
	v5 =	vmul.f32 $2.771281240e+01, v12;
	v12 =	vld [tilespmem:s8+$0xFFFFFFF0];
	[tilespmem:s9+$0xFFFFFFB0] =	vst v6  }
0x11e: {  	s21 =	sadd.s32 $0x200, s21;
	v14 =	vadd.f32 v22, v19;
	v11 =	vld.idx.msk [tilespmem:v3+s14+$0x0 ss:$0x1], $0xffff;
	v6 =	vmul.f32 $2.771281240e+01, v20;
	[tilespmem:s9+$0xFFFFFFC0] =	vst v16  }
0x11f: {  	_ =	sdelay $0x3  }
0x120: {  	v16 =	vld.idx.msk [tilespmem:v3+s14+$0x10 ss:$0x1], $0xffff  }
0x121: {  	v12 =	vmul.f32 $2.771281240e+01, v12  }
0x122: {  	[tilespmem:s8+$0x0] =	vst v15;
	v3 =	vld.idx.msk [tilespmem:v3+s14+$0x20 ss:$0x1], $0xffff  }
0x123: {  	[tilespmem:s9+$0xFFFFFFD0] =	vst v13;
	v56 =	vshll.u32 v11, $0x10;
	v10 =	vadd.f32 v10, v12  }
0x124: {  	[tilespmem:s9+$0xFFFFFFE0] =	vst v14;
	v57 =	vand.u32 $0xFFFF0000, v11;
	v4 =	vadd.f32 v56, v4  }
0x125: {  	v7 =	vmul.f32 $2.771281240e+01, v7;
	s20 =	sadd.s32 $0x1, s20;
	v58 =	vshll.u32 v16, $0x10;
	v5 =	vadd.f32 v57, v5;
	[tilespmem:s12+$0xFFFFFFF0] =	vst v10  }
0x126: {  	v8 =	vmul.f32 $2.771281240e+01, v8;
	p1 =	sne.s32 s20, $0x10;
	v59 =	vand.u32 $0xFFFF0000, v16;
	v60 =	vadd.f32 v58, v6;
	[tilespmem:s12+$0xFFFFFF90] =	vst v4  }
.Ltmp5:
0x127: {  	v61 =	vmul.f32 $2.771281240e+01, v9;
	v62 =	vshll.u32 v3, $0x10;
	v7 =	vadd.f32 v59, v7;
	[tilespmem:s12+$0xFFFFFFA0] =	vst v5;
	(pc) =	sbr.rel @p1 .LBB2_7-.Ltmp5, $4  }
0x128: {  	v3 =	vand.u32 $0xFFFF0000, v3;
	v63 =	vadd.f32 v62, v8;
	[tilespmem:s12+$0xFFFFFFB0] =	vst v60  }
0x129: {  	v3 =	vadd.f32 v3, v61;
	[tilespmem:s12+$0xFFFFFFC0] =	vst v7  }
0x12a: {  	[tilespmem:s12+$0xFFFFFFD0] =	vst v63  }
0x12b: {  	s0 =	sadd.s32 $0x1, s0;
	[tilespmem:s12+$0xFFFFFFE0] =	vst v3  }
0x12c: {  	s0 =	sor.u32 s7, s19  }
0x12d: {  	s0 =	sshrl.u32 s0, $0x3  }
0x12e: {  	s0 =	smul.u32 $0x300, s0;
	_ =	sdelay $0x1  }
0x12f: {  	s4 =	simm.s32 $0x3400;
	s0 =	sadd.s32 s2, s0  }
0x130: {  	[hbm4b:s0+s3] =	stream.linear.scatter [tilespmem:s4], [sflag:$0xA], $0x3000, $0x38;
	[tilespmem:$0x1B400] =	vst v63  }
0x131: {  	s0 =	simm.s32 @!p0 $0xF  }
0x132: {  	_ =	swait.ge @!p0 [sflag:s0], $0x3000  }
0x133: {  	[sflag:s0] =	ssyncset.done @!p0 $0x0  }
0x134: {  	[sflag:s0] =	ssyncadd.s32 @!p0 $0xFFFFD000  }
0x135: {  	v3 =	vld [tilespmem:s18+$0x210];
	_ =	sdelay $0x4  }
0x136: {  	v4 =	vshrl.u32 v3, $0x3  }
0x137: {  	v4 =	vmul.u32 $0x30, v4  }
0x138: {  	v3 =	vand.u32 $0x7, v3  }
0x139: {  	v3 =	vor.u32 v3, v4  }
0x13a: {  	v4 =	vperm.xlane v3, v0;
	_ =	sdelay $0x1  }
0x13b: {  	v4 =	vadd.s32 v1, v4;
	_ =	sdelay $0x3  }
0x13c: {  	s13 =	simm.s32 $0x0;
	s14 =	simm.s32 $0x12400;
	v3 =	vperm.xlane v3, v2  }
0x13d: {  	[tilespmem:s14], [sflag:$0x7] =	stream.indirect_vreg.gather [hbm4b:s1+s13], $0x80, v4, vm0, $0xb8;
	[tilespmem:$0x1B400] =	vst v63  }
0x13e: {  	s15 =	simm.s32 $0x12C00;
	v3 =	vadd.s32 v1, v3  }
0x13f: {  	[tilespmem:s15], [sflag:$0x7] =	stream.indirect_vreg.gather [hbm4b:s16+s13], $0x80, v4, vm0, $0xb8;
	[tilespmem:$0x1B400] =	vst v63  }
0x140: {  	s20 =	simm.s32 $0x13400  }
0x141: {  	[tilespmem:s20], [sflag:$0x7] =	stream.indirect_vreg.gather [hbm4b:s17+s13], $0x80, v4, vm0, $0xb8;
	[tilespmem:$0x1B400] =	vst v63  }
0x142: {  	s21 =	simm.s32 $0x13C00  }
0x143: {  	[tilespmem:s21], [sflag:$0x7] =	stream.indirect_vreg.gather [hbm4b:s1+s13], $0x80, v3, vm0, $0xb8;
	[tilespmem:$0x1B400] =	vst v63  }
0x144: {  	s23 =	simm.s32 $0x14400  }
0x145: {  	[tilespmem:s23], [sflag:$0x7] =	stream.indirect_vreg.gather [hbm4b:s16+s13], $0x80, v3, vm0, $0xb8;
	[tilespmem:$0x1B400] =	vst v63  }
0x146: {  	s25 =	simm.s32 $0x14C00;
	s26 =	simm.s32 $0x3  }
0x147: {  	[tilespmem:s25], [sflag:$0x7] =	stream.indirect_vreg.gather [hbm4b:s17+s13], $0x80, v3, vm0, $0xb8;
	[tilespmem:$0x1B400] =	vst v63  }
0x148: {  	_ =	swait.ge [sflag:s26], $0x3000  }
0x149: {  	[sflag:s26] =	ssyncset.done $0x0  }
0x14a: {  	s0 =	simm.s32 $0x0;
	s20 =	simm.s32 $0x0;
	[sflag:s26] =	ssyncadd.s32 $0xFFFFD000  }
.LBB2_11:
0x14b: {  	s4 =	sshrl.u32 s20, $0x3  }
0x14c: {  	s9 =	sand.u32 $0x7, s0;
	s8 =	smul.u32 $0x6000, s4  }
0x14d: {  	s9 =	sshll.u32 s9, $0x9  }
0x14e: {  	s8 =	sor.u32 s9, s8  }
0x14f: {  	s8 =	sshra.s32 s8, $0x2  }
0x150: {  	s9 =	sadd.s32 $0x6400, s8  }
0x151: {  	v4 =	vld [tilespmem:s9+$0x70]  }
0x152: {  	s12 =	sshll.u32 s20, $0x7;
	v6 =	vld [tilespmem:s9+$0x0]  }
0x153: {  	s12 =	sand.u32 $0x380, s12;
	s4 =	smul.u32 $0x3000, s4;
	v7 =	vld [tilespmem:s9+$0x10]  }
0x154: {  	v3 =	vmov s12;
	v8 =	vld [tilespmem:s9+$0x20]  }
0x155: {  	s4 =	sshra.s32 s4, $0x2;
	v9 =	vld [tilespmem:s9+$0x30]  }
0x156: {  	s14 =	simm.s32 $0x0;
	s15 =	sand.u32 $0xC00, s13;
	s25 =	sadd.s32 $0x18400, s4;
	v10 =	vld [tilespmem:s9+$0x40]  }
0x157: {  	s4 =	sand.u32 $0x40, s14;
	s21 =	sadd.s32 s15, s25;
	v11 =	vld [tilespmem:s9+$0x50]  }
0x158: {  	s4 =	sadd.s32 s4, s21;
	v12 =	vld [tilespmem:s9+$0x60]  }
0x159: {  	v5 =	vld.idx.msk [tilespmem:v3+s4+$0x30 ss:$0x1], $0xffff  }
0x15a: {  	s23 =	simm.s32 $0x200;
	v13 =	vld.idx.msk [tilespmem:v3+s4+$0x0 ss:$0x1], $0xffff  }
0x15b: {  	s15 =	simm.s32 $0x40;
	s8 =	sand.u32 $0xC00, s23;
	v14 =	vld.idx.msk [tilespmem:v3+s4+$0x10 ss:$0x1], $0xffff  }
0x15c: {  	s26 =	sand.u32 $0x40, s15;
	s14 =	sadd.s32 s8, s25;
	s8 =	sadd.s32 $0x400, s9;
	v15 =	vld.idx.msk [tilespmem:v3+s4+$0x20 ss:$0x1], $0xffff;
	v4 =	vmul.f32 $2.771281240e+01, v4;
	v6 =	vmul.f32 $2.771281240e+01, v6  }
0x15d: {  	s14 =	sadd.s32 s26, s14;
	v18 =	vld [tilespmem:s8+$0x70];
	v17 =	vmul.f32 $2.771281240e+01, v7;
	v19 =	vmul.f32 $2.771281240e+01, v8  }
0x15e: {  	v20 =	vld.idx.msk [tilespmem:v3+s14+$0x30 ss:$0x1], $0xffff;
	v7 =	vmul.f32 $2.771281240e+01, v12;
	v16 =	vshll.u32 v5, $0x10;
	v5 =	vand.u32 $0xFFFF0000, v5  }
0x15f: {  	v8 =	vshll.u32 v13, $0x10;
	v4 =	vadd.f32 v5, v4;
	v5 =	vmul.f32 $2.771281240e+01, v9;
	v9 =	vld [tilespmem:s8+$0x0]  }
0x160: {  	v21 =	vmul.f32 $2.771281240e+01, v10;
	v22 =	vmul.f32 $2.771281240e+01, v11;
	v11 =	vld [tilespmem:s8+$0x10];
	v6 =	vadd.f32 v8, v6  }
0x161: {  	v12 =	vshll.u32 v14, $0x10;
	v23 =	vand.u32 $0xFFFF0000, v15;
	v10 =	vadd.f32 v16, v7;
	v16 =	vld [tilespmem:s8+$0x20];
	[tilespmem:s9+$0x70] =	vst v4  }
0x162: {  	v7 =	vld [tilespmem:s8+$0x30];
	v4 =	vand.u32 $0xFFFF0000, v13;
	v13 =	vand.u32 $0xFFFF0000, v14;
	[tilespmem:s9+$0x0] =	vst v6;
	v6 =	vadd.f32 v12, v19  }
0x163: {  	v8 =	vld [tilespmem:s8+$0x40];
	[tilespmem:s9+$0x60] =	vst v10;
	v14 =	vadd.f32 v4, v17;
	v17 =	vshll.u32 v15, $0x10;
	v15 =	vmul.f32 $2.771281240e+01, v18  }
0x164: {  	v63 =	vadd.f32 v13, v5;
	v13 =	vand.u32 $0xFFFF0000, v20;
	[tilespmem:s9+$0x20] =	vst v6;
	v4 =	vmul.f32 $2.771281240e+01, v9;
	v9 =	vld [tilespmem:s8+$0x50]  }
0x165: {  	v10 =	vshll.u32 v20, $0x10;
	v12 =	vld [tilespmem:s8+$0x60];
	v5 =	vmul.f32 $2.771281240e+01, v11;
	[tilespmem:s9+$0x10] =	vst v14;
	v15 =	vadd.f32 v13, v15  }
0x166: {  	s21 =	simm.s32 $0x400;
	s12 =	smov.u32 s8;
	v11 =	vld.idx.msk [tilespmem:v3+s14+$0x0 ss:$0x1], $0xffff;
	v13 =	vadd.f32 v17, v21;
	v6 =	vmul.f32 $2.771281240e+01, v16;
	[tilespmem:s9+$0x30] =	vst v63;
	v14 =	vadd.f32 v23, v22  }
.LBB2_12:
0x167: {  	s15 =	sadd.s32 $0x40, s15;
	s4 =	sand.u32 $0xC00, s21;
	v16 =	vld.idx.msk [tilespmem:v3+s14+$0x10 ss:$0x1], $0xffff;
	v17 =	vmul.f32 $2.771281240e+01, v7;
	[tilespmem:s8+$0x70] =	vst v15  }
0x168: {  	s8 =	sadd.s32 $0x400, s8;
	s23 =	sand.u32 $0x40, s15;
	s4 =	sadd.s32 s4, s25;
	v15 =	vld.idx.msk [tilespmem:v3+s14+$0x20 ss:$0x1], $0xffff;
	v18 =	vmul.f32 $2.771281240e+01, v8;
	[tilespmem:s9+$0x40] =	vst v13  }
0x169: {  	p1 =	slt.u32 s15, $0x140;
	s14 =	sadd.s32 s23, s4;
	v13 =	vld [tilespmem:s8+$0x70];
	v19 =	vmul.f32 $2.771281240e+01, v9;
	[tilespmem:s9+$0x50] =	vst v14;
	s9 =	smov.u32 s12  }
0x16a: {  	s12 =	smov.u32 s8;
	v14 =	vld.idx.msk [tilespmem:v3+s14+$0x30 ss:$0x1], $0xffff;
	v7 =	vmul.f32 $2.771281240e+01, v12  }
0x16b: {  	v9 =	vld [tilespmem:s8+$0x0]  }
0x16c: {  	v8 =	vshll.u32 v11, $0x10;
	v11 =	vand.u32 $0xFFFF0000, v11;
	v12 =	vld [tilespmem:s8+$0x10];
	v10 =	vadd.f32 v10, v7  }
0x16d: {  	v4 =	vadd.f32 v8, v4;
	v21 =	vshll.u32 v16, $0x10;
	v16 =	vand.u32 $0xFFFF0000, v16;
	v20 =	vld [tilespmem:s8+$0x20]  }
.Ltmp6:
0x16e: {  	v5 =	vadd.f32 v11, v5;
	v11 =	vshll.u32 v15, $0x10;
	v22 =	vand.u32 $0xFFFF0000, v15;
	v7 =	vld [tilespmem:s8+$0x30];
	[tilespmem:s9+$0x60] =	vst v10;
	(pc) =	sbr.rel @p1 .LBB2_12-.Ltmp6, $4  }
0x16f: {  	v6 =	vadd.f32 v21, v6;
	v16 =	vadd.f32 v16, v17;
	v13 =	vmul.f32 $2.771281240e+01, v13;
	v8 =	vld [tilespmem:s8+$0x40];
	[tilespmem:s9+$0x0] =	vst v4  }
0x170: {  	v10 =	vshll.u32 v14, $0x10;
	v14 =	vand.u32 $0xFFFF0000, v14;
	v4 =	vmul.f32 $2.771281240e+01, v9;
	v9 =	vld [tilespmem:s8+$0x50];
	[tilespmem:s9+$0x10] =	vst v5  }
0x171: {  	v15 =	vadd.f32 v14, v13;
	v13 =	vadd.f32 v11, v18;
	v5 =	vmul.f32 $2.771281240e+01, v12;
	v12 =	vld [tilespmem:s8+$0x60];
	[tilespmem:s9+$0x20] =	vst v6  }
0x172: {  	s21 =	sadd.s32 $0x200, s21;
	v14 =	vadd.f32 v22, v19;
	v11 =	vld.idx.msk [tilespmem:v3+s14+$0x0 ss:$0x1], $0xffff;
	v6 =	vmul.f32 $2.771281240e+01, v20;
	[tilespmem:s9+$0x30] =	vst v16  }
0x173: {  	_ =	sdelay $0x3  }
0x174: {  	v16 =	vld.idx.msk [tilespmem:v3+s14+$0x10 ss:$0x1], $0xffff  }
0x175: {  	v12 =	vmul.f32 $2.771281240e+01, v12  }
0x176: {  	[tilespmem:s8+$0x70] =	vst v15;
	v3 =	vld.idx.msk [tilespmem:v3+s14+$0x20 ss:$0x1], $0xffff  }
0x177: {  	[tilespmem:s9+$0x40] =	vst v13;
	v56 =	vshll.u32 v11, $0x10;
	v10 =	vadd.f32 v10, v12  }
0x178: {  	[tilespmem:s9+$0x50] =	vst v14;
	v57 =	vand.u32 $0xFFFF0000, v11;
	v4 =	vadd.f32 v56, v4  }
0x179: {  	v7 =	vmul.f32 $2.771281240e+01, v7;
	s20 =	sadd.s32 $0x1, s20;
	v58 =	vshll.u32 v16, $0x10;
	v5 =	vadd.f32 v57, v5;
	[tilespmem:s12+$0x60] =	vst v10  }
0x17a: {  	v8 =	vmul.f32 $2.771281240e+01, v8;
	p1 =	sne.s32 s20, $0x10;
	v59 =	vand.u32 $0xFFFF0000, v16;
	v60 =	vadd.f32 v58, v6;
	[tilespmem:s12+$0x0] =	vst v4  }
.Ltmp7:
0x17b: {  	v61 =	vmul.f32 $2.771281240e+01, v9;
	v62 =	vshll.u32 v3, $0x10;
	v7 =	vadd.f32 v59, v7;
	[tilespmem:s12+$0x10] =	vst v5;
	(pc) =	sbr.rel @p1 .LBB2_11-.Ltmp7, $4  }
0x17c: {  	v3 =	vand.u32 $0xFFFF0000, v3;
	v63 =	vadd.f32 v62, v8;
	[tilespmem:s12+$0x20] =	vst v60  }
0x17d: {  	v3 =	vadd.f32 v3, v61;
	[tilespmem:s12+$0x30] =	vst v7  }
0x17e: {  	[tilespmem:s12+$0x40] =	vst v63  }
0x17f: {  	s0 =	sadd.s32 $0x1, s0;
	[tilespmem:s12+$0x50] =	vst v3  }
0x180: {  	s0 =	sor.u32 s10, s19  }
0x181: {  	s0 =	sshrl.u32 s0, $0x3  }
0x182: {  	s0 =	smul.u32 $0x300, s0;
	_ =	sdelay $0x1  }
0x183: {  	s4 =	simm.s32 $0x6400;
	s0 =	sadd.s32 s2, s0  }
0x184: {  	[hbm4b:s0+s3] =	stream.linear.scatter [tilespmem:s4], [sflag:$0xB], $0x3000, $0x38;
	[tilespmem:$0x1B400] =	vst v63  }
0x185: {  	s0 =	simm.s32 @!p0 $0x10  }
0x186: {  	_ =	swait.ge @!p0 [sflag:s0], $0x3000  }
0x187: {  	[sflag:s0] =	ssyncset.done @!p0 $0x0  }
0x188: {  	[sflag:s0] =	ssyncadd.s32 @!p0 $0xFFFFD000  }
0x189: {  	v3 =	vld [tilespmem:s18+$0x310];
	_ =	sdelay $0x4  }
0x18a: {  	v4 =	vshrl.u32 v3, $0x3  }
0x18b: {  	v4 =	vmul.u32 $0x30, v4  }
0x18c: {  	v3 =	vand.u32 $0x7, v3  }
0x18d: {  	v3 =	vor.u32 v3, v4  }
0x18e: {  	v4 =	vperm.xlane v3, v0;
	_ =	sdelay $0x1  }
0x18f: {  	v4 =	vadd.s32 v1, v4;
	_ =	sdelay $0x3  }
0x190: {  	s13 =	simm.s32 $0x0;
	s14 =	simm.s32 $0x15400;
	v3 =	vperm.xlane v3, v2  }
0x191: {  	[tilespmem:s14], [sflag:$0x8] =	stream.indirect_vreg.gather [hbm4b:s1+s13], $0x80, v4, vm0, $0xb8;
	[tilespmem:$0x1B400] =	vst v63  }
0x192: {  	s15 =	simm.s32 $0x15C00;
	v3 =	vadd.s32 v1, v3  }
0x193: {  	[tilespmem:s15], [sflag:$0x8] =	stream.indirect_vreg.gather [hbm4b:s16+s13], $0x80, v4, vm0, $0xb8;
	[tilespmem:$0x1B400] =	vst v63  }
0x194: {  	s20 =	simm.s32 $0x16400  }
0x195: {  	[tilespmem:s20], [sflag:$0x8] =	stream.indirect_vreg.gather [hbm4b:s17+s13], $0x80, v4, vm0, $0xb8;
	[tilespmem:$0x1B400] =	vst v63  }
0x196: {  	s21 =	simm.s32 $0x16C00  }
0x197: {  	[tilespmem:s21], [sflag:$0x8] =	stream.indirect_vreg.gather [hbm4b:s1+s13], $0x80, v3, vm0, $0xb8;
	[tilespmem:$0x1B400] =	vst v63  }
0x198: {  	s23 =	simm.s32 $0x17400  }
0x199: {  	[tilespmem:s23], [sflag:$0x8] =	stream.indirect_vreg.gather [hbm4b:s16+s13], $0x80, v3, vm0, $0xb8;
	[tilespmem:$0x1B400] =	vst v63  }
0x19a: {  	s25 =	simm.s32 $0x17C00;
	s26 =	simm.s32 $0x4  }
0x19b: {  	[tilespmem:s25], [sflag:$0x8] =	stream.indirect_vreg.gather [hbm4b:s17+s13], $0x80, v3, vm0, $0xb8;
	[tilespmem:$0x1B400] =	vst v63  }
0x19c: {  	_ =	swait.ge [sflag:s26], $0x3000  }
0x19d: {  	[sflag:s26] =	ssyncset.done $0x0  }
0x19e: {  	s0 =	simm.s32 $0x0;
	s20 =	simm.s32 $0x0;
	[sflag:s26] =	ssyncadd.s32 $0xFFFFD000  }
.LBB2_15:
0x19f: {  	s4 =	sshrl.u32 s20, $0x3  }
0x1a0: {  	s9 =	sand.u32 $0x7, s0;
	s8 =	smul.u32 $0x6000, s4  }
0x1a1: {  	s9 =	sshll.u32 s9, $0x9  }
0x1a2: {  	s8 =	sor.u32 s9, s8  }
0x1a3: {  	s8 =	sshra.s32 s8, $0x2  }
0x1a4: {  	s9 =	sadd.s32 $0x9400, s8  }
0x1a5: {  	v4 =	vld [tilespmem:s9+$0x70]  }
0x1a6: {  	s12 =	sshll.u32 s20, $0x7;
	v6 =	vld [tilespmem:s9+$0x0]  }
0x1a7: {  	s12 =	sand.u32 $0x380, s12;
	s4 =	smul.u32 $0x3000, s4;
	v7 =	vld [tilespmem:s9+$0x10]  }
0x1a8: {  	v3 =	vmov s12;
	v8 =	vld [tilespmem:s9+$0x20]  }
0x1a9: {  	s4 =	sshra.s32 s4, $0x2;
	v9 =	vld [tilespmem:s9+$0x30]  }
0x1aa: {  	s14 =	simm.s32 $0x0;
	s15 =	sand.u32 $0xC00, s13;
	s25 =	sadd.s32 $0x18400, s4;
	v10 =	vld [tilespmem:s9+$0x40]  }
0x1ab: {  	s4 =	sand.u32 $0x40, s14;
	s21 =	sadd.s32 s15, s25;
	v11 =	vld [tilespmem:s9+$0x50]  }
0x1ac: {  	s4 =	sadd.s32 s4, s21;
	v12 =	vld [tilespmem:s9+$0x60]  }
0x1ad: {  	v5 =	vld.idx.msk [tilespmem:v3+s4+$0x30 ss:$0x1], $0xffff  }
0x1ae: {  	s23 =	simm.s32 $0x200;
	v13 =	vld.idx.msk [tilespmem:v3+s4+$0x0 ss:$0x1], $0xffff  }
0x1af: {  	s15 =	simm.s32 $0x40;
	s8 =	sand.u32 $0xC00, s23;
	v14 =	vld.idx.msk [tilespmem:v3+s4+$0x10 ss:$0x1], $0xffff  }
0x1b0: {  	s26 =	sand.u32 $0x40, s15;
	s14 =	sadd.s32 s8, s25;
	s8 =	sadd.s32 $0x400, s9;
	v15 =	vld.idx.msk [tilespmem:v3+s4+$0x20 ss:$0x1], $0xffff;
	v4 =	vmul.f32 $2.771281240e+01, v4;
	v6 =	vmul.f32 $2.771281240e+01, v6  }
0x1b1: {  	s14 =	sadd.s32 s26, s14;
	v18 =	vld [tilespmem:s8+$0x70];
	v17 =	vmul.f32 $2.771281240e+01, v7;
	v19 =	vmul.f32 $2.771281240e+01, v8  }
0x1b2: {  	v20 =	vld.idx.msk [tilespmem:v3+s14+$0x30 ss:$0x1], $0xffff;
	v7 =	vmul.f32 $2.771281240e+01, v12;
	v16 =	vshll.u32 v5, $0x10;
	v5 =	vand.u32 $0xFFFF0000, v5  }
0x1b3: {  	v8 =	vshll.u32 v13, $0x10;
	v4 =	vadd.f32 v5, v4;
	v5 =	vmul.f32 $2.771281240e+01, v9;
	v9 =	vld [tilespmem:s8+$0x0]  }
0x1b4: {  	v21 =	vmul.f32 $2.771281240e+01, v10;
	v22 =	vmul.f32 $2.771281240e+01, v11;
	v11 =	vld [tilespmem:s8+$0x10];
	v6 =	vadd.f32 v8, v6  }
0x1b5: {  	v12 =	vshll.u32 v14, $0x10;
	v23 =	vand.u32 $0xFFFF0000, v15;
	v10 =	vadd.f32 v16, v7;
	v16 =	vld [tilespmem:s8+$0x20];
	[tilespmem:s9+$0x70] =	vst v4  }
0x1b6: {  	v7 =	vld [tilespmem:s8+$0x30];
	v4 =	vand.u32 $0xFFFF0000, v13;
	v13 =	vand.u32 $0xFFFF0000, v14;
	[tilespmem:s9+$0x0] =	vst v6;
	v6 =	vadd.f32 v12, v19  }
0x1b7: {  	v8 =	vld [tilespmem:s8+$0x40];
	[tilespmem:s9+$0x60] =	vst v10;
	v14 =	vadd.f32 v4, v17;
	v17 =	vshll.u32 v15, $0x10;
	v15 =	vmul.f32 $2.771281240e+01, v18  }
0x1b8: {  	v63 =	vadd.f32 v13, v5;
	v13 =	vand.u32 $0xFFFF0000, v20;
	[tilespmem:s9+$0x20] =	vst v6;
	v4 =	vmul.f32 $2.771281240e+01, v9;
	v9 =	vld [tilespmem:s8+$0x50]  }
0x1b9: {  	v10 =	vshll.u32 v20, $0x10;
	v12 =	vld [tilespmem:s8+$0x60];
	v5 =	vmul.f32 $2.771281240e+01, v11;
	[tilespmem:s9+$0x10] =	vst v14;
	v15 =	vadd.f32 v13, v15  }
0x1ba: {  	s21 =	simm.s32 $0x400;
	s12 =	smov.u32 s8;
	v11 =	vld.idx.msk [tilespmem:v3+s14+$0x0 ss:$0x1], $0xffff;
	v13 =	vadd.f32 v17, v21;
	v6 =	vmul.f32 $2.771281240e+01, v16;
	[tilespmem:s9+$0x30] =	vst v63;
	v14 =	vadd.f32 v23, v22  }
.LBB2_16:
0x1bb: {  	s15 =	sadd.s32 $0x40, s15;
	s4 =	sand.u32 $0xC00, s21;
	v16 =	vld.idx.msk [tilespmem:v3+s14+$0x10 ss:$0x1], $0xffff;
	v17 =	vmul.f32 $2.771281240e+01, v7;
	[tilespmem:s8+$0x70] =	vst v15  }
0x1bc: {  	s8 =	sadd.s32 $0x400, s8;
	s23 =	sand.u32 $0x40, s15;
	s4 =	sadd.s32 s4, s25;
	v15 =	vld.idx.msk [tilespmem:v3+s14+$0x20 ss:$0x1], $0xffff;
	v18 =	vmul.f32 $2.771281240e+01, v8;
	[tilespmem:s9+$0x40] =	vst v13  }
0x1bd: {  	p0 =	slt.u32 s15, $0x140;
	s14 =	sadd.s32 s23, s4;
	v13 =	vld [tilespmem:s8+$0x70];
	v19 =	vmul.f32 $2.771281240e+01, v9;
	[tilespmem:s9+$0x50] =	vst v14;
	s9 =	smov.u32 s12  }
0x1be: {  	s12 =	smov.u32 s8;
	v14 =	vld.idx.msk [tilespmem:v3+s14+$0x30 ss:$0x1], $0xffff;
	v7 =	vmul.f32 $2.771281240e+01, v12  }
0x1bf: {  	v9 =	vld [tilespmem:s8+$0x0]  }
0x1c0: {  	v8 =	vshll.u32 v11, $0x10;
	v11 =	vand.u32 $0xFFFF0000, v11;
	v12 =	vld [tilespmem:s8+$0x10];
	v10 =	vadd.f32 v10, v7  }
0x1c1: {  	v4 =	vadd.f32 v8, v4;
	v21 =	vshll.u32 v16, $0x10;
	v16 =	vand.u32 $0xFFFF0000, v16;
	v20 =	vld [tilespmem:s8+$0x20]  }
.Ltmp8:
0x1c2: {  	v5 =	vadd.f32 v11, v5;
	v11 =	vshll.u32 v15, $0x10;
	v22 =	vand.u32 $0xFFFF0000, v15;
	v7 =	vld [tilespmem:s8+$0x30];
	[tilespmem:s9+$0x60] =	vst v10;
	(pc) =	sbr.rel @p0 .LBB2_16-.Ltmp8, $4  }
0x1c3: {  	v6 =	vadd.f32 v21, v6;
	v16 =	vadd.f32 v16, v17;
	v13 =	vmul.f32 $2.771281240e+01, v13;
	v8 =	vld [tilespmem:s8+$0x40];
	[tilespmem:s9+$0x0] =	vst v4  }
0x1c4: {  	v10 =	vshll.u32 v14, $0x10;
	v14 =	vand.u32 $0xFFFF0000, v14;
	v4 =	vmul.f32 $2.771281240e+01, v9;
	v9 =	vld [tilespmem:s8+$0x50];
	[tilespmem:s9+$0x10] =	vst v5  }
0x1c5: {  	v15 =	vadd.f32 v14, v13;
	v13 =	vadd.f32 v11, v18;
	v5 =	vmul.f32 $2.771281240e+01, v12;
	v12 =	vld [tilespmem:s8+$0x60];
	[tilespmem:s9+$0x20] =	vst v6  }
0x1c6: {  	s21 =	sadd.s32 $0x200, s21;
	v14 =	vadd.f32 v22, v19;
	v11 =	vld.idx.msk [tilespmem:v3+s14+$0x0 ss:$0x1], $0xffff;
	v6 =	vmul.f32 $2.771281240e+01, v20;
	[tilespmem:s9+$0x30] =	vst v16  }
0x1c7: {  	_ =	sdelay $0x3  }
0x1c8: {  	v16 =	vld.idx.msk [tilespmem:v3+s14+$0x10 ss:$0x1], $0xffff  }
0x1c9: {  	v12 =	vmul.f32 $2.771281240e+01, v12  }
0x1ca: {  	[tilespmem:s8+$0x70] =	vst v15;
	v3 =	vld.idx.msk [tilespmem:v3+s14+$0x20 ss:$0x1], $0xffff  }
0x1cb: {  	[tilespmem:s9+$0x40] =	vst v13;
	v56 =	vshll.u32 v11, $0x10;
	v10 =	vadd.f32 v10, v12  }
0x1cc: {  	[tilespmem:s9+$0x50] =	vst v14;
	v57 =	vand.u32 $0xFFFF0000, v11;
	v4 =	vadd.f32 v56, v4  }
0x1cd: {  	v7 =	vmul.f32 $2.771281240e+01, v7;
	s20 =	sadd.s32 $0x1, s20;
	v58 =	vshll.u32 v16, $0x10;
	v5 =	vadd.f32 v57, v5;
	[tilespmem:s12+$0x60] =	vst v10  }
0x1ce: {  	v8 =	vmul.f32 $2.771281240e+01, v8;
	p0 =	sne.s32 s20, $0x10;
	v59 =	vand.u32 $0xFFFF0000, v16;
	v60 =	vadd.f32 v58, v6;
	[tilespmem:s12+$0x0] =	vst v4  }
.Ltmp9:
0x1cf: {  	v61 =	vmul.f32 $2.771281240e+01, v9;
	v62 =	vshll.u32 v3, $0x10;
	v7 =	vadd.f32 v59, v7;
	[tilespmem:s12+$0x10] =	vst v5;
	(pc) =	sbr.rel @p0 .LBB2_15-.Ltmp9, $4  }
0x1d0: {  	v3 =	vand.u32 $0xFFFF0000, v3;
	v63 =	vadd.f32 v62, v8;
	[tilespmem:s12+$0x20] =	vst v60  }
0x1d1: {  	v3 =	vadd.f32 v3, v61;
	[tilespmem:s12+$0x30] =	vst v7  }
0x1d2: {  	[tilespmem:s12+$0x40] =	vst v63  }
0x1d3: {  	s0 =	sadd.s32 $0x1, s0;
	[tilespmem:s12+$0x50] =	vst v3  }
0x1d4: {  	s0 =	sor.u32 s11, s19  }
0x1d5: {  	p0 =	seq.s32 s29, $0x7;
	s4 =	rddreg [dreg:$0xa];
	s0 =	sshrl.u32 s0, $0x3  }
0x1d6: {  	s4 =	sadd.s32 @!p0 s19, s4;
	s0 =	smul.u32 $0x300, s0  }
0x1d7: {  	s8 =	simm.s32 $0x9400;
	s4 =	sshrl.u32 @!p0 s4, $0x3  }
0x1d8: {  	s21 =	simm.s32 $0x12;
	s4 =	smul.u32 @!p0 $0x180, s4;
	s0 =	sadd.s32 s2, s0  }
0x1d9: {  	[hbm4b:s0+s3] =	stream.linear.scatter [tilespmem:s8], [sflag:$0xC], $0x3000, $0x38;
	[tilespmem:$0x1B400] =	vst v63  }
0x1da: {  	s0 =	sadd.s32 @!p0 s5, s4;
	s4 =	simm.s32 @!p0 $0x0;
	s8 =	simm.s32 @!p0 $0x18400  }
0x1db: {  	[tilespmem:s8], [sflag:$0x11] =	stream.linear.gather @!p0 [hbm4b:s0+s4], $0x1800, $0x38;
	[tilespmem:$0x1B400] =	vst v63  }
0x1dc: {  	_ =	swait.ge [sflag:s21], $0x1800  }
0x1dd: {  	[sflag:s21] =	ssyncset.done $0x0  }
0x1de: {  	s23 =	simm.s32 $0x9;
	[sflag:s21] =	ssyncadd.s32 $0xFFFFE800  }
0x1df: {  	_ =	swait.ge [sflag:s23], $0x3000  }
0x1e0: {  	s25 =	sor.u32 $0x1, s30;
	[sflag:s23] =	ssyncset.done $0x0  }
0x1e1: {  	p1 =	sgt.u32 s25, $0xE;
	[sflag:s23] =	ssyncadd.s32 $0xFFFFD000  }
0x1e2: {  	v3 =	vld @!p1 [tilespmem:s18+$0x20];
	_ =	sdelay $0x4  }
0x1e3: {  	v4 =	vshrl.u32 @!p1 v3, $0x3  }
0x1e4: {  	v4 =	vmul.u32 @!p1 $0x30, v4  }
0x1e5: {  	v5 =	vlaneseq.u32 @!p1;
	v3 =	vand.u32 @!p1 $0x7, v3  }
0x1e6: {  	v6 =	vshrl.u32 @!p1 v5, $0x3;
	v3 =	vor.u32 @!p1 v3, v4;
	v4 =	vand.u32 @!p1 $0x7, v5  }
0x1e7: {  	v6 =	vmul.u32 @!p1 $0x8, v6;
	v4 =	vperm.xlane @!p1 v3, v4;
	_ =	sdelay $0x1  }
0x1e8: {  	v4 =	vadd.s32 @!p1 v6, v4;
	_ =	sdelay $0x2  }
0x1e9: {  	v5 =	vor.u32 @!p1 $0x8, v5  }
0x1ea: {  	vm1 =	vmmov @!p1 $0xffff;
	s4 =	simm.s32 @!p1 $0x0;
	s8 =	simm.s32 @!p1 $0x400;
	v3 =	vperm.xlane @!p1 v3, v5  }
0x1eb: {  	[tilespmem:s8], [sflag:$0x1] =	stream.indirect_vreg.gather @!p1 [hbm4b:s1+s4], $0x80, v4, vm1, $0xb8;
	[tilespmem:$0x1B400] =	vst v63  }
0x1ec: {  	v3 =	vadd.s32 @!p1 v6, v3;
	s8 =	simm.s32 @!p1 $0xC00  }
0x1ed: {  	[tilespmem:s8], [sflag:$0x1] =	stream.indirect_vreg.gather @!p1 [hbm4b:s16+s4], $0x80, v4, vm1, $0xb8;
	[tilespmem:$0x1B400] =	vst v63  }
0x1ee: {  	s8 =	simm.s32 @!p1 $0x1400  }
0x1ef: {  	[tilespmem:s8], [sflag:$0x1] =	stream.indirect_vreg.gather @!p1 [hbm4b:s17+s4], $0x80, v4, vm1, $0xb8;
	[tilespmem:$0x1B400] =	vst v63  }
0x1f0: {  	s8 =	simm.s32 @!p1 $0x1C00  }
0x1f1: {  	[tilespmem:s8], [sflag:$0x1] =	stream.indirect_vreg.gather @!p1 [hbm4b:s1+s4], $0x80, v3, vm1, $0xb8;
	[tilespmem:$0x1B400] =	vst v63  }
0x1f2: {  	s8 =	simm.s32 @!p1 $0x2400  }
0x1f3: {  	[tilespmem:s8], [sflag:$0x1] =	stream.indirect_vreg.gather @!p1 [hbm4b:s16+s4], $0x80, v3, vm1, $0xb8;
	[tilespmem:$0x1B400] =	vst v63  }
0x1f4: {  	s26 =	simm.s32 $0x5;
	s8 =	simm.s32 @!p1 $0x2C00  }
0x1f5: {  	[tilespmem:s8], [sflag:$0x1] =	stream.indirect_vreg.gather @!p1 [hbm4b:s17+s4], $0x80, v3, vm1, $0xb8;
	[tilespmem:$0x1B400] =	vst v63  }
0x1f6: {  	s13 =	simm.s32 $0x0;
	_ =	swait.ge [sflag:s26], $0x3000  }
0x1f7: {  	s20 =	simm.s32 $0x0;
	s30 =	sshll.u32 s25, $0x4;
	[sflag:s26] =	ssyncset.done $0x0  }
0x1f8: {  	s25 =	simm.s32 $0x0;
	s0 =	sor.u32 s6, s30;
	[sflag:s26] =	ssyncadd.s32 $0xFFFFD000  }
.LBB2_19:
0x1f9: {  	s4 =	sshrl.u32 s25, $0x3  }
0x1fa: {  	s9 =	sand.u32 $0x7, s20;
	s8 =	smul.u32 $0x6000, s4  }
0x1fb: {  	s9 =	sshll.u32 s9, $0x9  }
0x1fc: {  	s8 =	sor.u32 s9, s8  }
0x1fd: {  	s8 =	sshra.s32 s8, $0x2  }
0x1fe: {  	s9 =	sadd.s32 $0xC400, s8  }
0x1ff: {  	v4 =	vld [tilespmem:s9+$0x70]  }
0x200: {  	s12 =	sshll.u32 s25, $0x7;
	v6 =	vld [tilespmem:s9+$0x0]  }
0x201: {  	s12 =	sand.u32 $0x380, s12;
	s4 =	smul.u32 $0x3000, s4;
	v7 =	vld [tilespmem:s9+$0x10]  }
0x202: {  	v3 =	vmov s12;
	v8 =	vld [tilespmem:s9+$0x20]  }
0x203: {  	s4 =	sshra.s32 s4, $0x2;
	v9 =	vld [tilespmem:s9+$0x30]  }
0x204: {  	s14 =	sand.u32 $0xC00, s13;
	s12 =	simm.s32 $0x0;
	s26 =	sadd.s32 $0x19C00, s4;
	v10 =	vld [tilespmem:s9+$0x40]  }
0x205: {  	s4 =	sand.u32 $0x40, s12;
	s15 =	sadd.s32 s14, s26;
	v11 =	vld [tilespmem:s9+$0x50]  }
0x206: {  	s4 =	sadd.s32 s4, s15;
	v12 =	vld [tilespmem:s9+$0x60]  }
0x207: {  	v5 =	vld.idx.msk [tilespmem:v3+s4+$0x30 ss:$0x1], $0xffff  }
0x208: {  	s21 =	simm.s32 $0x200;
	v13 =	vld.idx.msk [tilespmem:v3+s4+$0x0 ss:$0x1], $0xffff  }
0x209: {  	s8 =	sand.u32 $0xC00, s21;
	s15 =	simm.s32 $0x40;
	v14 =	vld.idx.msk [tilespmem:v3+s4+$0x10 ss:$0x1], $0xffff  }
0x20a: {  	s14 =	sadd.s32 s8, s26;
	s8 =	sadd.s32 $0x400, s9;
	s23 =	sand.u32 $0x40, s15;
	v15 =	vld.idx.msk [tilespmem:v3+s4+$0x20 ss:$0x1], $0xffff;
	v4 =	vmul.f32 $2.771281240e+01, v4;
	v6 =	vmul.f32 $2.771281240e+01, v6  }
0x20b: {  	v18 =	vld [tilespmem:s8+$0x70];
	s14 =	sadd.s32 s23, s14;
	v17 =	vmul.f32 $2.771281240e+01, v7;
	v19 =	vmul.f32 $2.771281240e+01, v8  }
0x20c: {  	v20 =	vld.idx.msk [tilespmem:v3+s14+$0x30 ss:$0x1], $0xffff;
	v7 =	vmul.f32 $2.771281240e+01, v12;
	v16 =	vshll.u32 v5, $0x10;
	v5 =	vand.u32 $0xFFFF0000, v5  }
0x20d: {  	v8 =	vshll.u32 v13, $0x10;
	v4 =	vadd.f32 v5, v4;
	v5 =	vmul.f32 $2.771281240e+01, v9;
	v9 =	vld [tilespmem:s8+$0x0]  }
0x20e: {  	v21 =	vmul.f32 $2.771281240e+01, v10;
	v22 =	vmul.f32 $2.771281240e+01, v11;
	v11 =	vld [tilespmem:s8+$0x10];
	v6 =	vadd.f32 v8, v6  }
0x20f: {  	v12 =	vshll.u32 v14, $0x10;
	v23 =	vand.u32 $0xFFFF0000, v15;
	v10 =	vadd.f32 v16, v7;
	v16 =	vld [tilespmem:s8+$0x20];
	[tilespmem:s9+$0x70] =	vst v4  }
0x210: {  	v7 =	vld [tilespmem:s8+$0x30];
	v4 =	vand.u32 $0xFFFF0000, v13;
	v13 =	vand.u32 $0xFFFF0000, v14;
	[tilespmem:s9+$0x0] =	vst v6;
	v6 =	vadd.f32 v12, v19  }
0x211: {  	v8 =	vld [tilespmem:s8+$0x40];
	[tilespmem:s9+$0x60] =	vst v10;
	v14 =	vadd.f32 v4, v17;
	v17 =	vshll.u32 v15, $0x10;
	v15 =	vmul.f32 $2.771281240e+01, v18  }
0x212: {  	v63 =	vadd.f32 v13, v5;
	v13 =	vand.u32 $0xFFFF0000, v20;
	[tilespmem:s9+$0x20] =	vst v6;
	v4 =	vmul.f32 $2.771281240e+01, v9;
	v9 =	vld [tilespmem:s8+$0x50]  }
0x213: {  	v10 =	vshll.u32 v20, $0x10;
	v12 =	vld [tilespmem:s8+$0x60];
	v5 =	vmul.f32 $2.771281240e+01, v11;
	[tilespmem:s9+$0x10] =	vst v14;
	v15 =	vadd.f32 v13, v15  }
0x214: {  	s21 =	simm.s32 $0x400;
	s12 =	smov.u32 s8;
	v11 =	vld.idx.msk [tilespmem:v3+s14+$0x0 ss:$0x1], $0xffff;
	v13 =	vadd.f32 v17, v21;
	v6 =	vmul.f32 $2.771281240e+01, v16;
	[tilespmem:s9+$0x30] =	vst v63;
	v14 =	vadd.f32 v23, v22  }
.LBB2_20:
0x215: {  	s15 =	sadd.s32 $0x40, s15;
	s4 =	sand.u32 $0xC00, s21;
	v16 =	vld.idx.msk [tilespmem:v3+s14+$0x10 ss:$0x1], $0xffff;
	v17 =	vmul.f32 $2.771281240e+01, v7;
	[tilespmem:s8+$0x70] =	vst v15  }
0x216: {  	s8 =	sadd.s32 $0x400, s8;
	s23 =	sand.u32 $0x40, s15;
	s4 =	sadd.s32 s4, s26;
	v15 =	vld.idx.msk [tilespmem:v3+s14+$0x20 ss:$0x1], $0xffff;
	v18 =	vmul.f32 $2.771281240e+01, v8;
	[tilespmem:s9+$0x40] =	vst v13  }
0x217: {  	p2 =	slt.u32 s15, $0x140;
	s14 =	sadd.s32 s23, s4;
	v13 =	vld [tilespmem:s8+$0x70];
	v19 =	vmul.f32 $2.771281240e+01, v9;
	[tilespmem:s9+$0x50] =	vst v14;
	s9 =	smov.u32 s12  }
0x218: {  	s12 =	smov.u32 s8;
	v14 =	vld.idx.msk [tilespmem:v3+s14+$0x30 ss:$0x1], $0xffff;
	v7 =	vmul.f32 $2.771281240e+01, v12  }
0x219: {  	v9 =	vld [tilespmem:s8+$0x0]  }
0x21a: {  	v8 =	vshll.u32 v11, $0x10;
	v11 =	vand.u32 $0xFFFF0000, v11;
	v12 =	vld [tilespmem:s8+$0x10];
	v10 =	vadd.f32 v10, v7  }
0x21b: {  	v4 =	vadd.f32 v8, v4;
	v21 =	vshll.u32 v16, $0x10;
	v16 =	vand.u32 $0xFFFF0000, v16;
	v20 =	vld [tilespmem:s8+$0x20]  }
.Ltmp10:
0x21c: {  	v5 =	vadd.f32 v11, v5;
	v11 =	vshll.u32 v15, $0x10;
	v22 =	vand.u32 $0xFFFF0000, v15;
	v7 =	vld [tilespmem:s8+$0x30];
	[tilespmem:s9+$0x60] =	vst v10;
	(pc) =	sbr.rel @p2 .LBB2_20-.Ltmp10, $4  }
0x21d: {  	v6 =	vadd.f32 v21, v6;
	v16 =	vadd.f32 v16, v17;
	v13 =	vmul.f32 $2.771281240e+01, v13;
	v8 =	vld [tilespmem:s8+$0x40];
	[tilespmem:s9+$0x0] =	vst v4  }
0x21e: {  	v10 =	vshll.u32 v14, $0x10;
	v14 =	vand.u32 $0xFFFF0000, v14;
	v4 =	vmul.f32 $2.771281240e+01, v9;
	v9 =	vld [tilespmem:s8+$0x50];
	[tilespmem:s9+$0x10] =	vst v5  }
0x21f: {  	v15 =	vadd.f32 v14, v13;
	v13 =	vadd.f32 v11, v18;
	v5 =	vmul.f32 $2.771281240e+01, v12;
	v12 =	vld [tilespmem:s8+$0x60];
	[tilespmem:s9+$0x20] =	vst v6  }
0x220: {  	s21 =	sadd.s32 $0x200, s21;
	v14 =	vadd.f32 v22, v19;
	v11 =	vld.idx.msk [tilespmem:v3+s14+$0x0 ss:$0x1], $0xffff;
	v6 =	vmul.f32 $2.771281240e+01, v20;
	[tilespmem:s9+$0x30] =	vst v16  }
0x221: {  	_ =	sdelay $0x3  }
0x222: {  	v16 =	vld.idx.msk [tilespmem:v3+s14+$0x10 ss:$0x1], $0xffff  }
0x223: {  	v12 =	vmul.f32 $2.771281240e+01, v12  }
0x224: {  	[tilespmem:s8+$0x70] =	vst v15;
	v3 =	vld.idx.msk [tilespmem:v3+s14+$0x20 ss:$0x1], $0xffff  }
0x225: {  	[tilespmem:s9+$0x40] =	vst v13;
	v56 =	vshll.u32 v11, $0x10;
	v10 =	vadd.f32 v10, v12  }
0x226: {  	[tilespmem:s9+$0x50] =	vst v14;
	v57 =	vand.u32 $0xFFFF0000, v11;
	v4 =	vadd.f32 v56, v4  }
0x227: {  	v7 =	vmul.f32 $2.771281240e+01, v7;
	s25 =	sadd.s32 $0x1, s25;
	v58 =	vshll.u32 v16, $0x10;
	v5 =	vadd.f32 v57, v5;
	[tilespmem:s12+$0x60] =	vst v10  }
0x228: {  	v8 =	vmul.f32 $2.771281240e+01, v8;
	p2 =	sne.s32 s25, $0x10;
	v59 =	vand.u32 $0xFFFF0000, v16;
	v60 =	vadd.f32 v58, v6;
	[tilespmem:s12+$0x0] =	vst v4  }
.Ltmp11:
0x229: {  	v61 =	vmul.f32 $2.771281240e+01, v9;
	v62 =	vshll.u32 v3, $0x10;
	v7 =	vadd.f32 v59, v7;
	[tilespmem:s12+$0x10] =	vst v5;
	(pc) =	sbr.rel @p2 .LBB2_19-.Ltmp11, $4  }
0x22a: {  	v3 =	vand.u32 $0xFFFF0000, v3;
	v63 =	vadd.f32 v62, v8;
	[tilespmem:s12+$0x20] =	vst v60  }
0x22b: {  	v3 =	vadd.f32 v3, v61;
	[tilespmem:s12+$0x30] =	vst v7  }
0x22c: {  	[tilespmem:s12+$0x40] =	vst v63  }
0x22d: {  	s20 =	sadd.s32 $0x1, s20;
	[tilespmem:s12+$0x50] =	vst v3  }
0x22e: {  	s0 =	sshrl.u32 s0, $0x3  }
0x22f: {  	s0 =	smul.u32 $0x300, s0;
	_ =	sdelay $0x1  }
0x230: {  	s26 =	simm.s32 $0xC400;
	s23 =	simm.s32 $0xA;
	s0 =	sadd.s32 s2, s0  }
0x231: {  	[hbm4b:s0+s3] =	stream.linear.scatter [tilespmem:s26], [sflag:$0xD], $0x3000, $0x38;
	[tilespmem:$0x1B400] =	vst v63  }
0x232: {  	_ =	swait.ge [sflag:s23], $0x3000  }
0x233: {  	[sflag:s23] =	ssyncset.done $0x0  }
0x234: {  	[sflag:s23] =	ssyncadd.s32 $0xFFFFD000  }
0x235: {  	v3 =	vld @!p1 [tilespmem:s18+$0x120];
	_ =	sdelay $0x4  }
0x236: {  	v4 =	vshrl.u32 @!p1 v3, $0x3  }
0x237: {  	v4 =	vmul.u32 @!p1 $0x30, v4  }
0x238: {  	v5 =	vlaneseq.u32 @!p1;
	v3 =	vand.u32 @!p1 $0x7, v3  }
0x239: {  	v6 =	vshrl.u32 @!p1 v5, $0x3;
	v3 =	vor.u32 @!p1 v3, v4;
	v4 =	vand.u32 @!p1 $0x7, v5  }
0x23a: {  	v6 =	vmul.u32 @!p1 $0x8, v6;
	v4 =	vperm.xlane @!p1 v3, v4;
	_ =	sdelay $0x1  }
0x23b: {  	v4 =	vadd.s32 @!p1 v6, v4;
	_ =	sdelay $0x2  }
0x23c: {  	v5 =	vor.u32 @!p1 $0x8, v5  }
0x23d: {  	s4 =	simm.s32 @!p1 $0x3400;
	s0 =	simm.s32 @!p1 $0x0;
	v3 =	vperm.xlane @!p1 v3, v5  }
0x23e: {  	[tilespmem:s4], [sflag:$0x2] =	stream.indirect_vreg.gather @!p1 [hbm4b:s1+s0], $0x80, v4, vm1, $0xb8;
	[tilespmem:$0x1B400] =	vst v63  }
0x23f: {  	v3 =	vadd.s32 @!p1 v6, v3;
	s4 =	simm.s32 @!p1 $0x3C00  }
0x240: {  	[tilespmem:s4], [sflag:$0x2] =	stream.indirect_vreg.gather @!p1 [hbm4b:s16+s0], $0x80, v4, vm1, $0xb8;
	[tilespmem:$0x1B400] =	vst v63  }
0x241: {  	s4 =	simm.s32 @!p1 $0x4400  }
0x242: {  	[tilespmem:s4], [sflag:$0x2] =	stream.indirect_vreg.gather @!p1 [hbm4b:s17+s0], $0x80, v4, vm1, $0xb8;
	[tilespmem:$0x1B400] =	vst v63  }
0x243: {  	s4 =	simm.s32 @!p1 $0x4C00  }
0x244: {  	[tilespmem:s4], [sflag:$0x2] =	stream.indirect_vreg.gather @!p1 [hbm4b:s1+s0], $0x80, v3, vm1, $0xb8;
	[tilespmem:$0x1B400] =	vst v63  }
0x245: {  	s4 =	simm.s32 @!p1 $0x5400  }
0x246: {  	[tilespmem:s4], [sflag:$0x2] =	stream.indirect_vreg.gather @!p1 [hbm4b:s16+s0], $0x80, v3, vm1, $0xb8;
	[tilespmem:$0x1B400] =	vst v63  }
0x247: {  	s25 =	simm.s32 $0x6;
	s4 =	simm.s32 @!p1 $0x5C00  }
0x248: {  	[tilespmem:s4], [sflag:$0x2] =	stream.indirect_vreg.gather @!p1 [hbm4b:s17+s0], $0x80, v3, vm1, $0xb8;
	[tilespmem:$0x1B400] =	vst v63  }
0x249: {  	_ =	swait.ge [sflag:s25], $0x3000  }
0x24a: {  	s13 =	simm.s32 $0x0;
	[sflag:s25] =	ssyncset.done $0x0  }
0x24b: {  	s20 =	simm.s32 $0x0;
	s0 =	simm.s32 $0x0;
	[sflag:s25] =	ssyncadd.s32 $0xFFFFD000  }
.LBB2_23:
0x24c: {  	s4 =	sshrl.u32 s20, $0x3  }
0x24d: {  	s9 =	sand.u32 $0x7, s13;
	s8 =	smul.u32 $0x6000, s4  }
0x24e: {  	s9 =	sshll.u32 s9, $0x9  }
0x24f: {  	s8 =	sor.u32 s9, s8  }
0x250: {  	s8 =	sshra.s32 s8, $0x2  }
0x251: {  	s9 =	sadd.s32 $0xF400, s8  }
0x252: {  	v4 =	vld [tilespmem:s9+$0x70]  }
0x253: {  	s12 =	sshll.u32 s20, $0x7;
	v6 =	vld [tilespmem:s9+$0x0]  }
0x254: {  	s12 =	sand.u32 $0x380, s12;
	s4 =	smul.u32 $0x3000, s4;
	v7 =	vld [tilespmem:s9+$0x10]  }
0x255: {  	v3 =	vmov s12;
	v8 =	vld [tilespmem:s9+$0x20]  }
0x256: {  	s4 =	sshra.s32 s4, $0x2;
	v9 =	vld [tilespmem:s9+$0x30]  }
0x257: {  	s14 =	sand.u32 $0xC00, s0;
	s12 =	simm.s32 $0x0;
	s25 =	sadd.s32 $0x19C00, s4;
	v10 =	vld [tilespmem:s9+$0x40]  }
0x258: {  	s4 =	sand.u32 $0x40, s12;
	s15 =	sadd.s32 s14, s25;
	v11 =	vld [tilespmem:s9+$0x50]  }
0x259: {  	s4 =	sadd.s32 s4, s15;
	v12 =	vld [tilespmem:s9+$0x60]  }
0x25a: {  	v5 =	vld.idx.msk [tilespmem:v3+s4+$0x30 ss:$0x1], $0xffff  }
0x25b: {  	s21 =	simm.s32 $0x200;
	v13 =	vld.idx.msk [tilespmem:v3+s4+$0x0 ss:$0x1], $0xffff  }
0x25c: {  	s8 =	sand.u32 $0xC00, s21;
	s15 =	simm.s32 $0x40;
	v14 =	vld.idx.msk [tilespmem:v3+s4+$0x10 ss:$0x1], $0xffff  }
0x25d: {  	s14 =	sadd.s32 s8, s25;
	s8 =	sadd.s32 $0x400, s9;
	s23 =	sand.u32 $0x40, s15;
	v15 =	vld.idx.msk [tilespmem:v3+s4+$0x20 ss:$0x1], $0xffff;
	v4 =	vmul.f32 $2.771281240e+01, v4;
	v6 =	vmul.f32 $2.771281240e+01, v6  }
0x25e: {  	v18 =	vld [tilespmem:s8+$0x70];
	s14 =	sadd.s32 s23, s14;
	v17 =	vmul.f32 $2.771281240e+01, v7;
	v19 =	vmul.f32 $2.771281240e+01, v8  }
0x25f: {  	v20 =	vld.idx.msk [tilespmem:v3+s14+$0x30 ss:$0x1], $0xffff;
	v7 =	vmul.f32 $2.771281240e+01, v12;
	v16 =	vshll.u32 v5, $0x10;
	v5 =	vand.u32 $0xFFFF0000, v5  }
0x260: {  	v8 =	vshll.u32 v13, $0x10;
	v4 =	vadd.f32 v5, v4;
	v5 =	vmul.f32 $2.771281240e+01, v9;
	v9 =	vld [tilespmem:s8+$0x0]  }
0x261: {  	v21 =	vmul.f32 $2.771281240e+01, v10;
	v22 =	vmul.f32 $2.771281240e+01, v11;
	v11 =	vld [tilespmem:s8+$0x10];
	v6 =	vadd.f32 v8, v6  }
0x262: {  	v12 =	vshll.u32 v14, $0x10;
	v23 =	vand.u32 $0xFFFF0000, v15;
	v10 =	vadd.f32 v16, v7;
	v16 =	vld [tilespmem:s8+$0x20];
	[tilespmem:s9+$0x70] =	vst v4  }
0x263: {  	v7 =	vld [tilespmem:s8+$0x30];
	v4 =	vand.u32 $0xFFFF0000, v13;
	v13 =	vand.u32 $0xFFFF0000, v14;
	[tilespmem:s9+$0x0] =	vst v6;
	v6 =	vadd.f32 v12, v19  }
0x264: {  	v8 =	vld [tilespmem:s8+$0x40];
	[tilespmem:s9+$0x60] =	vst v10;
	v14 =	vadd.f32 v4, v17;
	v17 =	vshll.u32 v15, $0x10;
	v15 =	vmul.f32 $2.771281240e+01, v18  }
0x265: {  	v63 =	vadd.f32 v13, v5;
	v13 =	vand.u32 $0xFFFF0000, v20;
	[tilespmem:s9+$0x20] =	vst v6;
	v4 =	vmul.f32 $2.771281240e+01, v9;
	v9 =	vld [tilespmem:s8+$0x50]  }
0x266: {  	v10 =	vshll.u32 v20, $0x10;
	v12 =	vld [tilespmem:s8+$0x60];
	v5 =	vmul.f32 $2.771281240e+01, v11;
	[tilespmem:s9+$0x10] =	vst v14;
	v15 =	vadd.f32 v13, v15  }
0x267: {  	s21 =	simm.s32 $0x400;
	s12 =	smov.u32 s8;
	v11 =	vld.idx.msk [tilespmem:v3+s14+$0x0 ss:$0x1], $0xffff;
	v13 =	vadd.f32 v17, v21;
	v6 =	vmul.f32 $2.771281240e+01, v16;
	[tilespmem:s9+$0x30] =	vst v63;
	v14 =	vadd.f32 v23, v22  }
.LBB2_24:
0x268: {  	s15 =	sadd.s32 $0x40, s15;
	s4 =	sand.u32 $0xC00, s21;
	v16 =	vld.idx.msk [tilespmem:v3+s14+$0x10 ss:$0x1], $0xffff;
	v17 =	vmul.f32 $2.771281240e+01, v7;
	[tilespmem:s8+$0x70] =	vst v15  }
0x269: {  	s8 =	sadd.s32 $0x400, s8;
	s23 =	sand.u32 $0x40, s15;
	s4 =	sadd.s32 s4, s25;
	v15 =	vld.idx.msk [tilespmem:v3+s14+$0x20 ss:$0x1], $0xffff;
	v18 =	vmul.f32 $2.771281240e+01, v8;
	[tilespmem:s9+$0x40] =	vst v13  }
0x26a: {  	p2 =	slt.u32 s15, $0x140;
	s14 =	sadd.s32 s23, s4;
	v13 =	vld [tilespmem:s8+$0x70];
	v19 =	vmul.f32 $2.771281240e+01, v9;
	[tilespmem:s9+$0x50] =	vst v14;
	s9 =	smov.u32 s12  }
0x26b: {  	s12 =	smov.u32 s8;
	v14 =	vld.idx.msk [tilespmem:v3+s14+$0x30 ss:$0x1], $0xffff;
	v7 =	vmul.f32 $2.771281240e+01, v12  }
0x26c: {  	v9 =	vld [tilespmem:s8+$0x0]  }
0x26d: {  	v8 =	vshll.u32 v11, $0x10;
	v11 =	vand.u32 $0xFFFF0000, v11;
	v12 =	vld [tilespmem:s8+$0x10];
	v10 =	vadd.f32 v10, v7  }
0x26e: {  	v4 =	vadd.f32 v8, v4;
	v21 =	vshll.u32 v16, $0x10;
	v16 =	vand.u32 $0xFFFF0000, v16;
	v20 =	vld [tilespmem:s8+$0x20]  }
.Ltmp12:
0x26f: {  	v5 =	vadd.f32 v11, v5;
	v11 =	vshll.u32 v15, $0x10;
	v22 =	vand.u32 $0xFFFF0000, v15;
	v7 =	vld [tilespmem:s8+$0x30];
	[tilespmem:s9+$0x60] =	vst v10;
	(pc) =	sbr.rel @p2 .LBB2_24-.Ltmp12, $4  }
0x270: {  	v6 =	vadd.f32 v21, v6;
	v16 =	vadd.f32 v16, v17;
	v13 =	vmul.f32 $2.771281240e+01, v13;
	v8 =	vld [tilespmem:s8+$0x40];
	[tilespmem:s9+$0x0] =	vst v4  }
0x271: {  	v10 =	vshll.u32 v14, $0x10;
	v14 =	vand.u32 $0xFFFF0000, v14;
	v4 =	vmul.f32 $2.771281240e+01, v9;
	v9 =	vld [tilespmem:s8+$0x50];
	[tilespmem:s9+$0x10] =	vst v5  }
0x272: {  	v15 =	vadd.f32 v14, v13;
	v13 =	vadd.f32 v11, v18;
	v5 =	vmul.f32 $2.771281240e+01, v12;
	v12 =	vld [tilespmem:s8+$0x60];
	[tilespmem:s9+$0x20] =	vst v6  }
0x273: {  	s21 =	sadd.s32 $0x200, s21;
	v14 =	vadd.f32 v22, v19;
	v11 =	vld.idx.msk [tilespmem:v3+s14+$0x0 ss:$0x1], $0xffff;
	v6 =	vmul.f32 $2.771281240e+01, v20;
	[tilespmem:s9+$0x30] =	vst v16  }
0x274: {  	_ =	sdelay $0x3  }
0x275: {  	v16 =	vld.idx.msk [tilespmem:v3+s14+$0x10 ss:$0x1], $0xffff  }
0x276: {  	v12 =	vmul.f32 $2.771281240e+01, v12  }
0x277: {  	[tilespmem:s8+$0x70] =	vst v15;
	v3 =	vld.idx.msk [tilespmem:v3+s14+$0x20 ss:$0x1], $0xffff  }
0x278: {  	[tilespmem:s9+$0x40] =	vst v13;
	v56 =	vshll.u32 v11, $0x10;
	v10 =	vadd.f32 v10, v12  }
0x279: {  	[tilespmem:s9+$0x50] =	vst v14;
	v57 =	vand.u32 $0xFFFF0000, v11;
	v4 =	vadd.f32 v56, v4  }
0x27a: {  	v7 =	vmul.f32 $2.771281240e+01, v7;
	s20 =	sadd.s32 $0x1, s20;
	v58 =	vshll.u32 v16, $0x10;
	v5 =	vadd.f32 v57, v5;
	[tilespmem:s12+$0x60] =	vst v10  }
0x27b: {  	v8 =	vmul.f32 $2.771281240e+01, v8;
	p2 =	sne.s32 s20, $0x10;
	v59 =	vand.u32 $0xFFFF0000, v16;
	v60 =	vadd.f32 v58, v6;
	[tilespmem:s12+$0x0] =	vst v4  }
.Ltmp13:
0x27c: {  	v61 =	vmul.f32 $2.771281240e+01, v9;
	v62 =	vshll.u32 v3, $0x10;
	v7 =	vadd.f32 v59, v7;
	[tilespmem:s12+$0x10] =	vst v5;
	(pc) =	sbr.rel @p2 .LBB2_23-.Ltmp13, $4  }
0x27d: {  	v3 =	vand.u32 $0xFFFF0000, v3;
	v63 =	vadd.f32 v62, v8;
	[tilespmem:s12+$0x20] =	vst v60  }
0x27e: {  	v3 =	vadd.f32 v3, v61;
	[tilespmem:s12+$0x30] =	vst v7  }
0x27f: {  	[tilespmem:s12+$0x40] =	vst v63  }
0x280: {  	s13 =	sadd.s32 $0x1, s13;
	[tilespmem:s12+$0x50] =	vst v3  }
0x281: {  	s0 =	sor.u32 s7, s30  }
0x282: {  	s0 =	sshrl.u32 s0, $0x3  }
0x283: {  	s0 =	smul.u32 $0x300, s0;
	_ =	sdelay $0x1  }
0x284: {  	s4 =	simm.s32 $0xF400;
	s0 =	sadd.s32 s2, s0  }
0x285: {  	[hbm4b:s0+s3] =	stream.linear.scatter [tilespmem:s4], [sflag:$0xE], $0x3000, $0x38;
	[tilespmem:$0x1B400] =	vst v63  }
0x286: {  	_ =	swait.ge [sflag:s24], $0x3000  }
0x287: {  	[sflag:s24] =	ssyncset.done $0x0  }
0x288: {  	[sflag:s24] =	ssyncadd.s32 $0xFFFFD000  }
0x289: {  	v3 =	vld @!p1 [tilespmem:s18+$0x220];
	_ =	sdelay $0x4  }
0x28a: {  	v4 =	vshrl.u32 @!p1 v3, $0x3  }
0x28b: {  	v4 =	vmul.u32 @!p1 $0x30, v4  }
0x28c: {  	v5 =	vlaneseq.u32 @!p1;
	v3 =	vand.u32 @!p1 $0x7, v3  }
0x28d: {  	v6 =	vshrl.u32 @!p1 v5, $0x3;
	v3 =	vor.u32 @!p1 v3, v4;
	v4 =	vand.u32 @!p1 $0x7, v5  }
0x28e: {  	v6 =	vmul.u32 @!p1 $0x8, v6;
	v4 =	vperm.xlane @!p1 v3, v4;
	_ =	sdelay $0x1  }
0x28f: {  	v4 =	vadd.s32 @!p1 v6, v4;
	_ =	sdelay $0x2  }
0x290: {  	v5 =	vor.u32 @!p1 $0x8, v5  }
0x291: {  	s0 =	simm.s32 @!p1 $0x0;
	s4 =	simm.s32 @!p1 $0x6400;
	v3 =	vperm.xlane @!p1 v3, v5  }
0x292: {  	[tilespmem:s4], [sflag:$0x3] =	stream.indirect_vreg.gather @!p1 [hbm4b:s1+s0], $0x80, v4, vm1, $0xb8;
	[tilespmem:$0x1B400] =	vst v63  }
0x293: {  	v3 =	vadd.s32 @!p1 v6, v3;
	s4 =	simm.s32 @!p1 $0x6C00  }
0x294: {  	[tilespmem:s4], [sflag:$0x3] =	stream.indirect_vreg.gather @!p1 [hbm4b:s16+s0], $0x80, v4, vm1, $0xb8;
	[tilespmem:$0x1B400] =	vst v63  }
0x295: {  	s4 =	simm.s32 @!p1 $0x7400  }
0x296: {  	[tilespmem:s4], [sflag:$0x3] =	stream.indirect_vreg.gather @!p1 [hbm4b:s17+s0], $0x80, v4, vm1, $0xb8;
	[tilespmem:$0x1B400] =	vst v63  }
0x297: {  	s4 =	simm.s32 @!p1 $0x7C00  }
0x298: {  	[tilespmem:s4], [sflag:$0x3] =	stream.indirect_vreg.gather @!p1 [hbm4b:s1+s0], $0x80, v3, vm1, $0xb8;
	[tilespmem:$0x1B400] =	vst v63  }
0x299: {  	s4 =	simm.s32 @!p1 $0x8400  }
0x29a: {  	[tilespmem:s4], [sflag:$0x3] =	stream.indirect_vreg.gather @!p1 [hbm4b:s16+s0], $0x80, v3, vm1, $0xb8;
	[tilespmem:$0x1B400] =	vst v63  }
0x29b: {  	s4 =	simm.s32 @!p1 $0x8C00  }
0x29c: {  	[tilespmem:s4], [sflag:$0x3] =	stream.indirect_vreg.gather @!p1 [hbm4b:s17+s0], $0x80, v3, vm1, $0xb8;
	[tilespmem:$0x1B400] =	vst v63  }
0x29d: {  	_ =	swait.ge [sflag:s28], $0x3000  }
0x29e: {  	s13 =	simm.s32 $0x0;
	[sflag:s28] =	ssyncset.done $0x0  }
0x29f: {  	s20 =	simm.s32 $0x0;
	s0 =	simm.s32 $0x0;
	[sflag:s28] =	ssyncadd.s32 $0xFFFFD000  }
.LBB2_27:
0x2a0: {  	s4 =	sshrl.u32 s20, $0x3  }
0x2a1: {  	s9 =	sand.u32 $0x7, s13;
	s8 =	smul.u32 $0x6000, s4  }
0x2a2: {  	s9 =	sshll.u32 s9, $0x9  }
0x2a3: {  	s8 =	sor.u32 s9, s8  }
0x2a4: {  	s8 =	sshra.s32 s8, $0x2  }
0x2a5: {  	s9 =	sadd.s32 $0x12400, s8  }
0x2a6: {  	v4 =	vld [tilespmem:s9+$0x70]  }
0x2a7: {  	s12 =	sshll.u32 s20, $0x7;
	v6 =	vld [tilespmem:s9+$0x0]  }
0x2a8: {  	s12 =	sand.u32 $0x380, s12;
	s4 =	smul.u32 $0x3000, s4;
	v7 =	vld [tilespmem:s9+$0x10]  }
0x2a9: {  	v3 =	vmov s12;
	v8 =	vld [tilespmem:s9+$0x20]  }
0x2aa: {  	s4 =	sshra.s32 s4, $0x2;
	v9 =	vld [tilespmem:s9+$0x30]  }
0x2ab: {  	s14 =	sand.u32 $0xC00, s0;
	s12 =	simm.s32 $0x0;
	s25 =	sadd.s32 $0x19C00, s4;
	v10 =	vld [tilespmem:s9+$0x40]  }
0x2ac: {  	s4 =	sand.u32 $0x40, s12;
	s15 =	sadd.s32 s14, s25;
	v11 =	vld [tilespmem:s9+$0x50]  }
0x2ad: {  	s4 =	sadd.s32 s4, s15;
	v12 =	vld [tilespmem:s9+$0x60]  }
0x2ae: {  	v5 =	vld.idx.msk [tilespmem:v3+s4+$0x30 ss:$0x1], $0xffff  }
0x2af: {  	s21 =	simm.s32 $0x200;
	v13 =	vld.idx.msk [tilespmem:v3+s4+$0x0 ss:$0x1], $0xffff  }
0x2b0: {  	s8 =	sand.u32 $0xC00, s21;
	s15 =	simm.s32 $0x40;
	v14 =	vld.idx.msk [tilespmem:v3+s4+$0x10 ss:$0x1], $0xffff  }
0x2b1: {  	s14 =	sadd.s32 s8, s25;
	s8 =	sadd.s32 $0x400, s9;
	s23 =	sand.u32 $0x40, s15;
	v15 =	vld.idx.msk [tilespmem:v3+s4+$0x20 ss:$0x1], $0xffff;
	v4 =	vmul.f32 $2.771281240e+01, v4;
	v6 =	vmul.f32 $2.771281240e+01, v6  }
0x2b2: {  	v18 =	vld [tilespmem:s8+$0x70];
	s14 =	sadd.s32 s23, s14;
	v17 =	vmul.f32 $2.771281240e+01, v7;
	v19 =	vmul.f32 $2.771281240e+01, v8  }
0x2b3: {  	v20 =	vld.idx.msk [tilespmem:v3+s14+$0x30 ss:$0x1], $0xffff;
	v7 =	vmul.f32 $2.771281240e+01, v12;
	v16 =	vshll.u32 v5, $0x10;
	v5 =	vand.u32 $0xFFFF0000, v5  }
0x2b4: {  	v8 =	vshll.u32 v13, $0x10;
	v4 =	vadd.f32 v5, v4;
	v5 =	vmul.f32 $2.771281240e+01, v9;
	v9 =	vld [tilespmem:s8+$0x0]  }
0x2b5: {  	v21 =	vmul.f32 $2.771281240e+01, v10;
	v22 =	vmul.f32 $2.771281240e+01, v11;
	v11 =	vld [tilespmem:s8+$0x10];
	v6 =	vadd.f32 v8, v6  }
0x2b6: {  	v12 =	vshll.u32 v14, $0x10;
	v23 =	vand.u32 $0xFFFF0000, v15;
	v10 =	vadd.f32 v16, v7;
	v16 =	vld [tilespmem:s8+$0x20];
	[tilespmem:s9+$0x70] =	vst v4  }
0x2b7: {  	v7 =	vld [tilespmem:s8+$0x30];
	v4 =	vand.u32 $0xFFFF0000, v13;
	v13 =	vand.u32 $0xFFFF0000, v14;
	[tilespmem:s9+$0x0] =	vst v6;
	v6 =	vadd.f32 v12, v19  }
0x2b8: {  	v8 =	vld [tilespmem:s8+$0x40];
	[tilespmem:s9+$0x60] =	vst v10;
	v14 =	vadd.f32 v4, v17;
	v17 =	vshll.u32 v15, $0x10;
	v15 =	vmul.f32 $2.771281240e+01, v18  }
0x2b9: {  	v63 =	vadd.f32 v13, v5;
	v13 =	vand.u32 $0xFFFF0000, v20;
	[tilespmem:s9+$0x20] =	vst v6;
	v4 =	vmul.f32 $2.771281240e+01, v9;
	v9 =	vld [tilespmem:s8+$0x50]  }
0x2ba: {  	v10 =	vshll.u32 v20, $0x10;
	v12 =	vld [tilespmem:s8+$0x60];
	v5 =	vmul.f32 $2.771281240e+01, v11;
	[tilespmem:s9+$0x10] =	vst v14;
	v15 =	vadd.f32 v13, v15  }
0x2bb: {  	s21 =	simm.s32 $0x400;
	s12 =	smov.u32 s8;
	v11 =	vld.idx.msk [tilespmem:v3+s14+$0x0 ss:$0x1], $0xffff;
	v13 =	vadd.f32 v17, v21;
	v6 =	vmul.f32 $2.771281240e+01, v16;
	[tilespmem:s9+$0x30] =	vst v63;
	v14 =	vadd.f32 v23, v22  }
.LBB2_28:
0x2bc: {  	s15 =	sadd.s32 $0x40, s15;
	s4 =	sand.u32 $0xC00, s21;
	v16 =	vld.idx.msk [tilespmem:v3+s14+$0x10 ss:$0x1], $0xffff;
	v17 =	vmul.f32 $2.771281240e+01, v7;
	[tilespmem:s8+$0x70] =	vst v15  }
0x2bd: {  	s8 =	sadd.s32 $0x400, s8;
	s23 =	sand.u32 $0x40, s15;
	s4 =	sadd.s32 s4, s25;
	v15 =	vld.idx.msk [tilespmem:v3+s14+$0x20 ss:$0x1], $0xffff;
	v18 =	vmul.f32 $2.771281240e+01, v8;
	[tilespmem:s9+$0x40] =	vst v13  }
0x2be: {  	p2 =	slt.u32 s15, $0x140;
	s14 =	sadd.s32 s23, s4;
	v13 =	vld [tilespmem:s8+$0x70];
	v19 =	vmul.f32 $2.771281240e+01, v9;
	[tilespmem:s9+$0x50] =	vst v14;
	s9 =	smov.u32 s12  }
0x2bf: {  	s12 =	smov.u32 s8;
	v14 =	vld.idx.msk [tilespmem:v3+s14+$0x30 ss:$0x1], $0xffff;
	v7 =	vmul.f32 $2.771281240e+01, v12  }
0x2c0: {  	v9 =	vld [tilespmem:s8+$0x0]  }
0x2c1: {  	v8 =	vshll.u32 v11, $0x10;
	v11 =	vand.u32 $0xFFFF0000, v11;
	v12 =	vld [tilespmem:s8+$0x10];
	v10 =	vadd.f32 v10, v7  }
0x2c2: {  	v4 =	vadd.f32 v8, v4;
	v21 =	vshll.u32 v16, $0x10;
	v16 =	vand.u32 $0xFFFF0000, v16;
	v20 =	vld [tilespmem:s8+$0x20]  }
.Ltmp14:
0x2c3: {  	v5 =	vadd.f32 v11, v5;
	v11 =	vshll.u32 v15, $0x10;
	v22 =	vand.u32 $0xFFFF0000, v15;
	v7 =	vld [tilespmem:s8+$0x30];
	[tilespmem:s9+$0x60] =	vst v10;
	(pc) =	sbr.rel @p2 .LBB2_28-.Ltmp14, $4  }
0x2c4: {  	v6 =	vadd.f32 v21, v6;
	v16 =	vadd.f32 v16, v17;
	v13 =	vmul.f32 $2.771281240e+01, v13;
	v8 =	vld [tilespmem:s8+$0x40];
	[tilespmem:s9+$0x0] =	vst v4  }
0x2c5: {  	v10 =	vshll.u32 v14, $0x10;
	v14 =	vand.u32 $0xFFFF0000, v14;
	v4 =	vmul.f32 $2.771281240e+01, v9;
	v9 =	vld [tilespmem:s8+$0x50];
	[tilespmem:s9+$0x10] =	vst v5  }
0x2c6: {  	v15 =	vadd.f32 v14, v13;
	v13 =	vadd.f32 v11, v18;
	v5 =	vmul.f32 $2.771281240e+01, v12;
	v12 =	vld [tilespmem:s8+$0x60];
	[tilespmem:s9+$0x20] =	vst v6  }
0x2c7: {  	s21 =	sadd.s32 $0x200, s21;
	v14 =	vadd.f32 v22, v19;
	v11 =	vld.idx.msk [tilespmem:v3+s14+$0x0 ss:$0x1], $0xffff;
	v6 =	vmul.f32 $2.771281240e+01, v20;
	[tilespmem:s9+$0x30] =	vst v16  }
0x2c8: {  	_ =	sdelay $0x3  }
0x2c9: {  	v16 =	vld.idx.msk [tilespmem:v3+s14+$0x10 ss:$0x1], $0xffff  }
0x2ca: {  	v12 =	vmul.f32 $2.771281240e+01, v12  }
0x2cb: {  	[tilespmem:s8+$0x70] =	vst v15;
	v3 =	vld.idx.msk [tilespmem:v3+s14+$0x20 ss:$0x1], $0xffff  }
0x2cc: {  	[tilespmem:s9+$0x40] =	vst v13;
	v56 =	vshll.u32 v11, $0x10;
	v10 =	vadd.f32 v10, v12  }
0x2cd: {  	[tilespmem:s9+$0x50] =	vst v14;
	v57 =	vand.u32 $0xFFFF0000, v11;
	v4 =	vadd.f32 v56, v4  }
0x2ce: {  	v7 =	vmul.f32 $2.771281240e+01, v7;
	s20 =	sadd.s32 $0x1, s20;
	v58 =	vshll.u32 v16, $0x10;
	v5 =	vadd.f32 v57, v5;
	[tilespmem:s12+$0x60] =	vst v10  }
0x2cf: {  	v8 =	vmul.f32 $2.771281240e+01, v8;
	p2 =	sne.s32 s20, $0x10;
	v59 =	vand.u32 $0xFFFF0000, v16;
	v60 =	vadd.f32 v58, v6;
	[tilespmem:s12+$0x0] =	vst v4  }
.Ltmp15:
0x2d0: {  	v61 =	vmul.f32 $2.771281240e+01, v9;
	v62 =	vshll.u32 v3, $0x10;
	v7 =	vadd.f32 v59, v7;
	[tilespmem:s12+$0x10] =	vst v5;
	(pc) =	sbr.rel @p2 .LBB2_27-.Ltmp15, $4  }
0x2d1: {  	v3 =	vand.u32 $0xFFFF0000, v3;
	v63 =	vadd.f32 v62, v8;
	[tilespmem:s12+$0x20] =	vst v60  }
0x2d2: {  	v3 =	vadd.f32 v3, v61;
	[tilespmem:s12+$0x30] =	vst v7  }
0x2d3: {  	[tilespmem:s12+$0x40] =	vst v63  }
0x2d4: {  	s13 =	sadd.s32 $0x1, s13;
	[tilespmem:s12+$0x50] =	vst v3  }
0x2d5: {  	s0 =	sor.u32 s10, s30  }
0x2d6: {  	s0 =	sshrl.u32 s0, $0x3  }
0x2d7: {  	s0 =	smul.u32 $0x300, s0;
	_ =	sdelay $0x1  }
0x2d8: {  	s4 =	simm.s32 $0x12400;
	s0 =	sadd.s32 s2, s0  }
0x2d9: {  	[hbm4b:s0+s3] =	stream.linear.scatter [tilespmem:s4], [sflag:$0xF], $0x3000, $0x38;
	[tilespmem:$0x1B400] =	vst v63  }
0x2da: {  	_ =	swait.ge [sflag:s22], $0x3000  }
0x2db: {  	[sflag:s22] =	ssyncset.done $0x0  }
0x2dc: {  	[sflag:s22] =	ssyncadd.s32 $0xFFFFD000  }
0x2dd: {  	v3 =	vld @!p1 [tilespmem:s18+$0x320];
	_ =	sdelay $0x4  }
0x2de: {  	v4 =	vshrl.u32 @!p1 v3, $0x3  }
0x2df: {  	v4 =	vmul.u32 @!p1 $0x30, v4  }
0x2e0: {  	v5 =	vlaneseq.u32 @!p1;
	v3 =	vand.u32 @!p1 $0x7, v3  }
0x2e1: {  	v6 =	vshrl.u32 @!p1 v5, $0x3;
	v3 =	vor.u32 @!p1 v3, v4;
	v4 =	vand.u32 @!p1 $0x7, v5  }
0x2e2: {  	v6 =	vmul.u32 @!p1 $0x8, v6;
	v4 =	vperm.xlane @!p1 v3, v4;
	_ =	sdelay $0x1  }
0x2e3: {  	v4 =	vadd.s32 @!p1 v6, v4;
	_ =	sdelay $0x2  }
0x2e4: {  	v5 =	vor.u32 @!p1 $0x8, v5  }
0x2e5: {  	s0 =	simm.s32 @!p1 $0x0;
	s4 =	simm.s32 @!p1 $0x9400;
	v3 =	vperm.xlane @!p1 v3, v5  }
0x2e6: {  	[tilespmem:s4], [sflag:$0x4] =	stream.indirect_vreg.gather @!p1 [hbm4b:s1+s0], $0x80, v4, vm1, $0xb8;
	[tilespmem:$0x1B400] =	vst v63  }
0x2e7: {  	v3 =	vadd.s32 @!p1 v6, v3;
	s4 =	simm.s32 @!p1 $0x9C00  }
0x2e8: {  	[tilespmem:s4], [sflag:$0x4] =	stream.indirect_vreg.gather @!p1 [hbm4b:s16+s0], $0x80, v4, vm1, $0xb8;
	[tilespmem:$0x1B400] =	vst v63  }
0x2e9: {  	s4 =	simm.s32 @!p1 $0xA400  }
0x2ea: {  	[tilespmem:s4], [sflag:$0x4] =	stream.indirect_vreg.gather @!p1 [hbm4b:s17+s0], $0x80, v4, vm1, $0xb8;
	[tilespmem:$0x1B400] =	vst v63  }
0x2eb: {  	s4 =	simm.s32 @!p1 $0xAC00  }
0x2ec: {  	[tilespmem:s4], [sflag:$0x4] =	stream.indirect_vreg.gather @!p1 [hbm4b:s1+s0], $0x80, v3, vm1, $0xb8;
	[tilespmem:$0x1B400] =	vst v63  }
0x2ed: {  	s4 =	simm.s32 @!p1 $0xB400  }
0x2ee: {  	[tilespmem:s4], [sflag:$0x4] =	stream.indirect_vreg.gather @!p1 [hbm4b:s16+s0], $0x80, v3, vm1, $0xb8;
	[tilespmem:$0x1B400] =	vst v63  }
0x2ef: {  	s4 =	simm.s32 @!p1 $0xBC00  }
0x2f0: {  	[tilespmem:s4], [sflag:$0x4] =	stream.indirect_vreg.gather @!p1 [hbm4b:s17+s0], $0x80, v3, vm1, $0xb8;
	[tilespmem:$0x1B400] =	vst v63  }
0x2f1: {  	_ =	swait.ge [sflag:s31], $0x3000  }
0x2f2: {  	s13 =	simm.s32 $0x0;
	[sflag:s31] =	ssyncset.done $0x0  }
0x2f3: {  	s18 =	simm.s32 $0x0;
	s0 =	simm.s32 $0x0;
	[sflag:s31] =	ssyncadd.s32 $0xFFFFD000  }
.LBB2_31:
0x2f4: {  	s4 =	sshrl.u32 s18, $0x3  }
0x2f5: {  	s9 =	sand.u32 $0x7, s13;
	s8 =	smul.u32 $0x6000, s4  }
0x2f6: {  	s9 =	sshll.u32 s9, $0x9  }
0x2f7: {  	s8 =	sor.u32 s9, s8  }
0x2f8: {  	s8 =	sshra.s32 s8, $0x2  }
0x2f9: {  	s9 =	sadd.s32 $0x15400, s8  }
0x2fa: {  	v4 =	vld [tilespmem:s9+$0x70]  }
0x2fb: {  	s12 =	sshll.u32 s18, $0x7;
	v6 =	vld [tilespmem:s9+$0x0]  }
0x2fc: {  	s12 =	sand.u32 $0x380, s12;
	s4 =	smul.u32 $0x3000, s4;
	v7 =	vld [tilespmem:s9+$0x10]  }
0x2fd: {  	v3 =	vmov s12;
	v8 =	vld [tilespmem:s9+$0x20]  }
0x2fe: {  	s4 =	sshra.s32 s4, $0x2;
	v9 =	vld [tilespmem:s9+$0x30]  }
0x2ff: {  	s14 =	simm.s32 $0x0;
	s15 =	sand.u32 $0xC00, s0;
	s20 =	sadd.s32 $0x19C00, s4;
	v10 =	vld [tilespmem:s9+$0x40]  }
0x300: {  	s4 =	sand.u32 $0x40, s14;
	s21 =	sadd.s32 s15, s20;
	v11 =	vld [tilespmem:s9+$0x50]  }
0x301: {  	s4 =	sadd.s32 s4, s21;
	v12 =	vld [tilespmem:s9+$0x60]  }
0x302: {  	v5 =	vld.idx.msk [tilespmem:v3+s4+$0x30 ss:$0x1], $0xffff  }
0x303: {  	s23 =	simm.s32 $0x200;
	v13 =	vld.idx.msk [tilespmem:v3+s4+$0x0 ss:$0x1], $0xffff  }
0x304: {  	s15 =	simm.s32 $0x40;
	s8 =	sand.u32 $0xC00, s23;
	v14 =	vld.idx.msk [tilespmem:v3+s4+$0x10 ss:$0x1], $0xffff  }
0x305: {  	s25 =	sand.u32 $0x40, s15;
	s14 =	sadd.s32 s8, s20;
	s8 =	sadd.s32 $0x400, s9;
	v15 =	vld.idx.msk [tilespmem:v3+s4+$0x20 ss:$0x1], $0xffff;
	v4 =	vmul.f32 $2.771281240e+01, v4;
	v6 =	vmul.f32 $2.771281240e+01, v6  }
0x306: {  	s14 =	sadd.s32 s25, s14;
	v18 =	vld [tilespmem:s8+$0x70];
	v17 =	vmul.f32 $2.771281240e+01, v7;
	v19 =	vmul.f32 $2.771281240e+01, v8  }
0x307: {  	v20 =	vld.idx.msk [tilespmem:v3+s14+$0x30 ss:$0x1], $0xffff;
	v7 =	vmul.f32 $2.771281240e+01, v12;
	v16 =	vshll.u32 v5, $0x10;
	v5 =	vand.u32 $0xFFFF0000, v5  }
0x308: {  	v8 =	vshll.u32 v13, $0x10;
	v4 =	vadd.f32 v5, v4;
	v5 =	vmul.f32 $2.771281240e+01, v9;
	v9 =	vld [tilespmem:s8+$0x0]  }
0x309: {  	v21 =	vmul.f32 $2.771281240e+01, v10;
	v22 =	vmul.f32 $2.771281240e+01, v11;
	v11 =	vld [tilespmem:s8+$0x10];
	v6 =	vadd.f32 v8, v6  }
0x30a: {  	v12 =	vshll.u32 v14, $0x10;
	v23 =	vand.u32 $0xFFFF0000, v15;
	v10 =	vadd.f32 v16, v7;
	v16 =	vld [tilespmem:s8+$0x20];
	[tilespmem:s9+$0x70] =	vst v4  }
0x30b: {  	v7 =	vld [tilespmem:s8+$0x30];
	v4 =	vand.u32 $0xFFFF0000, v13;
	v13 =	vand.u32 $0xFFFF0000, v14;
	[tilespmem:s9+$0x0] =	vst v6;
	v6 =	vadd.f32 v12, v19  }
0x30c: {  	v8 =	vld [tilespmem:s8+$0x40];
	[tilespmem:s9+$0x60] =	vst v10;
	v14 =	vadd.f32 v4, v17;
	v17 =	vshll.u32 v15, $0x10;
	v15 =	vmul.f32 $2.771281240e+01, v18  }
0x30d: {  	v63 =	vadd.f32 v13, v5;
	v13 =	vand.u32 $0xFFFF0000, v20;
	[tilespmem:s9+$0x20] =	vst v6;
	v4 =	vmul.f32 $2.771281240e+01, v9;
	v9 =	vld [tilespmem:s8+$0x50]  }
0x30e: {  	v10 =	vshll.u32 v20, $0x10;
	v12 =	vld [tilespmem:s8+$0x60];
	v5 =	vmul.f32 $2.771281240e+01, v11;
	[tilespmem:s9+$0x10] =	vst v14;
	v15 =	vadd.f32 v13, v15  }
0x30f: {  	s21 =	simm.s32 $0x400;
	s12 =	smov.u32 s8;
	v11 =	vld.idx.msk [tilespmem:v3+s14+$0x0 ss:$0x1], $0xffff;
	v13 =	vadd.f32 v17, v21;
	v6 =	vmul.f32 $2.771281240e+01, v16;
	[tilespmem:s9+$0x30] =	vst v63;
	v14 =	vadd.f32 v23, v22  }
.LBB2_32:
0x310: {  	s15 =	sadd.s32 $0x40, s15;
	s4 =	sand.u32 $0xC00, s21;
	v16 =	vld.idx.msk [tilespmem:v3+s14+$0x10 ss:$0x1], $0xffff;
	v17 =	vmul.f32 $2.771281240e+01, v7;
	[tilespmem:s8+$0x70] =	vst v15  }
0x311: {  	s8 =	sadd.s32 $0x400, s8;
	s23 =	sand.u32 $0x40, s15;
	s4 =	sadd.s32 s4, s20;
	v15 =	vld.idx.msk [tilespmem:v3+s14+$0x20 ss:$0x1], $0xffff;
	v18 =	vmul.f32 $2.771281240e+01, v8;
	[tilespmem:s9+$0x40] =	vst v13  }
0x312: {  	p1 =	slt.u32 s15, $0x140;
	s14 =	sadd.s32 s23, s4;
	v13 =	vld [tilespmem:s8+$0x70];
	v19 =	vmul.f32 $2.771281240e+01, v9;
	[tilespmem:s9+$0x50] =	vst v14;
	s9 =	smov.u32 s12  }
0x313: {  	s12 =	smov.u32 s8;
	v14 =	vld.idx.msk [tilespmem:v3+s14+$0x30 ss:$0x1], $0xffff;
	v7 =	vmul.f32 $2.771281240e+01, v12  }
0x314: {  	v9 =	vld [tilespmem:s8+$0x0]  }
0x315: {  	v8 =	vshll.u32 v11, $0x10;
	v11 =	vand.u32 $0xFFFF0000, v11;
	v12 =	vld [tilespmem:s8+$0x10];
	v10 =	vadd.f32 v10, v7  }
0x316: {  	v4 =	vadd.f32 v8, v4;
	v21 =	vshll.u32 v16, $0x10;
	v16 =	vand.u32 $0xFFFF0000, v16;
	v20 =	vld [tilespmem:s8+$0x20]  }
.Ltmp16:
0x317: {  	v5 =	vadd.f32 v11, v5;
	v11 =	vshll.u32 v15, $0x10;
	v22 =	vand.u32 $0xFFFF0000, v15;
	v7 =	vld [tilespmem:s8+$0x30];
	[tilespmem:s9+$0x60] =	vst v10;
	(pc) =	sbr.rel @p1 .LBB2_32-.Ltmp16, $4  }
0x318: {  	v6 =	vadd.f32 v21, v6;
	v16 =	vadd.f32 v16, v17;
	v13 =	vmul.f32 $2.771281240e+01, v13;
	v8 =	vld [tilespmem:s8+$0x40];
	[tilespmem:s9+$0x0] =	vst v4  }
0x319: {  	v10 =	vshll.u32 v14, $0x10;
	v14 =	vand.u32 $0xFFFF0000, v14;
	v4 =	vmul.f32 $2.771281240e+01, v9;
	v9 =	vld [tilespmem:s8+$0x50];
	[tilespmem:s9+$0x10] =	vst v5  }
0x31a: {  	v15 =	vadd.f32 v14, v13;
	v13 =	vadd.f32 v11, v18;
	v5 =	vmul.f32 $2.771281240e+01, v12;
	v12 =	vld [tilespmem:s8+$0x60];
	[tilespmem:s9+$0x20] =	vst v6  }
0x31b: {  	s21 =	sadd.s32 $0x200, s21;
	v14 =	vadd.f32 v22, v19;
	v11 =	vld.idx.msk [tilespmem:v3+s14+$0x0 ss:$0x1], $0xffff;
	v6 =	vmul.f32 $2.771281240e+01, v20;
	[tilespmem:s9+$0x30] =	vst v16  }
0x31c: {  	_ =	sdelay $0x3  }
0x31d: {  	v16 =	vld.idx.msk [tilespmem:v3+s14+$0x10 ss:$0x1], $0xffff  }
0x31e: {  	v12 =	vmul.f32 $2.771281240e+01, v12  }
0x31f: {  	[tilespmem:s8+$0x70] =	vst v15;
	v3 =	vld.idx.msk [tilespmem:v3+s14+$0x20 ss:$0x1], $0xffff  }
0x320: {  	[tilespmem:s9+$0x40] =	vst v13;
	v56 =	vshll.u32 v11, $0x10;
	v10 =	vadd.f32 v10, v12  }
0x321: {  	[tilespmem:s9+$0x50] =	vst v14;
	v57 =	vand.u32 $0xFFFF0000, v11;
	v4 =	vadd.f32 v56, v4  }
0x322: {  	v7 =	vmul.f32 $2.771281240e+01, v7;
	s18 =	sadd.s32 $0x1, s18;
	v58 =	vshll.u32 v16, $0x10;
	v5 =	vadd.f32 v57, v5;
	[tilespmem:s12+$0x60] =	vst v10  }
0x323: {  	v8 =	vmul.f32 $2.771281240e+01, v8;
	p1 =	sne.s32 s18, $0x10;
	v59 =	vand.u32 $0xFFFF0000, v16;
	v60 =	vadd.f32 v58, v6;
	[tilespmem:s12+$0x0] =	vst v4  }
.Ltmp17:
0x324: {  	v61 =	vmul.f32 $2.771281240e+01, v9;
	v62 =	vshll.u32 v3, $0x10;
	v7 =	vadd.f32 v59, v7;
	[tilespmem:s12+$0x10] =	vst v5;
	(pc) =	sbr.rel @p1 .LBB2_31-.Ltmp17, $4  }
0x325: {  	v3 =	vand.u32 $0xFFFF0000, v3;
	v63 =	vadd.f32 v62, v8;
	[tilespmem:s12+$0x20] =	vst v60  }
0x326: {  	v3 =	vadd.f32 v3, v61;
	[tilespmem:s12+$0x30] =	vst v7  }
0x327: {  	[tilespmem:s12+$0x40] =	vst v63  }
0x328: {  	s13 =	sadd.s32 $0x1, s13;
	[tilespmem:s12+$0x50] =	vst v3  }
0x329: {  	s0 =	sor.u32 s11, s30  }
.Ltmp18:
0x32a: {  	s0 =	sshrl.u32 s0, $0x3;
	(pc) =	sbr.rel @p0 .LBB2_36-.Ltmp18, $3  }
0x32b: {  	s0 =	smul.u32 $0x300, s0;
	_ =	sdelay $0x1  }
0x32c: {  	s4 =	simm.s32 $0x15400;
	s0 =	sadd.s32 s2, s0  }
0x32d: {  	[hbm4b:s0+s3] =	stream.linear.scatter [tilespmem:s4], [sflag:$0x10], $0x3000, $0x38;
	[tilespmem:$0x1B400] =	vst v63  }
0x32e: {  	s0 =	rddreg [dreg:$0xb]  }
0x32f: {  	s0 =	sadd.s32 s19, s0  }
.Ltmp19:
0x330: {  	s0 =	sshrl.u32 s0, $0x3;
	(pc) =	sbr.rel .LBB2_2-.Ltmp19, $3  }
0x331: {  	s0 =	smul.u32 $0x180, s0;
	_ =	sdelay $0x1  }
0x332: {  	s4 =	simm.s32 $0x19C00;
	s29 =	sadd.s32 $0x1, s29;
	s0 =	sadd.s32 s5, s0  }
0x333: {  	[tilespmem:s4], [sflag:$0x12] =	stream.linear.gather [hbm4b:s0+s3], $0x1800, $0x38;
	[tilespmem:$0x1B400] =	vst v63  }
.LBB2_37:
0x334: {  	_ =	sfence.sel $0x180000  }
0x335: {  	[bflag:$0x0] =	sbarrier.arrive $0xFFFF  }
0x336: {  	_ =	strace $0x90000047  }
0x337: {  	s0 =	stileid.u32;
	[bflag:$0x2] =	sbarrier.arrive $0xFFFF  }
0x338: {  	p0 =	sne.s32 s0, $0x0;
	s0 =	rddreg [dreg:$0x3]  }
0x339: {  	s0 =	sadd.s32 @!p0 $0x100000, s0  }
0x33a: {  	[sflag:s0] =	ssyncadd.tile.s32 @!p0 $0x1;
	_ =	shalt  }
.Lfunc_end2:
_tile_overlayer_lowered:
.L_overlay_start_2:
0x33b: {  	(tag) =	ssettag $0x2  }
0x33c: {  	s0 =	rddreg [dreg:$0x0];
	s2 =	stileid.u32  }
0x33d: {  	s1 =	rddreg [dreg:$0x1];
	p0 =	sne.s32 s2, $0x0  }
0x33e: {  	s3 =	rddreg [dreg:$0x2];
	[bflag:$0x3] =	sbarrier.arrive $0xFFFF;
	s2 =	simm.s32 @!p0 $0x1C13  }
0x33f: {  	[timem:s3], [sflag:s2] =	dma.local @!p0 [hbm:s0], s1  }
0x340: {  	s0 =	simm.s32 @!p0 $0x13  }
0x341: {  	_ =	swait.ge @!p0 [sflag:s0], s1  }
0x342: {  	s1 =	ssub.s32 @!p0 $0x0, s1;
	[sflag:s0] =	ssyncset.done @!p0 $0x0  }
0x343: {  	[sflag:s0] =	ssyncadd.s32 @!p0 s1  }
0x344: {  	[bflag:$0x3] =	sbarrier.arrive $0xFFFF  }
0x345: {  	_ =	shalt  }

</sc_bundles>
